<compile_context>
chip_gen: v7x
topology: tpu7x:2x2x1
jax: 0.10.2.dev20260603
libtpu: 0.0.44.dev20260713+nightly
codegen_flags: <defaults>
</compile_context>

<pallas_src>
import functools

import jax
import jax.numpy as jnp
from jax import lax
from jax.experimental import pallas as pl
from jax.experimental.pallas import tpu as pltpu
from jax.experimental.pallas import tpu_sc as plsc

N = 10000
E = 320000
D_IN = 128
D_H = 128
D_OUT = 64

NC = 2
NS = 16
NT = NC * NS
K = 40
EPT = E // NT
NCHUNK = EPT // K
NP = 10016
RPT = NP // NS
HL = 16
NB = 6
ROUNDS = -(-NCHUNK // NB)
KH = 80
NCHUNK_H = EPT // KH


def _hist_body(srcr_hbm, dstr_hbm, out_hbm, src_v, dst_v, ones_v, zero_v,
               ha_sh, hb_sh, sem):
    c = lax.axis_index("c")
    s = lax.axis_index("s")

    pltpu.sync_copy(srcr_hbm.at[c, s], src_v)
    pltpu.sync_copy(dstr_hbm.at[c, s], dst_v)

    def fill_ones(i, carry):
        ones_v[i, :] = jnp.ones((HL,), jnp.float32)
        return carry

    lax.fori_loop(0, KH, fill_ones, 0)

    def fill_zero(i, carry):
        zero_v[i, :] = jnp.zeros((HL,), jnp.float32)
        return carry

    lax.fori_loop(0, RPT, fill_zero, 0)

    pltpu.sync_copy(zero_v, ha_sh.at[pl.ds(s * RPT, RPT)])
    pltpu.sync_copy(zero_v, hb_sh.at[pl.ds(s * RPT, RPT)])
    plsc.subcore_barrier()

    def body(j, carry):
        pltpu.async_copy(ones_v, ha_sh.at[src_v.at[j]], sem, add=True)
        pltpu.async_copy(ones_v, hb_sh.at[dst_v.at[j]], sem, add=True)
        return carry

    lax.fori_loop(0, NCHUNK_H, body, 0)

    def drain(j, carry):
        pltpu.make_async_copy(ones_v, ha_sh.at[src_v.at[j]], sem).wait()
        pltpu.make_async_copy(ones_v, hb_sh.at[dst_v.at[j]], sem).wait()
        return carry

    lax.fori_loop(0, NCHUNK_H, drain, 0)
    plsc.subcore_barrier()

    pltpu.sync_copy(ha_sh.at[pl.ds(s * RPT, RPT)],
                    out_hbm.at[c, 0, pl.ds(s * RPT, RPT)])
    pltpu.sync_copy(hb_sh.at[pl.ds(s * RPT, RPT)],
                    out_hbm.at[c, 1, pl.ds(s * RPT, RPT)])


def _agg_body(hs_hbm, srcr_hbm, dstr_hbm, zeros_hbm, out_hbm, src_v, dst_v,
              *rest):
    rows = rest[:NB]
    acc_sh = rest[NB]
    gsem = rest[NB + 1:2 * NB + 1]
    ssem = rest[2 * NB + 1:]
    c = lax.axis_index("c")
    s = lax.axis_index("s")

    pltpu.sync_copy(srcr_hbm.at[c, s], src_v)
    pltpu.sync_copy(dstr_hbm.at[c, s], dst_v)
    for b in range(NB):
        pltpu.async_copy(hs_hbm.at[src_v.at[b]], rows[b], gsem[b])

    pltpu.sync_copy(zeros_hbm.at[pl.ds(s * RPT, RPT)],
                    acc_sh.at[pl.ds(s * RPT, RPT)])
    plsc.subcore_barrier()

    def round_body(r, carry):
        for b in range(NB):
            j = r * NB + b

            @pl.when(j < NCHUNK)
            def _():
                pltpu.make_async_copy(hs_hbm.at[src_v.at[j]], rows[b],
                                      gsem[b]).wait()
                pltpu.async_copy(rows[b], acc_sh.at[dst_v.at[j]], ssem[b],
                                 add=True)

        for b in range(NB):
            j = r * NB + b
            jn = j + NB

            @pl.when(j < NCHUNK)
            def _():
                pltpu.make_async_copy(rows[b], acc_sh.at[dst_v.at[j]],
                                      ssem[b]).wait()

            @pl.when(jn < NCHUNK)
            def _():
                pltpu.async_copy(hs_hbm.at[src_v.at[jn]], rows[b], gsem[b])

        return carry

    lax.fori_loop(0, ROUNDS, round_body, 0)
    plsc.subcore_barrier()

    pltpu.sync_copy(acc_sh.at[pl.ds(s * RPT, RPT)],
                    out_hbm.at[c, pl.ds(s * RPT, RPT)])


@functools.cache
def _sc_kernels():
    mesh = plsc.VectorSubcoreMesh(core_axis_name="c", subcore_axis_name="s",
                                  num_cores=NC, num_subcores=NS)
    params = pltpu.CompilerParams(use_tc_tiling_on_sc=False)
    hist = pl.kernel(
        _hist_body,
        out_type=jax.ShapeDtypeStruct((NC, 2, NP, HL), jnp.float32),
        mesh=mesh,
        compiler_params=params,
        scratch_types=[
            pltpu.VMEM((NCHUNK_H, KH), jnp.int32),
            pltpu.VMEM((NCHUNK_H, KH), jnp.int32),
            pltpu.VMEM((KH, HL), jnp.float32),
            pltpu.VMEM((RPT, HL), jnp.float32),
            pltpu.VMEM_SHARED((NP, HL), jnp.float32),
            pltpu.VMEM_SHARED((NP, HL), jnp.float32),
            pltpu.SemaphoreType.DMA,
        ],
    )
    agg = pl.kernel(
        _agg_body,
        out_type=jax.ShapeDtypeStruct((NC, NP, D_H), jnp.float32),
        mesh=mesh,
        compiler_params=params,
        scratch_types=[
            pltpu.VMEM((NCHUNK, K), jnp.int32),
            pltpu.VMEM((NCHUNK, K), jnp.int32),
        ] + [pltpu.VMEM((K, D_H), jnp.float32) for _ in range(NB)] + [
            pltpu.VMEM_SHARED((NP, D_H), jnp.float32),
        ] + [pltpu.SemaphoreType.DMA for _ in range(2 * NB)],
    )
    return hist, agg


_BR = 2504
_GRID = NP // _BR


def _norms(degs):
    deg_out = jnp.sum(degs[:, 0, :, 0], axis=0)
    deg_in = jnp.sum(degs[:, 1, :, 0], axis=0)
    ns = lax.rsqrt(jnp.maximum(deg_out, 1.0))
    nd = lax.rsqrt(jnp.maximum(deg_in, 1.0))
    return ns, nd


def _mm1u_body(x_ref, w_ref, out_ref):
    out_ref[...] = jnp.dot(x_ref[...], w_ref[...],
                           preferred_element_type=jnp.float32)


def _mm1u(x, w):
    return pl.pallas_call(
        _mm1u_body,
        grid=(_GRID,),
        in_specs=[
            pl.BlockSpec((_BR, D_IN), lambda i: (i, 0)),
            pl.BlockSpec((D_IN, D_H), lambda i: (0, 0)),
        ],
        out_specs=pl.BlockSpec((_BR, D_H), lambda i: (i, 0)),
        out_shape=jax.ShapeDtypeStruct((NP, D_H), jnp.float32),
    )(x, w)


def _scale_body(h_ref, degs_ref, out_ref, norms_ref):
    ns, nd = _norms(degs_ref[...])
    out_ref[...] = h_ref[...] * ns[:, None]
    norms_ref[...] = jnp.concatenate(
        [ns[:, None], nd[:, None], jnp.zeros((ns.shape[0], 6), jnp.float32)],
        axis=1)


def _scale(h, degs):
    return pl.pallas_call(
        _scale_body,
        grid=(_GRID,),
        in_specs=[
            pl.BlockSpec((_BR, D_H), lambda i: (i, 0)),
            pl.BlockSpec((NC, 2, _BR, HL), lambda i: (0, 0, i, 0)),
        ],
        out_specs=[
            pl.BlockSpec((_BR, D_H), lambda i: (i, 0)),
            pl.BlockSpec((_BR, 8), lambda i: (i, 0)),
        ],
        out_shape=[
            jax.ShapeDtypeStruct((NP, D_H), jnp.float32),
            jax.ShapeDtypeStruct((NP, 8), jnp.float32),
        ],
    )(h, degs)


def _mid_body(agg_ref, norms_ref, b_ref, w_ref, out_ref):
    ns = norms_ref[:, 0]
    nd = norms_ref[:, 1]
    a = agg_ref[0] + agg_ref[1]
    h = jnp.maximum(a * nd[:, None] + b_ref[...], 0.0)
    out_ref[...] = jnp.dot(h * ns[:, None], w_ref[...],
                           preferred_element_type=jnp.float32)


def _mid(agg, norms, b, w):
    return pl.pallas_call(
        _mid_body,
        grid=(_GRID,),
        in_specs=[
            pl.BlockSpec((NC, _BR, D_H), lambda i: (0, i, 0)),
            pl.BlockSpec((_BR, 8), lambda i: (i, 0)),
            pl.BlockSpec((1, D_H), lambda i: (0, 0)),
            pl.BlockSpec((D_H, D_H), lambda i: (0, 0)),
        ],
        out_specs=pl.BlockSpec((_BR, D_H), lambda i: (i, 0)),
        out_shape=jax.ShapeDtypeStruct((NP, D_H), jnp.float32),
    )(agg, norms, b, w)


def _fin_body(agg_ref, norms_ref, b_ref, wc_ref, bc_ref, out_ref):
    nd = norms_ref[:, 1]
    a = agg_ref[0] + agg_ref[1]
    h = jnp.maximum(a * nd[:, None] + b_ref[...], 0.0)
    out_ref[...] = jnp.dot(h, wc_ref[...],
                           preferred_element_type=jnp.float32) + bc_ref[...]


def _fin(agg, norms, b, wc, bc):
    return pl.pallas_call(
        _fin_body,
        grid=(_GRID,),
        in_specs=[
            pl.BlockSpec((NC, _BR, D_H), lambda i: (0, i, 0)),
            pl.BlockSpec((_BR, 8), lambda i: (i, 0)),
            pl.BlockSpec((1, D_H), lambda i: (0, 0)),
            pl.BlockSpec((D_H, D_OUT), lambda i: (0, 0)),
            pl.BlockSpec((1, D_OUT), lambda i: (0, 0)),
        ],
        out_specs=pl.BlockSpec((_BR, D_OUT), lambda i: (i, 0)),
        out_shape=jax.ShapeDtypeStruct((NP, D_OUT), jnp.float32),
    )(agg, norms, b, wc, bc)


def kernel(x, edge_index, W1, b1, W2, b2, Wc, bc):
    src = edge_index[0].astype(jnp.int32)
    dst = edge_index[1].astype(jnp.int32)
    srcr = src.reshape(NC, NS, NCHUNK, K)
    dstr = dst.reshape(NC, NS, NCHUNK, K)
    srcr_h = src.reshape(NC, NS, NCHUNK_H, KH)
    dstr_h = dst.reshape(NC, NS, NCHUNK_H, KH)
    xp = jnp.pad(x, ((0, NP - N), (0, 0)))
    zeros = jnp.zeros((NP, D_H), jnp.float32)

    hist_kernel, agg_kernel = _sc_kernels()
    degs = hist_kernel(srcr_h, dstr_h)
    h1u = _mm1u(xp, W1)
    hs1, norms = _scale(h1u, degs)
    agg1 = agg_kernel(hs1, srcr, dstr, zeros)
    hs2 = _mid(agg1, norms, b1.reshape(1, D_H), W2)
    agg2 = agg_kernel(hs2, srcr, dstr, zeros)
    return _fin(agg2, norms, b2.reshape(1, D_H), Wc, bc.reshape(1, D_OUT))[:N]

# --- scband reference (transcript-rebuilt; emitter-appended) ---
"""Pipeline reference for scband-gcn-22385369547105 (READ-ONLY COPY).

The authoritative reference and input builder live on the scoring server;
editing this copy changes nothing except your own understanding.
"""

import jax, jax.numpy as jnp
import numpy as np

N = 10000
E = 320000
D_IN = 128
D_H = 128
D_OUT = 64


def setup_inputs(seed: int = 0) -> dict:
    key = jax.random.key(seed)
    ks = jax.random.split(key, 10)
    x = jax.random.normal(ks[0], (N, D_IN), dtype=jnp.float32)
    edge_index = jax.random.randint(ks[1], (2, E), 0, N)
    W1 = jax.random.normal(ks[2], (D_IN, D_H), dtype=jnp.float32) * 0.05
    b1 = jnp.zeros((D_H,), dtype=jnp.float32)
    W2 = jax.random.normal(ks[3], (D_H, D_H), dtype=jnp.float32) * 0.05
    b2 = jnp.zeros((D_H,), dtype=jnp.float32)
    Wc = jax.random.normal(ks[4], (D_H, D_OUT), dtype=jnp.float32) * 0.05
    bc = jnp.zeros((D_OUT,), dtype=jnp.float32)
    return {"x": x, "edge_index": edge_index, "W1": W1, "b1": b1, "W2": W2, "b2": b2, "Wc": Wc, "bc": bc}


def _gcn_layer(x, src, dst, W, b):
    # DGL GraphConv with norm='both': D_out^{-1/2} A D_in^{-1/2} X W + b, then ReLU
    n = x.shape[0]
    ones = jnp.ones((src.shape[0],), dtype=x.dtype)
    deg_out = jax.ops.segment_sum(ones, src, num_segments=n)
    deg_in = jax.ops.segment_sum(ones, dst, num_segments=n)
    norm_src = jax.lax.rsqrt(jnp.maximum(deg_out, 1.0))
    norm_dst = jax.lax.rsqrt(jnp.maximum(deg_in, 1.0))
    h = x @ W
    m = h[src] * norm_src[src][:, None]
    agg = jax.ops.segment_sum(m, dst, num_segments=n)
    out = agg * norm_dst[:, None] + b
    return jax.nn.relu(out)


def reference(x, edge_index, W1, b1, W2, b2, Wc, bc):
    src = edge_index[0]
    dst = edge_index[1]
    h = _gcn_layer(x, src, dst, W1, b1)
    h = _gcn_layer(h, src, dst, W2, b2)
    return h @ Wc + bc

if __name__ == "__main__":
    import jax
    _d = setup_inputs()
    print(jax.jit(kernel)(*tuple(_d.values())))

</pallas_src>

<mosaic_0001>
#map = affine_map<(d0, d1) -> (0, 0)>
#map1 = affine_map<(d0, d1) -> (0, 0, 0, 0)>
#map2 = affine_map<(d0, d1) -> (0, 0, 0)>
module attributes {stable_mosaic.version = 14 : i64} {
  func.func @_agg_body(%arg0: i32, %arg1: i32, %arg2: memref<10016x128xf32, #tpu.memory_space<hbm>>, %arg3: memref<2x16x250x40xi32, #tpu.memory_space<hbm>>, %arg4: memref<2x16x250x40xi32, #tpu.memory_space<hbm>>, %arg5: memref<10016x128xf32, #tpu.memory_space<hbm>>, %arg6: memref<2x10016x128xf32, #tpu.memory_space<hbm>>, %arg7: memref<250x40xi32, #tpu.memory_space<vmem>>, %arg8: memref<250x40xi32, #tpu.memory_space<vmem>>, %arg9: memref<40x128xf32, #tpu.memory_space<vmem>>, %arg10: memref<40x128xf32, #tpu.memory_space<vmem>>, %arg11: memref<40x128xf32, #tpu.memory_space<vmem>>, %arg12: memref<40x128xf32, #tpu.memory_space<vmem>>, %arg13: memref<40x128xf32, #tpu.memory_space<vmem>>, %arg14: memref<40x128xf32, #tpu.memory_space<vmem>>, %arg15: memref<10016x128xf32, #tpu.memory_space<vmem_shared>>, %arg16: memref<!tpu.dma_semaphore, #tpu.memory_space<semaphore_mem>>, %arg17: memref<!tpu.dma_semaphore, #tpu.memory_space<semaphore_mem>>, %arg18: memref<!tpu.dma_semaphore, #tpu.memory_space<semaphore_mem>>, %arg19: memref<!tpu.dma_semaphore, #tpu.memory_space<semaphore_mem>>, %arg20: memref<!tpu.dma_semaphore, #tpu.memory_space<semaphore_mem>>, %arg21: memref<!tpu.dma_semaphore, #tpu.memory_space<semaphore_mem>>, %arg22: memref<!tpu.dma_semaphore, #tpu.memory_space<semaphore_mem>>, %arg23: memref<!tpu.dma_semaphore, #tpu.memory_space<semaphore_mem>>, %arg24: memref<!tpu.dma_semaphore, #tpu.memory_space<semaphore_mem>>, %arg25: memref<!tpu.dma_semaphore, #tpu.memory_space<semaphore_mem>>, %arg26: memref<!tpu.dma_semaphore, #tpu.memory_space<semaphore_mem>>, %arg27: memref<!tpu.dma_semaphore, #tpu.memory_space<semaphore_mem>>) attributes {dimension_semantics = [#tpu.dimension_semantics<core_parallel>, #tpu.dimension_semantics<subcore_parallel>], iteration_bounds = array<i64: 2, 16>, scalar_prefetch = 0 : i64, scratch_operands = 21 : i64, tpu.core_type = #tpu.core_type<sc_vector_subcore>, window_params = [{transform_indices = #map}, {transform_indices = #map1}, {transform_indices = #map1}, {transform_indices = #map}, {transform_indices = #map2}]} {
    "tpu.region"() ({
      %run_scoped3A = tpu.sem_alloc : memref<!tpu.dma_semaphore, #tpu.memory_space<semaphore_mem>>
      %dma_start3A_54 = arith.constant 0 : i32
      %dma_start3A_55 = arith.constant 0 : i32
      %dma_start3A_56 = tpu.memref_slice %arg3[%arg0, %arg1, %dma_start3A_54, %dma_start3A_55] : memref<2x16x250x40xi32, #tpu.memory_space<hbm>> -> memref<1x1x250x40xi32, #tpu.memory_space<hbm>>
      %dma_start3A_57 = tpu.memref_squeeze %dma_start3A_56 : memref<1x1x250x40xi32, #tpu.memory_space<hbm>> -> memref<250x40xi32, #tpu.memory_space<hbm>>
      %dma_start3A_58 = arith.constant 0 : i32
      %dma_start3A_59 = arith.constant 0 : i32
      %dma_start3A_60 = tpu.memref_slice %arg3[%arg0, %arg1, %dma_start3A_58, %dma_start3A_59] : memref<2x16x250x40xi32, #tpu.memory_space<hbm>> -> memref<1x1x250x40xi32, #tpu.memory_space<hbm>>
      %dma_start3A_61 = tpu.memref_squeeze %dma_start3A_60 : memref<1x1x250x40xi32, #tpu.memory_space<hbm>> -> memref<250x40xi32, #tpu.memory_space<hbm>>
      tpu.enqueue_dma source(%dma_start3A_61 : memref<250x40xi32, #tpu.memory_space<hbm>>) target(%arg7 : memref<250x40xi32, #tpu.memory_space<vmem>>) target_semaphore(%run_scoped3A : memref<!tpu.dma_semaphore, #tpu.memory_space<semaphore_mem>>)
      %dma_wait3A = arith.constant 0 : i32
      %dma_wait3A_62 = arith.constant 0 : i32
      %dma_wait3A_63 = tpu.memref_slice %arg3[%arg0, %arg1, %dma_wait3A, %dma_wait3A_62] : memref<2x16x250x40xi32, #tpu.memory_space<hbm>> -> memref<1x1x250x40xi32, #tpu.memory_space<hbm>>
      %dma_wait3A_64 = tpu.memref_squeeze %dma_wait3A_63 : memref<1x1x250x40xi32, #tpu.memory_space<hbm>> -> memref<250x40xi32, #tpu.memory_space<hbm>>
      %dma_wait3A_65 = arith.constant 0 : i32
      %dma_wait3A_66 = arith.constant 0 : i32
      %dma_wait3A_67 = tpu.memref_slice %arg3[%arg0, %arg1, %dma_wait3A_65, %dma_wait3A_66] : memref<2x16x250x40xi32, #tpu.memory_space<hbm>> -> memref<1x1x250x40xi32, #tpu.memory_space<hbm>>
      %dma_wait3A_68 = tpu.memref_squeeze %dma_wait3A_67 : memref<1x1x250x40xi32, #tpu.memory_space<hbm>> -> memref<250x40xi32, #tpu.memory_space<hbm>>
      tpu.wait_dma2 semaphore(%run_scoped3A : memref<!tpu.dma_semaphore, #tpu.memory_space<semaphore_mem>>) src(%dma_wait3A_68 : memref<250x40xi32, #tpu.memory_space<hbm>>) dst(%arg7 : memref<250x40xi32, #tpu.memory_space<vmem>>)
      tpu.yield
    }) : () -> ()
    "tpu.region"() ({
      %run_scoped3A = tpu.sem_alloc : memref<!tpu.dma_semaphore, #tpu.memory_space<semaphore_mem>>
      %dma_start3A_54 = arith.constant 0 : i32
      %dma_start3A_55 = arith.constant 0 : i32
      %dma_start3A_56 = tpu.memref_slice %arg4[%arg0, %arg1, %dma_start3A_54, %dma_start3A_55] : memref<2x16x250x40xi32, #tpu.memory_space<hbm>> -> memref<1x1x250x40xi32, #tpu.memory_space<hbm>>
      %dma_start3A_57 = tpu.memref_squeeze %dma_start3A_56 : memref<1x1x250x40xi32, #tpu.memory_space<hbm>> -> memref<250x40xi32, #tpu.memory_space<hbm>>
      %dma_start3A_58 = arith.constant 0 : i32
      %dma_start3A_59 = arith.constant 0 : i32
      %dma_start3A_60 = tpu.memref_slice %arg4[%arg0, %arg1, %dma_start3A_58, %dma_start3A_59] : memref<2x16x250x40xi32, #tpu.memory_space<hbm>> -> memref<1x1x250x40xi32, #tpu.memory_space<hbm>>
      %dma_start3A_61 = tpu.memref_squeeze %dma_start3A_60 : memref<1x1x250x40xi32, #tpu.memory_space<hbm>> -> memref<250x40xi32, #tpu.memory_space<hbm>>
      tpu.enqueue_dma source(%dma_start3A_61 : memref<250x40xi32, #tpu.memory_space<hbm>>) target(%arg8 : memref<250x40xi32, #tpu.memory_space<vmem>>) target_semaphore(%run_scoped3A : memref<!tpu.dma_semaphore, #tpu.memory_space<semaphore_mem>>)
      %dma_wait3A = arith.constant 0 : i32
      %dma_wait3A_62 = arith.constant 0 : i32
      %dma_wait3A_63 = tpu.memref_slice %arg4[%arg0, %arg1, %dma_wait3A, %dma_wait3A_62] : memref<2x16x250x40xi32, #tpu.memory_space<hbm>> -> memref<1x1x250x40xi32, #tpu.memory_space<hbm>>
      %dma_wait3A_64 = tpu.memref_squeeze %dma_wait3A_63 : memref<1x1x250x40xi32, #tpu.memory_space<hbm>> -> memref<250x40xi32, #tpu.memory_space<hbm>>
      %dma_wait3A_65 = arith.constant 0 : i32
      %dma_wait3A_66 = arith.constant 0 : i32
      %dma_wait3A_67 = tpu.memref_slice %arg4[%arg0, %arg1, %dma_wait3A_65, %dma_wait3A_66] : memref<2x16x250x40xi32, #tpu.memory_space<hbm>> -> memref<1x1x250x40xi32, #tpu.memory_space<hbm>>
      %dma_wait3A_68 = tpu.memref_squeeze %dma_wait3A_67 : memref<1x1x250x40xi32, #tpu.memory_space<hbm>> -> memref<250x40xi32, #tpu.memory_space<hbm>>
      tpu.wait_dma2 semaphore(%run_scoped3A : memref<!tpu.dma_semaphore, #tpu.memory_space<semaphore_mem>>) src(%dma_wait3A_68 : memref<250x40xi32, #tpu.memory_space<hbm>>) dst(%arg8 : memref<250x40xi32, #tpu.memory_space<vmem>>)
      tpu.yield
    }) : () -> ()
    %dma_start3A = arith.constant 0 : i32
    %dma_start3A_0 = arith.constant 0 : i32
    %dma_start3A_1 = tpu.memref_slice %arg7[%dma_start3A, %dma_start3A_0] : memref<250x40xi32, #tpu.memory_space<vmem>> -> memref<1x40xi32, #tpu.memory_space<vmem>>
    %dma_start3A_2 = tpu.memref_squeeze %dma_start3A_1 : memref<1x40xi32, #tpu.memory_space<vmem>> -> memref<40xi32, #tpu.memory_space<vmem>>
    %dma_start3A_3 = arith.constant 0 : i32
    %dma_start3A_4 = arith.constant 0 : i32
    %dma_start3A_5 = tpu.memref_slice %arg2[%dma_start3A_3, %dma_start3A_4] : memref<10016x128xf32, #tpu.memory_space<hbm>> -> memref<10016x128xf32, #tpu.memory_space<hbm>>
    tpu.enqueue_indirect_dma source(%dma_start3A_5 : memref<10016x128xf32, #tpu.memory_space<hbm>>) target(%arg9 : memref<40x128xf32, #tpu.memory_space<vmem>>) offsets(%dma_start3A_2 : memref<40xi32, #tpu.memory_space<vmem>>) semaphore(%arg16 : memref<!tpu.dma_semaphore, #tpu.memory_space<semaphore_mem>>)
    %dma_start3A_6 = arith.constant 1 : i32
    %dma_start3A_7 = arith.constant 0 : i32
    %dma_start3A_8 = tpu.memref_slice %arg7[%dma_start3A_6, %dma_start3A_7] : memref<250x40xi32, #tpu.memory_space<vmem>> -> memref<1x40xi32, #tpu.memory_space<vmem>>
    %dma_start3A_9 = tpu.memref_squeeze %dma_start3A_8 : memref<1x40xi32, #tpu.memory_space<vmem>> -> memref<40xi32, #tpu.memory_space<vmem>>
    %dma_start3A_10 = arith.constant 0 : i32
    %dma_start3A_11 = arith.constant 0 : i32
    %dma_start3A_12 = tpu.memref_slice %arg2[%dma_start3A_10, %dma_start3A_11] : memref<10016x128xf32, #tpu.memory_space<hbm>> -> memref<10016x128xf32, #tpu.memory_space<hbm>>
    tpu.enqueue_indirect_dma source(%dma_start3A_12 : memref<10016x128xf32, #tpu.memory_space<hbm>>) target(%arg10 : memref<40x128xf32, #tpu.memory_space<vmem>>) offsets(%dma_start3A_9 : memref<40xi32, #tpu.memory_space<vmem>>) semaphore(%arg17 : memref<!tpu.dma_semaphore, #tpu.memory_space<semaphore_mem>>)
    %dma_start3A_13 = arith.constant 2 : i32
    %dma_start3A_14 = arith.constant 0 : i32
    %dma_start3A_15 = tpu.memref_slice %arg7[%dma_start3A_13, %dma_start3A_14] : memref<250x40xi32, #tpu.memory_space<vmem>> -> memref<1x40xi32, #tpu.memory_space<vmem>>
    %dma_start3A_16 = tpu.memref_squeeze %dma_start3A_15 : memref<1x40xi32, #tpu.memory_space<vmem>> -> memref<40xi32, #tpu.memory_space<vmem>>
    %dma_start3A_17 = arith.constant 0 : i32
    %dma_start3A_18 = arith.constant 0 : i32
    %dma_start3A_19 = tpu.memref_slice %arg2[%dma_start3A_17, %dma_start3A_18] : memref<10016x128xf32, #tpu.memory_space<hbm>> -> memref<10016x128xf32, #tpu.memory_space<hbm>>
    tpu.enqueue_indirect_dma source(%dma_start3A_19 : memref<10016x128xf32, #tpu.memory_space<hbm>>) target(%arg11 : memref<40x128xf32, #tpu.memory_space<vmem>>) offsets(%dma_start3A_16 : memref<40xi32, #tpu.memory_space<vmem>>) semaphore(%arg18 : memref<!tpu.dma_semaphore, #tpu.memory_space<semaphore_mem>>)
    %dma_start3A_20 = arith.constant 3 : i32
    %dma_start3A_21 = arith.constant 0 : i32
    %dma_start3A_22 = tpu.memref_slice %arg7[%dma_start3A_20, %dma_start3A_21] : memref<250x40xi32, #tpu.memory_space<vmem>> -> memref<1x40xi32, #tpu.memory_space<vmem>>
    %dma_start3A_23 = tpu.memref_squeeze %dma_start3A_22 : memref<1x40xi32, #tpu.memory_space<vmem>> -> memref<40xi32, #tpu.memory_space<vmem>>
    %dma_start3A_24 = arith.constant 0 : i32
    %dma_start3A_25 = arith.constant 0 : i32
    %dma_start3A_26 = tpu.memref_slice %arg2[%dma_start3A_24, %dma_start3A_25] : memref<10016x128xf32, #tpu.memory_space<hbm>> -> memref<10016x128xf32, #tpu.memory_space<hbm>>
    tpu.enqueue_indirect_dma source(%dma_start3A_26 : memref<10016x128xf32, #tpu.memory_space<hbm>>) target(%arg12 : memref<40x128xf32, #tpu.memory_space<vmem>>) offsets(%dma_start3A_23 : memref<40xi32, #tpu.memory_space<vmem>>) semaphore(%arg19 : memref<!tpu.dma_semaphore, #tpu.memory_space<semaphore_mem>>)
    %dma_start3A_27 = arith.constant 4 : i32
    %dma_start3A_28 = arith.constant 0 : i32
    %dma_start3A_29 = tpu.memref_slice %arg7[%dma_start3A_27, %dma_start3A_28] : memref<250x40xi32, #tpu.memory_space<vmem>> -> memref<1x40xi32, #tpu.memory_space<vmem>>
    %dma_start3A_30 = tpu.memref_squeeze %dma_start3A_29 : memref<1x40xi32, #tpu.memory_space<vmem>> -> memref<40xi32, #tpu.memory_space<vmem>>
    %dma_start3A_31 = arith.constant 0 : i32
    %dma_start3A_32 = arith.constant 0 : i32
    %dma_start3A_33 = tpu.memref_slice %arg2[%dma_start3A_31, %dma_start3A_32] : memref<10016x128xf32, #tpu.memory_space<hbm>> -> memref<10016x128xf32, #tpu.memory_space<hbm>>
    tpu.enqueue_indirect_dma source(%dma_start3A_33 : memref<10016x128xf32, #tpu.memory_space<hbm>>) target(%arg13 : memref<40x128xf32, #tpu.memory_space<vmem>>) offsets(%dma_start3A_30 : memref<40xi32, #tpu.memory_space<vmem>>) semaphore(%arg20 : memref<!tpu.dma_semaphore, #tpu.memory_space<semaphore_mem>>)
    %dma_start3A_34 = arith.constant 5 : i32
    %dma_start3A_35 = arith.constant 0 : i32
    %dma_start3A_36 = tpu.memref_slice %arg7[%dma_start3A_34, %dma_start3A_35] : memref<250x40xi32, #tpu.memory_space<vmem>> -> memref<1x40xi32, #tpu.memory_space<vmem>>
    %dma_start3A_37 = tpu.memref_squeeze %dma_start3A_36 : memref<1x40xi32, #tpu.memory_space<vmem>> -> memref<40xi32, #tpu.memory_space<vmem>>
    %dma_start3A_38 = arith.constant 0 : i32
    %dma_start3A_39 = arith.constant 0 : i32
    %dma_start3A_40 = tpu.memref_slice %arg2[%dma_start3A_38, %dma_start3A_39] : memref<10016x128xf32, #tpu.memory_space<hbm>> -> memref<10016x128xf32, #tpu.memory_space<hbm>>
    tpu.enqueue_indirect_dma source(%dma_start3A_40 : memref<10016x128xf32, #tpu.memory_space<hbm>>) target(%arg14 : memref<40x128xf32, #tpu.memory_space<vmem>>) offsets(%dma_start3A_37 : memref<40xi32, #tpu.memory_space<vmem>>) semaphore(%arg21 : memref<!tpu.dma_semaphore, #tpu.memory_space<semaphore_mem>>)
    %mul3A = arith.constant 626 : i32
    %mul3A_41 = arith.muli %arg1, %mul3A : i32
    %mul3A_42 = arith.constant 626 : i32
    %mul3A_43 = arith.muli %arg1, %mul3A_42 : i32
    "tpu.region"() ({
      %run_scoped3A = tpu.sem_alloc : memref<!tpu.dma_semaphore, #tpu.memory_space<semaphore_mem>>
      %dma_start3A_54 = arith.constant 0 : i32
      %dma_start3A_55 = tpu.memref_slice %arg15[%mul3A_43, %dma_start3A_54] : memref<10016x128xf32, #tpu.memory_space<vmem_shared>> -> memref<626x128xf32, #tpu.memory_space<vmem_shared>>
      %dma_start3A_56 = arith.constant 0 : i32
      %dma_start3A_57 = tpu.memref_slice %arg5[%mul3A_41, %dma_start3A_56] : memref<10016x128xf32, #tpu.memory_space<hbm>> -> memref<626x128xf32, #tpu.memory_space<hbm>>
      tpu.enqueue_dma source(%dma_start3A_57 : memref<626x128xf32, #tpu.memory_space<hbm>>) target(%dma_start3A_55 : memref<626x128xf32, #tpu.memory_space<vmem_shared>>) target_semaphore(%run_scoped3A : memref<!tpu.dma_semaphore, #tpu.memory_space<semaphore_mem>>)
      %dma_wait3A = arith.constant 0 : i32
      %dma_wait3A_58 = tpu.memref_slice %arg15[%mul3A_43, %dma_wait3A] : memref<10016x128xf32, #tpu.memory_space<vmem_shared>> -> memref<626x128xf32, #tpu.memory_space<vmem_shared>>
      %dma_wait3A_59 = arith.constant 0 : i32
      %dma_wait3A_60 = tpu.memref_slice %arg5[%mul3A_41, %dma_wait3A_59] : memref<10016x128xf32, #tpu.memory_space<hbm>> -> memref<626x128xf32, #tpu.memory_space<hbm>>
      tpu.wait_dma2 semaphore(%run_scoped3A : memref<!tpu.dma_semaphore, #tpu.memory_space<semaphore_mem>>) src(%dma_wait3A_60 : memref<626x128xf32, #tpu.memory_space<hbm>>) dst(%dma_wait3A_58 : memref<626x128xf32, #tpu.memory_space<vmem_shared>>)
      tpu.yield
    }) : () -> ()
    %barrier3A = arith.constant 0 : index
    tpu.barrier barrier_id(%barrier3A)
    %scan3A = arith.constant 0 : i32
    %scan3A_44 = arith.constant 0 : i32
    %scan3A_45 = arith.constant 42 : i32
    %scan3A_46 = arith.addi %scan3A_44, %scan3A_45 : i32
    %scan3A_47 = arith.constant 1 : i32
    scf.for %scan3A_54 = %scan3A_44 to %scan3A_46 step %scan3A_47  : i32 {
      %mul3A_55 = arith.constant 6 : i32
      %mul3A_56 = arith.muli %scan3A_54, %mul3A_55 : i32
      %add3A = arith.constant 0 : i32
      %add3A_57 = arith.addi %mul3A_56, %add3A : i32
      %lt3A = arith.constant 250 : i32
      %lt3A_58 = arith.cmpi slt, %add3A_57, %lt3A : i32
      %convert_element_type3A = arith.extui %lt3A_58 : i1 to i32
      %cond3A = arith.constant 0 : i32
      %cond3A_59 = arith.cmpi ne, %convert_element_type3A, %cond3A : i32
      scf.if %cond3A_59 {
        %dma_wait3A = arith.constant 0 : i32
        %dma_wait3A_201 = tpu.memref_slice %arg7[%add3A_57, %dma_wait3A] : memref<250x40xi32, #tpu.memory_space<vmem>> -> memref<1x40xi32, #tpu.memory_space<vmem>>
        %dma_wait3A_202 = tpu.memref_squeeze %dma_wait3A_201 : memref<1x40xi32, #tpu.memory_space<vmem>> -> memref<40xi32, #tpu.memory_space<vmem>>
        %dma_wait3A_203 = arith.constant 0 : i32
        %dma_wait3A_204 = arith.constant 0 : i32
        %dma_wait3A_205 = tpu.memref_slice %arg2[%dma_wait3A_203, %dma_wait3A_204] : memref<10016x128xf32, #tpu.memory_space<hbm>> -> memref<10016x128xf32, #tpu.memory_space<hbm>>
        tpu.wait_indirect_dma semaphore(%arg16 : memref<!tpu.dma_semaphore, #tpu.memory_space<semaphore_mem>>) src(%dma_wait3A_205 : memref<10016x128xf32, #tpu.memory_space<hbm>>) dst(%arg9 : memref<40x128xf32, #tpu.memory_space<vmem>>)
        %dma_start3A_206 = arith.constant 0 : i32
        %dma_start3A_207 = tpu.memref_slice %arg8[%add3A_57, %dma_start3A_206] : memref<250x40xi32, #tpu.memory_space<vmem>> -> memref<1x40xi32, #tpu.memory_space<vmem>>
        %dma_start3A_208 = tpu.memref_squeeze %dma_start3A_207 : memref<1x40xi32, #tpu.memory_space<vmem>> -> memref<40xi32, #tpu.memory_space<vmem>>
        %dma_start3A_209 = arith.constant 0 : i32
        %dma_start3A_210 = arith.constant 0 : i32
        %dma_start3A_211 = tpu.memref_slice %arg15[%dma_start3A_209, %dma_start3A_210] : memref<10016x128xf32, #tpu.memory_space<vmem_shared>> -> memref<10016x128xf32, #tpu.memory_space<vmem_shared>>
        tpu.enqueue_indirect_dma source(%arg9 : memref<40x128xf32, #tpu.memory_space<vmem>>) target(%dma_start3A_211 : memref<10016x128xf32, #tpu.memory_space<vmem_shared>>) offsets(%dma_start3A_208 : memref<40xi32, #tpu.memory_space<vmem>>) semaphore(%arg22 : memref<!tpu.dma_semaphore, #tpu.memory_space<semaphore_mem>>) {add = true}
      } else {
      }
      %mul3A_60 = arith.constant 6 : i32
      %mul3A_61 = arith.muli %scan3A_54, %mul3A_60 : i32
      %add3A_62 = arith.constant 1 : i32
      %add3A_63 = arith.addi %mul3A_61, %add3A_62 : i32
      %lt3A_64 = arith.constant 250 : i32
      %lt3A_65 = arith.cmpi slt, %add3A_63, %lt3A_64 : i32
      %convert_element_type3A_66 = arith.extui %lt3A_65 : i1 to i32
      %cond3A_67 = arith.constant 0 : i32
      %cond3A_68 = arith.cmpi ne, %convert_element_type3A_66, %cond3A_67 : i32
      scf.if %cond3A_68 {
        %dma_wait3A = arith.constant 0 : i32
        %dma_wait3A_201 = tpu.memref_slice %arg7[%add3A_63, %dma_wait3A] : memref<250x40xi32, #tpu.memory_space<vmem>> -> memref<1x40xi32, #tpu.memory_space<vmem>>
        %dma_wait3A_202 = tpu.memref_squeeze %dma_wait3A_201 : memref<1x40xi32, #tpu.memory_space<vmem>> -> memref<40xi32, #tpu.memory_space<vmem>>
        %dma_wait3A_203 = arith.constant 0 : i32
        %dma_wait3A_204 = arith.constant 0 : i32
        %dma_wait3A_205 = tpu.memref_slice %arg2[%dma_wait3A_203, %dma_wait3A_204] : memref<10016x128xf32, #tpu.memory_space<hbm>> -> memref<10016x128xf32, #tpu.memory_space<hbm>>
        tpu.wait_indirect_dma semaphore(%arg17 : memref<!tpu.dma_semaphore, #tpu.memory_space<semaphore_mem>>) src(%dma_wait3A_205 : memref<10016x128xf32, #tpu.memory_space<hbm>>) dst(%arg10 : memref<40x128xf32, #tpu.memory_space<vmem>>)
        %dma_start3A_206 = arith.constant 0 : i32
        %dma_start3A_207 = tpu.memref_slice %arg8[%add3A_63, %dma_start3A_206] : memref<250x40xi32, #tpu.memory_space<vmem>> -> memref<1x40xi32, #tpu.memory_space<vmem>>
        %dma_start3A_208 = tpu.memref_squeeze %dma_start3A_207 : memref<1x40xi32, #tpu.memory_space<vmem>> -> memref<40xi32, #tpu.memory_space<vmem>>
        %dma_start3A_209 = arith.constant 0 : i32
        %dma_start3A_210 = arith.constant 0 : i32
        %dma_start3A_211 = tpu.memref_slice %arg15[%dma_start3A_209, %dma_start3A_210] : memref<10016x128xf32, #tpu.memory_space<vmem_shared>> -> memref<10016x128xf32, #tpu.memory_space<vmem_shared>>
        tpu.enqueue_indirect_dma source(%arg10 : memref<40x128xf32, #tpu.memory_space<vmem>>) target(%dma_start3A_211 : memref<10016x128xf32, #tpu.memory_space<vmem_shared>>) offsets(%dma_start3A_208 : memref<40xi32, #tpu.memory_space<vmem>>) semaphore(%arg23 : memref<!tpu.dma_semaphore, #tpu.memory_space<semaphore_mem>>) {add = true}
      } else {
      }
      %mul3A_69 = arith.constant 6 : i32
      %mul3A_70 = arith.muli %scan3A_54, %mul3A_69 : i32
      %add3A_71 = arith.constant 2 : i32
      %add3A_72 = arith.addi %mul3A_70, %add3A_71 : i32
      %lt3A_73 = arith.constant 250 : i32
      %lt3A_74 = arith.cmpi slt, %add3A_72, %lt3A_73 : i32
      %convert_element_type3A_75 = arith.extui %lt3A_74 : i1 to i32
      %cond3A_76 = arith.constant 0 : i32
      %cond3A_77 = arith.cmpi ne, %convert_element_type3A_75, %cond3A_76 : i32
      scf.if %cond3A_77 {
        %dma_wait3A = arith.constant 0 : i32
        %dma_wait3A_201 = tpu.memref_slice %arg7[%add3A_72, %dma_wait3A] : memref<250x40xi32, #tpu.memory_space<vmem>> -> memref<1x40xi32, #tpu.memory_space<vmem>>
        %dma_wait3A_202 = tpu.memref_squeeze %dma_wait3A_201 : memref<1x40xi32, #tpu.memory_space<vmem>> -> memref<40xi32, #tpu.memory_space<vmem>>
        %dma_wait3A_203 = arith.constant 0 : i32
        %dma_wait3A_204 = arith.constant 0 : i32
        %dma_wait3A_205 = tpu.memref_slice %arg2[%dma_wait3A_203, %dma_wait3A_204] : memref<10016x128xf32, #tpu.memory_space<hbm>> -> memref<10016x128xf32, #tpu.memory_space<hbm>>
        tpu.wait_indirect_dma semaphore(%arg18 : memref<!tpu.dma_semaphore, #tpu.memory_space<semaphore_mem>>) src(%dma_wait3A_205 : memref<10016x128xf32, #tpu.memory_space<hbm>>) dst(%arg11 : memref<40x128xf32, #tpu.memory_space<vmem>>)
        %dma_start3A_206 = arith.constant 0 : i32
        %dma_start3A_207 = tpu.memref_slice %arg8[%add3A_72, %dma_start3A_206] : memref<250x40xi32, #tpu.memory_space<vmem>> -> memref<1x40xi32, #tpu.memory_space<vmem>>
        %dma_start3A_208 = tpu.memref_squeeze %dma_start3A_207 : memref<1x40xi32, #tpu.memory_space<vmem>> -> memref<40xi32, #tpu.memory_space<vmem>>
        %dma_start3A_209 = arith.constant 0 : i32
        %dma_start3A_210 = arith.constant 0 : i32
        %dma_start3A_211 = tpu.memref_slice %arg15[%dma_start3A_209, %dma_start3A_210] : memref<10016x128xf32, #tpu.memory_space<vmem_shared>> -> memref<10016x128xf32, #tpu.memory_space<vmem_shared>>
        tpu.enqueue_indirect_dma source(%arg11 : memref<40x128xf32, #tpu.memory_space<vmem>>) target(%dma_start3A_211 : memref<10016x128xf32, #tpu.memory_space<vmem_shared>>) offsets(%dma_start3A_208 : memref<40xi32, #tpu.memory_space<vmem>>) semaphore(%arg24 : memref<!tpu.dma_semaphore, #tpu.memory_space<semaphore_mem>>) {add = true}
      } else {
      }
      %mul3A_78 = arith.constant 6 : i32
      %mul3A_79 = arith.muli %scan3A_54, %mul3A_78 : i32
      %add3A_80 = arith.constant 3 : i32
      %add3A_81 = arith.addi %mul3A_79, %add3A_80 : i32
      %lt3A_82 = arith.constant 250 : i32
      %lt3A_83 = arith.cmpi slt, %add3A_81, %lt3A_82 : i32
      %convert_element_type3A_84 = arith.extui %lt3A_83 : i1 to i32
      %cond3A_85 = arith.constant 0 : i32
      %cond3A_86 = arith.cmpi ne, %convert_element_type3A_84, %cond3A_85 : i32
      scf.if %cond3A_86 {
        %dma_wait3A = arith.constant 0 : i32
        %dma_wait3A_201 = tpu.memref_slice %arg7[%add3A_81, %dma_wait3A] : memref<250x40xi32, #tpu.memory_space<vmem>> -> memref<1x40xi32, #tpu.memory_space<vmem>>
        %dma_wait3A_202 = tpu.memref_squeeze %dma_wait3A_201 : memref<1x40xi32, #tpu.memory_space<vmem>> -> memref<40xi32, #tpu.memory_space<vmem>>
        %dma_wait3A_203 = arith.constant 0 : i32
        %dma_wait3A_204 = arith.constant 0 : i32
        %dma_wait3A_205 = tpu.memref_slice %arg2[%dma_wait3A_203, %dma_wait3A_204] : memref<10016x128xf32, #tpu.memory_space<hbm>> -> memref<10016x128xf32, #tpu.memory_space<hbm>>
        tpu.wait_indirect_dma semaphore(%arg19 : memref<!tpu.dma_semaphore, #tpu.memory_space<semaphore_mem>>) src(%dma_wait3A_205 : memref<10016x128xf32, #tpu.memory_space<hbm>>) dst(%arg12 : memref<40x128xf32, #tpu.memory_space<vmem>>)
        %dma_start3A_206 = arith.constant 0 : i32
        %dma_start3A_207 = tpu.memref_slice %arg8[%add3A_81, %dma_start3A_206] : memref<250x40xi32, #tpu.memory_space<vmem>> -> memref<1x40xi32, #tpu.memory_space<vmem>>
        %dma_start3A_208 = tpu.memref_squeeze %dma_start3A_207 : memref<1x40xi32, #tpu.memory_space<vmem>> -> memref<40xi32, #tpu.memory_space<vmem>>
        %dma_start3A_209 = arith.constant 0 : i32
        %dma_start3A_210 = arith.constant 0 : i32
        %dma_start3A_211 = tpu.memref_slice %arg15[%dma_start3A_209, %dma_start3A_210] : memref<10016x128xf32, #tpu.memory_space<vmem_shared>> -> memref<10016x128xf32, #tpu.memory_space<vmem_shared>>
        tpu.enqueue_indirect_dma source(%arg12 : memref<40x128xf32, #tpu.memory_space<vmem>>) target(%dma_start3A_211 : memref<10016x128xf32, #tpu.memory_space<vmem_shared>>) offsets(%dma_start3A_208 : memref<40xi32, #tpu.memory_space<vmem>>) semaphore(%arg25 : memref<!tpu.dma_semaphore, #tpu.memory_space<semaphore_mem>>) {add = true}
      } else {
      }
      %mul3A_87 = arith.constant 6 : i32
      %mul3A_88 = arith.muli %scan3A_54, %mul3A_87 : i32
      %add3A_89 = arith.constant 4 : i32
      %add3A_90 = arith.addi %mul3A_88, %add3A_89 : i32
      %lt3A_91 = arith.constant 250 : i32
      %lt3A_92 = arith.cmpi slt, %add3A_90, %lt3A_91 : i32
      %convert_element_type3A_93 = arith.extui %lt3A_92 : i1 to i32
      %cond3A_94 = arith.constant 0 : i32
      %cond3A_95 = arith.cmpi ne, %convert_element_type3A_93, %cond3A_94 : i32
      scf.if %cond3A_95 {
        %dma_wait3A = arith.constant 0 : i32
        %dma_wait3A_201 = tpu.memref_slice %arg7[%add3A_90, %dma_wait3A] : memref<250x40xi32, #tpu.memory_space<vmem>> -> memref<1x40xi32, #tpu.memory_space<vmem>>
        %dma_wait3A_202 = tpu.memref_squeeze %dma_wait3A_201 : memref<1x40xi32, #tpu.memory_space<vmem>> -> memref<40xi32, #tpu.memory_space<vmem>>
        %dma_wait3A_203 = arith.constant 0 : i32
        %dma_wait3A_204 = arith.constant 0 : i32
        %dma_wait3A_205 = tpu.memref_slice %arg2[%dma_wait3A_203, %dma_wait3A_204] : memref<10016x128xf32, #tpu.memory_space<hbm>> -> memref<10016x128xf32, #tpu.memory_space<hbm>>
        tpu.wait_indirect_dma semaphore(%arg20 : memref<!tpu.dma_semaphore, #tpu.memory_space<semaphore_mem>>) src(%dma_wait3A_205 : memref<10016x128xf32, #tpu.memory_space<hbm>>) dst(%arg13 : memref<40x128xf32, #tpu.memory_space<vmem>>)
        %dma_start3A_206 = arith.constant 0 : i32
        %dma_start3A_207 = tpu.memref_slice %arg8[%add3A_90, %dma_start3A_206] : memref<250x40xi32, #tpu.memory_space<vmem>> -> memref<1x40xi32, #tpu.memory_space<vmem>>
        %dma_start3A_208 = tpu.memref_squeeze %dma_start3A_207 : memref<1x40xi32, #tpu.memory_space<vmem>> -> memref<40xi32, #tpu.memory_space<vmem>>
        %dma_start3A_209 = arith.constant 0 : i32
        %dma_start3A_210 = arith.constant 0 : i32
        %dma_start3A_211 = tpu.memref_slice %arg15[%dma_start3A_209, %dma_start3A_210] : memref<10016x128xf32, #tpu.memory_space<vmem_shared>> -> memref<10016x128xf32, #tpu.memory_space<vmem_shared>>
        tpu.enqueue_indirect_dma source(%arg13 : memref<40x128xf32, #tpu.memory_space<vmem>>) target(%dma_start3A_211 : memref<10016x128xf32, #tpu.memory_space<vmem_shared>>) offsets(%dma_start3A_208 : memref<40xi32, #tpu.memory_space<vmem>>) semaphore(%arg26 : memref<!tpu.dma_semaphore, #tpu.memory_space<semaphore_mem>>) {add = true}
      } else {
      }
      %mul3A_96 = arith.constant 6 : i32
      %mul3A_97 = arith.muli %scan3A_54, %mul3A_96 : i32
      %add3A_98 = arith.constant 5 : i32
      %add3A_99 = arith.addi %mul3A_97, %add3A_98 : i32
      %lt3A_100 = arith.constant 250 : i32
      %lt3A_101 = arith.cmpi slt, %add3A_99, %lt3A_100 : i32
      %convert_element_type3A_102 = arith.extui %lt3A_101 : i1 to i32
      %cond3A_103 = arith.constant 0 : i32
      %cond3A_104 = arith.cmpi ne, %convert_element_type3A_102, %cond3A_103 : i32
      scf.if %cond3A_104 {
        %dma_wait3A = arith.constant 0 : i32
        %dma_wait3A_201 = tpu.memref_slice %arg7[%add3A_99, %dma_wait3A] : memref<250x40xi32, #tpu.memory_space<vmem>> -> memref<1x40xi32, #tpu.memory_space<vmem>>
        %dma_wait3A_202 = tpu.memref_squeeze %dma_wait3A_201 : memref<1x40xi32, #tpu.memory_space<vmem>> -> memref<40xi32, #tpu.memory_space<vmem>>
        %dma_wait3A_203 = arith.constant 0 : i32
        %dma_wait3A_204 = arith.constant 0 : i32
        %dma_wait3A_205 = tpu.memref_slice %arg2[%dma_wait3A_203, %dma_wait3A_204] : memref<10016x128xf32, #tpu.memory_space<hbm>> -> memref<10016x128xf32, #tpu.memory_space<hbm>>
        tpu.wait_indirect_dma semaphore(%arg21 : memref<!tpu.dma_semaphore, #tpu.memory_space<semaphore_mem>>) src(%dma_wait3A_205 : memref<10016x128xf32, #tpu.memory_space<hbm>>) dst(%arg14 : memref<40x128xf32, #tpu.memory_space<vmem>>)
        %dma_start3A_206 = arith.constant 0 : i32
        %dma_start3A_207 = tpu.memref_slice %arg8[%add3A_99, %dma_start3A_206] : memref<250x40xi32, #tpu.memory_space<vmem>> -> memref<1x40xi32, #tpu.memory_space<vmem>>
        %dma_start3A_208 = tpu.memref_squeeze %dma_start3A_207 : memref<1x40xi32, #tpu.memory_space<vmem>> -> memref<40xi32, #tpu.memory_space<vmem>>
        %dma_start3A_209 = arith.constant 0 : i32
        %dma_start3A_210 = arith.constant 0 : i32
        %dma_start3A_211 = tpu.memref_slice %arg15[%dma_start3A_209, %dma_start3A_210] : memref<10016x128xf32, #tpu.memory_space<vmem_shared>> -> memref<10016x128xf32, #tpu.memory_space<vmem_shared>>
        tpu.enqueue_indirect_dma source(%arg14 : memref<40x128xf32, #tpu.memory_space<vmem>>) target(%dma_start3A_211 : memref<10016x128xf32, #tpu.memory_space<vmem_shared>>) offsets(%dma_start3A_208 : memref<40xi32, #tpu.memory_space<vmem>>) semaphore(%arg27 : memref<!tpu.dma_semaphore, #tpu.memory_space<semaphore_mem>>) {add = true}
      } else {
      }
      %mul3A_105 = arith.constant 6 : i32
      %mul3A_106 = arith.muli %scan3A_54, %mul3A_105 : i32
      %add3A_107 = arith.constant 0 : i32
      %add3A_108 = arith.addi %mul3A_106, %add3A_107 : i32
      %add3A_109 = arith.constant 6 : i32
      %add3A_110 = arith.addi %add3A_108, %add3A_109 : i32
      %lt3A_111 = arith.constant 250 : i32
      %lt3A_112 = arith.cmpi slt, %add3A_108, %lt3A_111 : i32
      %convert_element_type3A_113 = arith.extui %lt3A_112 : i1 to i32
      %cond3A_114 = arith.constant 0 : i32
      %cond3A_115 = arith.cmpi ne, %convert_element_type3A_113, %cond3A_114 : i32
      scf.if %cond3A_115 {
        %dma_wait3A = arith.constant 0 : i32
        %dma_wait3A_201 = tpu.memref_slice %arg8[%add3A_108, %dma_wait3A] : memref<250x40xi32, #tpu.memory_space<vmem>> -> memref<1x40xi32, #tpu.memory_space<vmem>>
        %dma_wait3A_202 = tpu.memref_squeeze %dma_wait3A_201 : memref<1x40xi32, #tpu.memory_space<vmem>> -> memref<40xi32, #tpu.memory_space<vmem>>
        %dma_wait3A_203 = arith.constant 0 : i32
        %dma_wait3A_204 = arith.constant 0 : i32
        %dma_wait3A_205 = tpu.memref_slice %arg15[%dma_wait3A_203, %dma_wait3A_204] : memref<10016x128xf32, #tpu.memory_space<vmem_shared>> -> memref<10016x128xf32, #tpu.memory_space<vmem_shared>>
        tpu.wait_indirect_dma semaphore(%arg22 : memref<!tpu.dma_semaphore, #tpu.memory_space<semaphore_mem>>) src(%arg9 : memref<40x128xf32, #tpu.memory_space<vmem>>) dst(%dma_wait3A_205 : memref<10016x128xf32, #tpu.memory_space<vmem_shared>>)
      } else {
      }
      %lt3A_116 = arith.constant 250 : i32
      %lt3A_117 = arith.cmpi slt, %add3A_110, %lt3A_116 : i32
      %convert_element_type3A_118 = arith.extui %lt3A_117 : i1 to i32
      %cond3A_119 = arith.constant 0 : i32
      %cond3A_120 = arith.cmpi ne, %convert_element_type3A_118, %cond3A_119 : i32
      scf.if %cond3A_120 {
        %dma_start3A_201 = arith.constant 0 : i32
        %dma_start3A_202 = tpu.memref_slice %arg7[%add3A_110, %dma_start3A_201] : memref<250x40xi32, #tpu.memory_space<vmem>> -> memref<1x40xi32, #tpu.memory_space<vmem>>
        %dma_start3A_203 = tpu.memref_squeeze %dma_start3A_202 : memref<1x40xi32, #tpu.memory_space<vmem>> -> memref<40xi32, #tpu.memory_space<vmem>>
        %dma_start3A_204 = arith.constant 0 : i32
        %dma_start3A_205 = arith.constant 0 : i32
        %dma_start3A_206 = tpu.memref_slice %arg2[%dma_start3A_204, %dma_start3A_205] : memref<10016x128xf32, #tpu.memory_space<hbm>> -> memref<10016x128xf32, #tpu.memory_space<hbm>>
        tpu.enqueue_indirect_dma source(%dma_start3A_206 : memref<10016x128xf32, #tpu.memory_space<hbm>>) target(%arg9 : memref<40x128xf32, #tpu.memory_space<vmem>>) offsets(%dma_start3A_203 : memref<40xi32, #tpu.memory_space<vmem>>) semaphore(%arg16 : memref<!tpu.dma_semaphore, #tpu.memory_space<semaphore_mem>>)
      } else {
      }
      %mul3A_121 = arith.constant 6 : i32
      %mul3A_122 = arith.muli %scan3A_54, %mul3A_121 : i32
      %add3A_123 = arith.constant 1 : i32
      %add3A_124 = arith.addi %mul3A_122, %add3A_123 : i32
      %add3A_125 = arith.constant 6 : i32
      %add3A_126 = arith.addi %add3A_124, %add3A_125 : i32
      %lt3A_127 = arith.constant 250 : i32
      %lt3A_128 = arith.cmpi slt, %add3A_124, %lt3A_127 : i32
      %convert_element_type3A_129 = arith.extui %lt3A_128 : i1 to i32
      %cond3A_130 = arith.constant 0 : i32
      %cond3A_131 = arith.cmpi ne, %convert_element_type3A_129, %cond3A_130 : i32
      scf.if %cond3A_131 {
        %dma_wait3A = arith.constant 0 : i32
        %dma_wait3A_201 = tpu.memref_slice %arg8[%add3A_124, %dma_wait3A] : memref<250x40xi32, #tpu.memory_space<vmem>> -> memref<1x40xi32, #tpu.memory_space<vmem>>
        %dma_wait3A_202 = tpu.memref_squeeze %dma_wait3A_201 : memref<1x40xi32, #tpu.memory_space<vmem>> -> memref<40xi32, #tpu.memory_space<vmem>>
        %dma_wait3A_203 = arith.constant 0 : i32
        %dma_wait3A_204 = arith.constant 0 : i32
        %dma_wait3A_205 = tpu.memref_slice %arg15[%dma_wait3A_203, %dma_wait3A_204] : memref<10016x128xf32, #tpu.memory_space<vmem_shared>> -> memref<10016x128xf32, #tpu.memory_space<vmem_shared>>
        tpu.wait_indirect_dma semaphore(%arg23 : memref<!tpu.dma_semaphore, #tpu.memory_space<semaphore_mem>>) src(%arg10 : memref<40x128xf32, #tpu.memory_space<vmem>>) dst(%dma_wait3A_205 : memref<10016x128xf32, #tpu.memory_space<vmem_shared>>)
      } else {
      }
      %lt3A_132 = arith.constant 250 : i32
      %lt3A_133 = arith.cmpi slt, %add3A_126, %lt3A_132 : i32
      %convert_element_type3A_134 = arith.extui %lt3A_133 : i1 to i32
      %cond3A_135 = arith.constant 0 : i32
      %cond3A_136 = arith.cmpi ne, %convert_element_type3A_134, %cond3A_135 : i32
      scf.if %cond3A_136 {
        %dma_start3A_201 = arith.constant 0 : i32
        %dma_start3A_202 = tpu.memref_slice %arg7[%add3A_126, %dma_start3A_201] : memref<250x40xi32, #tpu.memory_space<vmem>> -> memref<1x40xi32, #tpu.memory_space<vmem>>
        %dma_start3A_203 = tpu.memref_squeeze %dma_start3A_202 : memref<1x40xi32, #tpu.memory_space<vmem>> -> memref<40xi32, #tpu.memory_space<vmem>>
        %dma_start3A_204 = arith.constant 0 : i32
        %dma_start3A_205 = arith.constant 0 : i32
        %dma_start3A_206 = tpu.memref_slice %arg2[%dma_start3A_204, %dma_start3A_205] : memref<10016x128xf32, #tpu.memory_space<hbm>> -> memref<10016x128xf32, #tpu.memory_space<hbm>>
        tpu.enqueue_indirect_dma source(%dma_start3A_206 : memref<10016x128xf32, #tpu.memory_space<hbm>>) target(%arg10 : memref<40x128xf32, #tpu.memory_space<vmem>>) offsets(%dma_start3A_203 : memref<40xi32, #tpu.memory_space<vmem>>) semaphore(%arg17 : memref<!tpu.dma_semaphore, #tpu.memory_space<semaphore_mem>>)
      } else {
      }
      %mul3A_137 = arith.constant 6 : i32
      %mul3A_138 = arith.muli %scan3A_54, %mul3A_137 : i32
      %add3A_139 = arith.constant 2 : i32
      %add3A_140 = arith.addi %mul3A_138, %add3A_139 : i32
      %add3A_141 = arith.constant 6 : i32
      %add3A_142 = arith.addi %add3A_140, %add3A_141 : i32
      %lt3A_143 = arith.constant 250 : i32
      %lt3A_144 = arith.cmpi slt, %add3A_140, %lt3A_143 : i32
      %convert_element_type3A_145 = arith.extui %lt3A_144 : i1 to i32
      %cond3A_146 = arith.constant 0 : i32
      %cond3A_147 = arith.cmpi ne, %convert_element_type3A_145, %cond3A_146 : i32
      scf.if %cond3A_147 {
        %dma_wait3A = arith.constant 0 : i32
        %dma_wait3A_201 = tpu.memref_slice %arg8[%add3A_140, %dma_wait3A] : memref<250x40xi32, #tpu.memory_space<vmem>> -> memref<1x40xi32, #tpu.memory_space<vmem>>
        %dma_wait3A_202 = tpu.memref_squeeze %dma_wait3A_201 : memref<1x40xi32, #tpu.memory_space<vmem>> -> memref<40xi32, #tpu.memory_space<vmem>>
        %dma_wait3A_203 = arith.constant 0 : i32
        %dma_wait3A_204 = arith.constant 0 : i32
        %dma_wait3A_205 = tpu.memref_slice %arg15[%dma_wait3A_203, %dma_wait3A_204] : memref<10016x128xf32, #tpu.memory_space<vmem_shared>> -> memref<10016x128xf32, #tpu.memory_space<vmem_shared>>
        tpu.wait_indirect_dma semaphore(%arg24 : memref<!tpu.dma_semaphore, #tpu.memory_space<semaphore_mem>>) src(%arg11 : memref<40x128xf32, #tpu.memory_space<vmem>>) dst(%dma_wait3A_205 : memref<10016x128xf32, #tpu.memory_space<vmem_shared>>)
      } else {
      }
      %lt3A_148 = arith.constant 250 : i32
      %lt3A_149 = arith.cmpi slt, %add3A_142, %lt3A_148 : i32
      %convert_element_type3A_150 = arith.extui %lt3A_149 : i1 to i32
      %cond3A_151 = arith.constant 0 : i32
      %cond3A_152 = arith.cmpi ne, %convert_element_type3A_150, %cond3A_151 : i32
      scf.if %cond3A_152 {
        %dma_start3A_201 = arith.constant 0 : i32
        %dma_start3A_202 = tpu.memref_slice %arg7[%add3A_142, %dma_start3A_201] : memref<250x40xi32, #tpu.memory_space<vmem>> -> memref<1x40xi32, #tpu.memory_space<vmem>>
        %dma_start3A_203 = tpu.memref_squeeze %dma_start3A_202 : memref<1x40xi32, #tpu.memory_space<vmem>> -> memref<40xi32, #tpu.memory_space<vmem>>
        %dma_start3A_204 = arith.constant 0 : i32
        %dma_start3A_205 = arith.constant 0 : i32
        %dma_start3A_206 = tpu.memref_slice %arg2[%dma_start3A_204, %dma_start3A_205] : memref<10016x128xf32, #tpu.memory_space<hbm>> -> memref<10016x128xf32, #tpu.memory_space<hbm>>
        tpu.enqueue_indirect_dma source(%dma_start3A_206 : memref<10016x128xf32, #tpu.memory_space<hbm>>) target(%arg11 : memref<40x128xf32, #tpu.memory_space<vmem>>) offsets(%dma_start3A_203 : memref<40xi32, #tpu.memory_space<vmem>>) semaphore(%arg18 : memref<!tpu.dma_semaphore, #tpu.memory_space<semaphore_mem>>)
      } else {
      }
      %mul3A_153 = arith.constant 6 : i32
      %mul3A_154 = arith.muli %scan3A_54, %mul3A_153 : i32
      %add3A_155 = arith.constant 3 : i32
      %add3A_156 = arith.addi %mul3A_154, %add3A_155 : i32
      %add3A_157 = arith.constant 6 : i32
      %add3A_158 = arith.addi %add3A_156, %add3A_157 : i32
      %lt3A_159 = arith.constant 250 : i32
      %lt3A_160 = arith.cmpi slt, %add3A_156, %lt3A_159 : i32
      %convert_element_type3A_161 = arith.extui %lt3A_160 : i1 to i32
      %cond3A_162 = arith.constant 0 : i32
      %cond3A_163 = arith.cmpi ne, %convert_element_type3A_161, %cond3A_162 : i32
      scf.if %cond3A_163 {
        %dma_wait3A = arith.constant 0 : i32
        %dma_wait3A_201 = tpu.memref_slice %arg8[%add3A_156, %dma_wait3A] : memref<250x40xi32, #tpu.memory_space<vmem>> -> memref<1x40xi32, #tpu.memory_space<vmem>>
        %dma_wait3A_202 = tpu.memref_squeeze %dma_wait3A_201 : memref<1x40xi32, #tpu.memory_space<vmem>> -> memref<40xi32, #tpu.memory_space<vmem>>
        %dma_wait3A_203 = arith.constant 0 : i32
        %dma_wait3A_204 = arith.constant 0 : i32
        %dma_wait3A_205 = tpu.memref_slice %arg15[%dma_wait3A_203, %dma_wait3A_204] : memref<10016x128xf32, #tpu.memory_space<vmem_shared>> -> memref<10016x128xf32, #tpu.memory_space<vmem_shared>>
        tpu.wait_indirect_dma semaphore(%arg25 : memref<!tpu.dma_semaphore, #tpu.memory_space<semaphore_mem>>) src(%arg12 : memref<40x128xf32, #tpu.memory_space<vmem>>) dst(%dma_wait3A_205 : memref<10016x128xf32, #tpu.memory_space<vmem_shared>>)
      } else {
      }
      %lt3A_164 = arith.constant 250 : i32
      %lt3A_165 = arith.cmpi slt, %add3A_158, %lt3A_164 : i32
      %convert_element_type3A_166 = arith.extui %lt3A_165 : i1 to i32
      %cond3A_167 = arith.constant 0 : i32
      %cond3A_168 = arith.cmpi ne, %convert_element_type3A_166, %cond3A_167 : i32
      scf.if %cond3A_168 {
        %dma_start3A_201 = arith.constant 0 : i32
        %dma_start3A_202 = tpu.memref_slice %arg7[%add3A_158, %dma_start3A_201] : memref<250x40xi32, #tpu.memory_space<vmem>> -> memref<1x40xi32, #tpu.memory_space<vmem>>
        %dma_start3A_203 = tpu.memref_squeeze %dma_start3A_202 : memref<1x40xi32, #tpu.memory_space<vmem>> -> memref<40xi32, #tpu.memory_space<vmem>>
        %dma_start3A_204 = arith.constant 0 : i32
        %dma_start3A_205 = arith.constant 0 : i32
        %dma_start3A_206 = tpu.memref_slice %arg2[%dma_start3A_204, %dma_start3A_205] : memref<10016x128xf32, #tpu.memory_space<hbm>> -> memref<10016x128xf32, #tpu.memory_space<hbm>>
        tpu.enqueue_indirect_dma source(%dma_start3A_206 : memref<10016x128xf32, #tpu.memory_space<hbm>>) target(%arg12 : memref<40x128xf32, #tpu.memory_space<vmem>>) offsets(%dma_start3A_203 : memref<40xi32, #tpu.memory_space<vmem>>) semaphore(%arg19 : memref<!tpu.dma_semaphore, #tpu.memory_space<semaphore_mem>>)
      } else {
      }
      %mul3A_169 = arith.constant 6 : i32
      %mul3A_170 = arith.muli %scan3A_54, %mul3A_169 : i32
      %add3A_171 = arith.constant 4 : i32
      %add3A_172 = arith.addi %mul3A_170, %add3A_171 : i32
      %add3A_173 = arith.constant 6 : i32
      %add3A_174 = arith.addi %add3A_172, %add3A_173 : i32
      %lt3A_175 = arith.constant 250 : i32
      %lt3A_176 = arith.cmpi slt, %add3A_172, %lt3A_175 : i32
      %convert_element_type3A_177 = arith.extui %lt3A_176 : i1 to i32
      %cond3A_178 = arith.constant 0 : i32
      %cond3A_179 = arith.cmpi ne, %convert_element_type3A_177, %cond3A_178 : i32
      scf.if %cond3A_179 {
        %dma_wait3A = arith.constant 0 : i32
        %dma_wait3A_201 = tpu.memref_slice %arg8[%add3A_172, %dma_wait3A] : memref<250x40xi32, #tpu.memory_space<vmem>> -> memref<1x40xi32, #tpu.memory_space<vmem>>
        %dma_wait3A_202 = tpu.memref_squeeze %dma_wait3A_201 : memref<1x40xi32, #tpu.memory_space<vmem>> -> memref<40xi32, #tpu.memory_space<vmem>>
        %dma_wait3A_203 = arith.constant 0 : i32
        %dma_wait3A_204 = arith.constant 0 : i32
        %dma_wait3A_205 = tpu.memref_slice %arg15[%dma_wait3A_203, %dma_wait3A_204] : memref<10016x128xf32, #tpu.memory_space<vmem_shared>> -> memref<10016x128xf32, #tpu.memory_space<vmem_shared>>
        tpu.wait_indirect_dma semaphore(%arg26 : memref<!tpu.dma_semaphore, #tpu.memory_space<semaphore_mem>>) src(%arg13 : memref<40x128xf32, #tpu.memory_space<vmem>>) dst(%dma_wait3A_205 : memref<10016x128xf32, #tpu.memory_space<vmem_shared>>)
      } else {
      }
      %lt3A_180 = arith.constant 250 : i32
      %lt3A_181 = arith.cmpi slt, %add3A_174, %lt3A_180 : i32
      %convert_element_type3A_182 = arith.extui %lt3A_181 : i1 to i32
      %cond3A_183 = arith.constant 0 : i32
      %cond3A_184 = arith.cmpi ne, %convert_element_type3A_182, %cond3A_183 : i32
      scf.if %cond3A_184 {
        %dma_start3A_201 = arith.constant 0 : i32
        %dma_start3A_202 = tpu.memref_slice %arg7[%add3A_174, %dma_start3A_201] : memref<250x40xi32, #tpu.memory_space<vmem>> -> memref<1x40xi32, #tpu.memory_space<vmem>>
        %dma_start3A_203 = tpu.memref_squeeze %dma_start3A_202 : memref<1x40xi32, #tpu.memory_space<vmem>> -> memref<40xi32, #tpu.memory_space<vmem>>
        %dma_start3A_204 = arith.constant 0 : i32
        %dma_start3A_205 = arith.constant 0 : i32
        %dma_start3A_206 = tpu.memref_slice %arg2[%dma_start3A_204, %dma_start3A_205] : memref<10016x128xf32, #tpu.memory_space<hbm>> -> memref<10016x128xf32, #tpu.memory_space<hbm>>
        tpu.enqueue_indirect_dma source(%dma_start3A_206 : memref<10016x128xf32, #tpu.memory_space<hbm>>) target(%arg13 : memref<40x128xf32, #tpu.memory_space<vmem>>) offsets(%dma_start3A_203 : memref<40xi32, #tpu.memory_space<vmem>>) semaphore(%arg20 : memref<!tpu.dma_semaphore, #tpu.memory_space<semaphore_mem>>)
      } else {
      }
      %mul3A_185 = arith.constant 6 : i32
      %mul3A_186 = arith.muli %scan3A_54, %mul3A_185 : i32
      %add3A_187 = arith.constant 5 : i32
      %add3A_188 = arith.addi %mul3A_186, %add3A_187 : i32
      %add3A_189 = arith.constant 6 : i32
      %add3A_190 = arith.addi %add3A_188, %add3A_189 : i32
      %lt3A_191 = arith.constant 250 : i32
      %lt3A_192 = arith.cmpi slt, %add3A_188, %lt3A_191 : i32
      %convert_element_type3A_193 = arith.extui %lt3A_192 : i1 to i32
      %cond3A_194 = arith.constant 0 : i32
      %cond3A_195 = arith.cmpi ne, %convert_element_type3A_193, %cond3A_194 : i32
      scf.if %cond3A_195 {
        %dma_wait3A = arith.constant 0 : i32
        %dma_wait3A_201 = tpu.memref_slice %arg8[%add3A_188, %dma_wait3A] : memref<250x40xi32, #tpu.memory_space<vmem>> -> memref<1x40xi32, #tpu.memory_space<vmem>>
        %dma_wait3A_202 = tpu.memref_squeeze %dma_wait3A_201 : memref<1x40xi32, #tpu.memory_space<vmem>> -> memref<40xi32, #tpu.memory_space<vmem>>
        %dma_wait3A_203 = arith.constant 0 : i32
        %dma_wait3A_204 = arith.constant 0 : i32
        %dma_wait3A_205 = tpu.memref_slice %arg15[%dma_wait3A_203, %dma_wait3A_204] : memref<10016x128xf32, #tpu.memory_space<vmem_shared>> -> memref<10016x128xf32, #tpu.memory_space<vmem_shared>>
        tpu.wait_indirect_dma semaphore(%arg27 : memref<!tpu.dma_semaphore, #tpu.memory_space<semaphore_mem>>) src(%arg14 : memref<40x128xf32, #tpu.memory_space<vmem>>) dst(%dma_wait3A_205 : memref<10016x128xf32, #tpu.memory_space<vmem_shared>>)
      } else {
      }
      %lt3A_196 = arith.constant 250 : i32
      %lt3A_197 = arith.cmpi slt, %add3A_190, %lt3A_196 : i32
      %convert_element_type3A_198 = arith.extui %lt3A_197 : i1 to i32
      %cond3A_199 = arith.constant 0 : i32
      %cond3A_200 = arith.cmpi ne, %convert_element_type3A_198, %cond3A_199 : i32
      scf.if %cond3A_200 {
        %dma_start3A_201 = arith.constant 0 : i32
        %dma_start3A_202 = tpu.memref_slice %arg7[%add3A_190, %dma_start3A_201] : memref<250x40xi32, #tpu.memory_space<vmem>> -> memref<1x40xi32, #tpu.memory_space<vmem>>
        %dma_start3A_203 = tpu.memref_squeeze %dma_start3A_202 : memref<1x40xi32, #tpu.memory_space<vmem>> -> memref<40xi32, #tpu.memory_space<vmem>>
        %dma_start3A_204 = arith.constant 0 : i32
        %dma_start3A_205 = arith.constant 0 : i32
        %dma_start3A_206 = tpu.memref_slice %arg2[%dma_start3A_204, %dma_start3A_205] : memref<10016x128xf32, #tpu.memory_space<hbm>> -> memref<10016x128xf32, #tpu.memory_space<hbm>>
        tpu.enqueue_indirect_dma source(%dma_start3A_206 : memref<10016x128xf32, #tpu.memory_space<hbm>>) target(%arg14 : memref<40x128xf32, #tpu.memory_space<vmem>>) offsets(%dma_start3A_203 : memref<40xi32, #tpu.memory_space<vmem>>) semaphore(%arg21 : memref<!tpu.dma_semaphore, #tpu.memory_space<semaphore_mem>>)
      } else {
      }
    }
    %scan3A_48 = arith.constant 42 : i32
    %barrier3A_49 = arith.constant 0 : index
    tpu.barrier barrier_id(%barrier3A_49)
    %mul3A_50 = arith.constant 626 : i32
    %mul3A_51 = arith.muli %arg1, %mul3A_50 : i32
    %mul3A_52 = arith.constant 626 : i32
    %mul3A_53 = arith.muli %arg1, %mul3A_52 : i32
    "tpu.region"() ({
      %run_scoped3A = tpu.sem_alloc : memref<!tpu.dma_semaphore, #tpu.memory_space<semaphore_mem>>
      %dma_start3A_54 = arith.constant 0 : i32
      %dma_start3A_55 = tpu.memref_slice %arg6[%arg0, %mul3A_53, %dma_start3A_54] : memref<2x10016x128xf32, #tpu.memory_space<hbm>> -> memref<1x626x128xf32, #tpu.memory_space<hbm>>
      %dma_start3A_56 = tpu.memref_squeeze %dma_start3A_55 : memref<1x626x128xf32, #tpu.memory_space<hbm>> -> memref<626x128xf32, #tpu.memory_space<hbm>>
      %dma_start3A_57 = arith.constant 0 : i32
      %dma_start3A_58 = tpu.memref_slice %arg15[%mul3A_51, %dma_start3A_57] : memref<10016x128xf32, #tpu.memory_space<vmem_shared>> -> memref<626x128xf32, #tpu.memory_space<vmem_shared>>
      tpu.enqueue_dma source(%dma_start3A_58 : memref<626x128xf32, #tpu.memory_space<vmem_shared>>) target(%dma_start3A_56 : memref<626x128xf32, #tpu.memory_space<hbm>>) target_semaphore(%run_scoped3A : memref<!tpu.dma_semaphore, #tpu.memory_space<semaphore_mem>>)
      %dma_wait3A = arith.constant 0 : i32
      %dma_wait3A_59 = tpu.memref_slice %arg6[%arg0, %mul3A_53, %dma_wait3A] : memref<2x10016x128xf32, #tpu.memory_space<hbm>> -> memref<1x626x128xf32, #tpu.memory_space<hbm>>
      %dma_wait3A_60 = tpu.memref_squeeze %dma_wait3A_59 : memref<1x626x128xf32, #tpu.memory_space<hbm>> -> memref<626x128xf32, #tpu.memory_space<hbm>>
      %dma_wait3A_61 = arith.constant 0 : i32
      %dma_wait3A_62 = tpu.memref_slice %arg15[%mul3A_51, %dma_wait3A_61] : memref<10016x128xf32, #tpu.memory_space<vmem_shared>> -> memref<626x128xf32, #tpu.memory_space<vmem_shared>>
      tpu.wait_dma2 semaphore(%run_scoped3A : memref<!tpu.dma_semaphore, #tpu.memory_space<semaphore_mem>>) src(%dma_wait3A_62 : memref<626x128xf32, #tpu.memory_space<vmem_shared>>) dst(%dma_wait3A_60 : memref<626x128xf32, #tpu.memory_space<hbm>>)
      tpu.yield
    }) : () -> ()
    return
  }
}

#map = affine_map<(d0, d1) -> (0, 0, 0, 0)>
module attributes {stable_mosaic.version = 14 : i64} {
  func.func @_hist_body(%arg0: i32, %arg1: i32, %arg2: memref<2x16x125x80xi32, #tpu.memory_space<hbm>>, %arg3: memref<2x16x125x80xi32, #tpu.memory_space<hbm>>, %arg4: memref<2x2x10016x16xf32, #tpu.memory_space<hbm>>, %arg5: memref<125x80xi32, #tpu.memory_space<vmem>>, %arg6: memref<125x80xi32, #tpu.memory_space<vmem>>, %arg7: memref<80x16xf32, #tpu.memory_space<vmem>>, %arg8: memref<626x16xf32, #tpu.memory_space<vmem>>, %arg9: memref<10016x16xf32, #tpu.memory_space<vmem_shared>>, %arg10: memref<10016x16xf32, #tpu.memory_space<vmem_shared>>, %arg11: memref<!tpu.dma_semaphore, #tpu.memory_space<semaphore_mem>>) attributes {dimension_semantics = [#tpu.dimension_semantics<core_parallel>, #tpu.dimension_semantics<subcore_parallel>], iteration_bounds = array<i64: 2, 16>, scalar_prefetch = 0 : i64, scratch_operands = 7 : i64, tpu.core_type = #tpu.core_type<sc_vector_subcore>, window_params = [{transform_indices = #map}, {transform_indices = #map}, {transform_indices = #map}]} {
    "tpu.region"() ({
      %run_scoped3A_36 = tpu.sem_alloc : memref<!tpu.dma_semaphore, #tpu.memory_space<semaphore_mem>>
      %dma_start3A = arith.constant 0 : i32
      %dma_start3A_37 = arith.constant 0 : i32
      %dma_start3A_38 = tpu.memref_slice %arg2[%arg0, %arg1, %dma_start3A, %dma_start3A_37] : memref<2x16x125x80xi32, #tpu.memory_space<hbm>> -> memref<1x1x125x80xi32, #tpu.memory_space<hbm>>
      %dma_start3A_39 = tpu.memref_squeeze %dma_start3A_38 : memref<1x1x125x80xi32, #tpu.memory_space<hbm>> -> memref<125x80xi32, #tpu.memory_space<hbm>>
      %dma_start3A_40 = arith.constant 0 : i32
      %dma_start3A_41 = arith.constant 0 : i32
      %dma_start3A_42 = tpu.memref_slice %arg2[%arg0, %arg1, %dma_start3A_40, %dma_start3A_41] : memref<2x16x125x80xi32, #tpu.memory_space<hbm>> -> memref<1x1x125x80xi32, #tpu.memory_space<hbm>>
      %dma_start3A_43 = tpu.memref_squeeze %dma_start3A_42 : memref<1x1x125x80xi32, #tpu.memory_space<hbm>> -> memref<125x80xi32, #tpu.memory_space<hbm>>
      tpu.enqueue_dma source(%dma_start3A_43 : memref<125x80xi32, #tpu.memory_space<hbm>>) target(%arg5 : memref<125x80xi32, #tpu.memory_space<vmem>>) target_semaphore(%run_scoped3A_36 : memref<!tpu.dma_semaphore, #tpu.memory_space<semaphore_mem>>)
      %dma_wait3A = arith.constant 0 : i32
      %dma_wait3A_44 = arith.constant 0 : i32
      %dma_wait3A_45 = tpu.memref_slice %arg2[%arg0, %arg1, %dma_wait3A, %dma_wait3A_44] : memref<2x16x125x80xi32, #tpu.memory_space<hbm>> -> memref<1x1x125x80xi32, #tpu.memory_space<hbm>>
      %dma_wait3A_46 = tpu.memref_squeeze %dma_wait3A_45 : memref<1x1x125x80xi32, #tpu.memory_space<hbm>> -> memref<125x80xi32, #tpu.memory_space<hbm>>
      %dma_wait3A_47 = arith.constant 0 : i32
      %dma_wait3A_48 = arith.constant 0 : i32
      %dma_wait3A_49 = tpu.memref_slice %arg2[%arg0, %arg1, %dma_wait3A_47, %dma_wait3A_48] : memref<2x16x125x80xi32, #tpu.memory_space<hbm>> -> memref<1x1x125x80xi32, #tpu.memory_space<hbm>>
      %dma_wait3A_50 = tpu.memref_squeeze %dma_wait3A_49 : memref<1x1x125x80xi32, #tpu.memory_space<hbm>> -> memref<125x80xi32, #tpu.memory_space<hbm>>
      tpu.wait_dma2 semaphore(%run_scoped3A_36 : memref<!tpu.dma_semaphore, #tpu.memory_space<semaphore_mem>>) src(%dma_wait3A_50 : memref<125x80xi32, #tpu.memory_space<hbm>>) dst(%arg5 : memref<125x80xi32, #tpu.memory_space<vmem>>)
      tpu.yield
    }) : () -> ()
    "tpu.region"() ({
      %run_scoped3A_36 = tpu.sem_alloc : memref<!tpu.dma_semaphore, #tpu.memory_space<semaphore_mem>>
      %dma_start3A = arith.constant 0 : i32
      %dma_start3A_37 = arith.constant 0 : i32
      %dma_start3A_38 = tpu.memref_slice %arg3[%arg0, %arg1, %dma_start3A, %dma_start3A_37] : memref<2x16x125x80xi32, #tpu.memory_space<hbm>> -> memref<1x1x125x80xi32, #tpu.memory_space<hbm>>
      %dma_start3A_39 = tpu.memref_squeeze %dma_start3A_38 : memref<1x1x125x80xi32, #tpu.memory_space<hbm>> -> memref<125x80xi32, #tpu.memory_space<hbm>>
      %dma_start3A_40 = arith.constant 0 : i32
      %dma_start3A_41 = arith.constant 0 : i32
      %dma_start3A_42 = tpu.memref_slice %arg3[%arg0, %arg1, %dma_start3A_40, %dma_start3A_41] : memref<2x16x125x80xi32, #tpu.memory_space<hbm>> -> memref<1x1x125x80xi32, #tpu.memory_space<hbm>>
      %dma_start3A_43 = tpu.memref_squeeze %dma_start3A_42 : memref<1x1x125x80xi32, #tpu.memory_space<hbm>> -> memref<125x80xi32, #tpu.memory_space<hbm>>
      tpu.enqueue_dma source(%dma_start3A_43 : memref<125x80xi32, #tpu.memory_space<hbm>>) target(%arg6 : memref<125x80xi32, #tpu.memory_space<vmem>>) target_semaphore(%run_scoped3A_36 : memref<!tpu.dma_semaphore, #tpu.memory_space<semaphore_mem>>)
      %dma_wait3A = arith.constant 0 : i32
      %dma_wait3A_44 = arith.constant 0 : i32
      %dma_wait3A_45 = tpu.memref_slice %arg3[%arg0, %arg1, %dma_wait3A, %dma_wait3A_44] : memref<2x16x125x80xi32, #tpu.memory_space<hbm>> -> memref<1x1x125x80xi32, #tpu.memory_space<hbm>>
      %dma_wait3A_46 = tpu.memref_squeeze %dma_wait3A_45 : memref<1x1x125x80xi32, #tpu.memory_space<hbm>> -> memref<125x80xi32, #tpu.memory_space<hbm>>
      %dma_wait3A_47 = arith.constant 0 : i32
      %dma_wait3A_48 = arith.constant 0 : i32
      %dma_wait3A_49 = tpu.memref_slice %arg3[%arg0, %arg1, %dma_wait3A_47, %dma_wait3A_48] : memref<2x16x125x80xi32, #tpu.memory_space<hbm>> -> memref<1x1x125x80xi32, #tpu.memory_space<hbm>>
      %dma_wait3A_50 = tpu.memref_squeeze %dma_wait3A_49 : memref<1x1x125x80xi32, #tpu.memory_space<hbm>> -> memref<125x80xi32, #tpu.memory_space<hbm>>
      tpu.wait_dma2 semaphore(%run_scoped3A_36 : memref<!tpu.dma_semaphore, #tpu.memory_space<semaphore_mem>>) src(%dma_wait3A_50 : memref<125x80xi32, #tpu.memory_space<hbm>>) dst(%arg6 : memref<125x80xi32, #tpu.memory_space<vmem>>)
      tpu.yield
    }) : () -> ()
    %scan3A = arith.constant 0 : i32
    %scan3A_0 = arith.constant 0 : i32
    %scan3A_1 = arith.constant 80 : i32
    %scan3A_2 = arith.addi %scan3A_0, %scan3A_1 : i32
    %scan3A_3 = arith.constant 1 : i32
    scf.for %scan3A_36 = %scan3A_0 to %scan3A_2 step %scan3A_3  : i32 {
      %broadcast_in_dim3A = arith.constant 1.000000e+00 : f32
      %broadcast_in_dim3A_37 = vector.broadcast %broadcast_in_dim3A : f32 to vector<16xf32>
      %swap3A = arith.index_cast %scan3A_36 : i32 to index
      %swap3A_38 = arith.constant 0 : index
      %swap3A_39 = tpu.vector_load %arg7[%swap3A, %swap3A_38] {strides = array<i32>} : memref<80x16xf32, #tpu.memory_space<vmem>>, vector<1x16xf32>,
      %swap3A_40 = vector.shape_cast %swap3A_39 : vector<1x16xf32> to vector<16xf32>
      %swap3A_41 = vector.shape_cast %broadcast_in_dim3A_37 : vector<16xf32> to vector<1x16xf32>
      tpu.vector_store %arg7[%swap3A, %swap3A_38], %swap3A_41 {strides = array<i32>} : memref<80x16xf32, #tpu.memory_space<vmem>>, vector<1x16xf32>,
    }
    %scan3A_4 = arith.constant 80 : i32
    %scan3A_5 = arith.constant 0 : i32
    %scan3A_6 = arith.constant 0 : i32
    %scan3A_7 = arith.constant 626 : i32
    %scan3A_8 = arith.addi %scan3A_6, %scan3A_7 : i32
    %scan3A_9 = arith.constant 1 : i32
    scf.for %scan3A_36 = %scan3A_6 to %scan3A_8 step %scan3A_9  : i32 {
      %broadcast_in_dim3A = arith.constant 0.000000e+00 : f32
      %broadcast_in_dim3A_37 = vector.broadcast %broadcast_in_dim3A : f32 to vector<16xf32>
      %swap3A = arith.index_cast %scan3A_36 : i32 to index
      %swap3A_38 = arith.constant 0 : index
      %swap3A_39 = tpu.vector_load %arg8[%swap3A, %swap3A_38] {strides = array<i32>} : memref<626x16xf32, #tpu.memory_space<vmem>>, vector<1x16xf32>,
      %swap3A_40 = vector.shape_cast %swap3A_39 : vector<1x16xf32> to vector<16xf32>
      %swap3A_41 = vector.shape_cast %broadcast_in_dim3A_37 : vector<16xf32> to vector<1x16xf32>
      tpu.vector_store %arg8[%swap3A, %swap3A_38], %swap3A_41 {strides = array<i32>} : memref<626x16xf32, #tpu.memory_space<vmem>>, vector<1x16xf32>,
    }
    %scan3A_10 = arith.constant 626 : i32
    %mul3A = arith.constant 626 : i32
    %mul3A_11 = arith.muli %arg1, %mul3A : i32
    "tpu.region"() ({
      %run_scoped3A_36 = tpu.sem_alloc : memref<!tpu.dma_semaphore, #tpu.memory_space<semaphore_mem>>
      %dma_start3A = arith.constant 0 : i32
      %dma_start3A_37 = tpu.memref_slice %arg9[%mul3A_11, %dma_start3A] : memref<10016x16xf32, #tpu.memory_space<vmem_shared>> -> memref<626x16xf32, #tpu.memory_space<vmem_shared>>
      %dma_start3A_38 = arith.constant 0 : i32
      %dma_start3A_39 = tpu.memref_slice %arg9[%mul3A_11, %dma_start3A_38] : memref<10016x16xf32, #tpu.memory_space<vmem_shared>> -> memref<626x16xf32, #tpu.memory_space<vmem_shared>>
      tpu.enqueue_dma source(%arg8 : memref<626x16xf32, #tpu.memory_space<vmem>>) target(%dma_start3A_39 : memref<626x16xf32, #tpu.memory_space<vmem_shared>>) target_semaphore(%run_scoped3A_36 : memref<!tpu.dma_semaphore, #tpu.memory_space<semaphore_mem>>)
      %dma_wait3A = arith.constant 0 : i32
      %dma_wait3A_40 = tpu.memref_slice %arg9[%mul3A_11, %dma_wait3A] : memref<10016x16xf32, #tpu.memory_space<vmem_shared>> -> memref<626x16xf32, #tpu.memory_space<vmem_shared>>
      %dma_wait3A_41 = arith.constant 0 : i32
      %dma_wait3A_42 = tpu.memref_slice %arg9[%mul3A_11, %dma_wait3A_41] : memref<10016x16xf32, #tpu.memory_space<vmem_shared>> -> memref<626x16xf32, #tpu.memory_space<vmem_shared>>
      tpu.wait_dma2 semaphore(%run_scoped3A_36 : memref<!tpu.dma_semaphore, #tpu.memory_space<semaphore_mem>>) src(%arg8 : memref<626x16xf32, #tpu.memory_space<vmem>>) dst(%dma_wait3A_42 : memref<626x16xf32, #tpu.memory_space<vmem_shared>>)
      tpu.yield
    }) : () -> ()
    %mul3A_12 = arith.constant 626 : i32
    %mul3A_13 = arith.muli %arg1, %mul3A_12 : i32
    "tpu.region"() ({
      %run_scoped3A_36 = tpu.sem_alloc : memref<!tpu.dma_semaphore, #tpu.memory_space<semaphore_mem>>
      %dma_start3A = arith.constant 0 : i32
      %dma_start3A_37 = tpu.memref_slice %arg10[%mul3A_13, %dma_start3A] : memref<10016x16xf32, #tpu.memory_space<vmem_shared>> -> memref<626x16xf32, #tpu.memory_space<vmem_shared>>
      %dma_start3A_38 = arith.constant 0 : i32
      %dma_start3A_39 = tpu.memref_slice %arg10[%mul3A_13, %dma_start3A_38] : memref<10016x16xf32, #tpu.memory_space<vmem_shared>> -> memref<626x16xf32, #tpu.memory_space<vmem_shared>>
      tpu.enqueue_dma source(%arg8 : memref<626x16xf32, #tpu.memory_space<vmem>>) target(%dma_start3A_39 : memref<626x16xf32, #tpu.memory_space<vmem_shared>>) target_semaphore(%run_scoped3A_36 : memref<!tpu.dma_semaphore, #tpu.memory_space<semaphore_mem>>)
      %dma_wait3A = arith.constant 0 : i32
      %dma_wait3A_40 = tpu.memref_slice %arg10[%mul3A_13, %dma_wait3A] : memref<10016x16xf32, #tpu.memory_space<vmem_shared>> -> memref<626x16xf32, #tpu.memory_space<vmem_shared>>
      %dma_wait3A_41 = arith.constant 0 : i32
      %dma_wait3A_42 = tpu.memref_slice %arg10[%mul3A_13, %dma_wait3A_41] : memref<10016x16xf32, #tpu.memory_space<vmem_shared>> -> memref<626x16xf32, #tpu.memory_space<vmem_shared>>
      tpu.wait_dma2 semaphore(%run_scoped3A_36 : memref<!tpu.dma_semaphore, #tpu.memory_space<semaphore_mem>>) src(%arg8 : memref<626x16xf32, #tpu.memory_space<vmem>>) dst(%dma_wait3A_42 : memref<626x16xf32, #tpu.memory_space<vmem_shared>>)
      tpu.yield
    }) : () -> ()
    %barrier3A = arith.constant 0 : index
    tpu.barrier barrier_id(%barrier3A)
    %scan3A_14 = arith.constant 0 : i32
    %scan3A_15 = arith.constant 0 : i32
    %scan3A_16 = arith.constant 125 : i32
    %scan3A_17 = arith.addi %scan3A_15, %scan3A_16 : i32
    %scan3A_18 = arith.constant 1 : i32
    scf.for %scan3A_36 = %scan3A_15 to %scan3A_17 step %scan3A_18  : i32 {
      %dma_start3A = arith.constant 0 : i32
      %dma_start3A_37 = tpu.memref_slice %arg5[%scan3A_36, %dma_start3A] : memref<125x80xi32, #tpu.memory_space<vmem>> -> memref<1x80xi32, #tpu.memory_space<vmem>>
      %dma_start3A_38 = tpu.memref_squeeze %dma_start3A_37 : memref<1x80xi32, #tpu.memory_space<vmem>> -> memref<80xi32, #tpu.memory_space<vmem>>
      %dma_start3A_39 = arith.constant 0 : i32
      %dma_start3A_40 = arith.constant 0 : i32
      %dma_start3A_41 = tpu.memref_slice %arg9[%dma_start3A_39, %dma_start3A_40] : memref<10016x16xf32, #tpu.memory_space<vmem_shared>> -> memref<10016x16xf32, #tpu.memory_space<vmem_shared>>
      tpu.enqueue_indirect_dma source(%arg7 : memref<80x16xf32, #tpu.memory_space<vmem>>) target(%dma_start3A_41 : memref<10016x16xf32, #tpu.memory_space<vmem_shared>>) offsets(%dma_start3A_38 : memref<80xi32, #tpu.memory_space<vmem>>) semaphore(%arg11 : memref<!tpu.dma_semaphore, #tpu.memory_space<semaphore_mem>>) {add = true}
      %dma_start3A_42 = arith.constant 0 : i32
      %dma_start3A_43 = tpu.memref_slice %arg6[%scan3A_36, %dma_start3A_42] : memref<125x80xi32, #tpu.memory_space<vmem>> -> memref<1x80xi32, #tpu.memory_space<vmem>>
      %dma_start3A_44 = tpu.memref_squeeze %dma_start3A_43 : memref<1x80xi32, #tpu.memory_space<vmem>> -> memref<80xi32, #tpu.memory_space<vmem>>
      %dma_start3A_45 = arith.constant 0 : i32
      %dma_start3A_46 = arith.constant 0 : i32
      %dma_start3A_47 = tpu.memref_slice %arg10[%dma_start3A_45, %dma_start3A_46] : memref<10016x16xf32, #tpu.memory_space<vmem_shared>> -> memref<10016x16xf32, #tpu.memory_space<vmem_shared>>
      tpu.enqueue_indirect_dma source(%arg7 : memref<80x16xf32, #tpu.memory_space<vmem>>) target(%dma_start3A_47 : memref<10016x16xf32, #tpu.memory_space<vmem_shared>>) offsets(%dma_start3A_44 : memref<80xi32, #tpu.memory_space<vmem>>) semaphore(%arg11 : memref<!tpu.dma_semaphore, #tpu.memory_space<semaphore_mem>>) {add = true}
    }
    %scan3A_19 = arith.constant 125 : i32
    %scan3A_20 = arith.constant 0 : i32
    %scan3A_21 = arith.constant 0 : i32
    %scan3A_22 = arith.constant 125 : i32
    %scan3A_23 = arith.addi %scan3A_21, %scan3A_22 : i32
    %scan3A_24 = arith.constant 1 : i32
    scf.for %scan3A_36 = %scan3A_21 to %scan3A_23 step %scan3A_24  : i32 {
      %dma_wait3A = arith.constant 0 : i32
      %dma_wait3A_37 = tpu.memref_slice %arg5[%scan3A_36, %dma_wait3A] : memref<125x80xi32, #tpu.memory_space<vmem>> -> memref<1x80xi32, #tpu.memory_space<vmem>>
      %dma_wait3A_38 = tpu.memref_squeeze %dma_wait3A_37 : memref<1x80xi32, #tpu.memory_space<vmem>> -> memref<80xi32, #tpu.memory_space<vmem>>
      %dma_wait3A_39 = arith.constant 0 : i32
      %dma_wait3A_40 = arith.constant 0 : i32
      %dma_wait3A_41 = tpu.memref_slice %arg9[%dma_wait3A_39, %dma_wait3A_40] : memref<10016x16xf32, #tpu.memory_space<vmem_shared>> -> memref<10016x16xf32, #tpu.memory_space<vmem_shared>>
      tpu.wait_indirect_dma semaphore(%arg11 : memref<!tpu.dma_semaphore, #tpu.memory_space<semaphore_mem>>) src(%arg7 : memref<80x16xf32, #tpu.memory_space<vmem>>) dst(%dma_wait3A_41 : memref<10016x16xf32, #tpu.memory_space<vmem_shared>>)
      %dma_wait3A_42 = arith.constant 0 : i32
      %dma_wait3A_43 = tpu.memref_slice %arg6[%scan3A_36, %dma_wait3A_42] : memref<125x80xi32, #tpu.memory_space<vmem>> -> memref<1x80xi32, #tpu.memory_space<vmem>>
      %dma_wait3A_44 = tpu.memref_squeeze %dma_wait3A_43 : memref<1x80xi32, #tpu.memory_space<vmem>> -> memref<80xi32, #tpu.memory_space<vmem>>
      %dma_wait3A_45 = arith.constant 0 : i32
      %dma_wait3A_46 = arith.constant 0 : i32
      %dma_wait3A_47 = tpu.memref_slice %arg10[%dma_wait3A_45, %dma_wait3A_46] : memref<10016x16xf32, #tpu.memory_space<vmem_shared>> -> memref<10016x16xf32, #tpu.memory_space<vmem_shared>>
      tpu.wait_indirect_dma semaphore(%arg11 : memref<!tpu.dma_semaphore, #tpu.memory_space<semaphore_mem>>) src(%arg7 : memref<80x16xf32, #tpu.memory_space<vmem>>) dst(%dma_wait3A_47 : memref<10016x16xf32, #tpu.memory_space<vmem_shared>>)
    }
    %scan3A_25 = arith.constant 125 : i32
    %barrier3A_26 = arith.constant 0 : index
    tpu.barrier barrier_id(%barrier3A_26)
    %mul3A_27 = arith.constant 626 : i32
    %mul3A_28 = arith.muli %arg1, %mul3A_27 : i32
    %mul3A_29 = arith.constant 626 : i32
    %mul3A_30 = arith.muli %arg1, %mul3A_29 : i32
    %run_scoped3A = arith.constant 0 : i32
    "tpu.region"() ({
      %run_scoped3A_36 = tpu.sem_alloc : memref<!tpu.dma_semaphore, #tpu.memory_space<semaphore_mem>>
      %dma_start3A = arith.constant 0 : i32
      %dma_start3A_37 = tpu.memref_slice %arg4[%arg0, %run_scoped3A, %mul3A_30, %dma_start3A] : memref<2x2x10016x16xf32, #tpu.memory_space<hbm>> -> memref<1x1x626x16xf32, #tpu.memory_space<hbm>>
      %dma_start3A_38 = tpu.memref_squeeze %dma_start3A_37 : memref<1x1x626x16xf32, #tpu.memory_space<hbm>> -> memref<626x16xf32, #tpu.memory_space<hbm>>
      %dma_start3A_39 = arith.constant 0 : i32
      %dma_start3A_40 = tpu.memref_slice %arg9[%mul3A_28, %dma_start3A_39] : memref<10016x16xf32, #tpu.memory_space<vmem_shared>> -> memref<626x16xf32, #tpu.memory_space<vmem_shared>>
      tpu.enqueue_dma source(%dma_start3A_40 : memref<626x16xf32, #tpu.memory_space<vmem_shared>>) target(%dma_start3A_38 : memref<626x16xf32, #tpu.memory_space<hbm>>) target_semaphore(%run_scoped3A_36 : memref<!tpu.dma_semaphore, #tpu.memory_space<semaphore_mem>>)
      %dma_wait3A = arith.constant 0 : i32
      %dma_wait3A_41 = tpu.memref_slice %arg4[%arg0, %run_scoped3A, %mul3A_30, %dma_wait3A] : memref<2x2x10016x16xf32, #tpu.memory_space<hbm>> -> memref<1x1x626x16xf32, #tpu.memory_space<hbm>>
      %dma_wait3A_42 = tpu.memref_squeeze %dma_wait3A_41 : memref<1x1x626x16xf32, #tpu.memory_space<hbm>> -> memref<626x16xf32, #tpu.memory_space<hbm>>
      %dma_wait3A_43 = arith.constant 0 : i32
      %dma_wait3A_44 = tpu.memref_slice %arg9[%mul3A_28, %dma_wait3A_43] : memref<10016x16xf32, #tpu.memory_space<vmem_shared>> -> memref<626x16xf32, #tpu.memory_space<vmem_shared>>
      tpu.wait_dma2 semaphore(%run_scoped3A_36 : memref<!tpu.dma_semaphore, #tpu.memory_space<semaphore_mem>>) src(%dma_wait3A_44 : memref<626x16xf32, #tpu.memory_space<vmem_shared>>) dst(%dma_wait3A_42 : memref<626x16xf32, #tpu.memory_space<hbm>>)
      tpu.yield
    }) : () -> ()
    %mul3A_31 = arith.constant 626 : i32
    %mul3A_32 = arith.muli %arg1, %mul3A_31 : i32
    %mul3A_33 = arith.constant 626 : i32
    %mul3A_34 = arith.muli %arg1, %mul3A_33 : i32
    %run_scoped3A_35 = arith.constant 1 : i32
    "tpu.region"() ({
      %run_scoped3A_36 = tpu.sem_alloc : memref<!tpu.dma_semaphore, #tpu.memory_space<semaphore_mem>>
      %dma_start3A = arith.constant 0 : i32
      %dma_start3A_37 = tpu.memref_slice %arg4[%arg0, %run_scoped3A_35, %mul3A_34, %dma_start3A] : memref<2x2x10016x16xf32, #tpu.memory_space<hbm>> -> memref<1x1x626x16xf32, #tpu.memory_space<hbm>>
      %dma_start3A_38 = tpu.memref_squeeze %dma_start3A_37 : memref<1x1x626x16xf32, #tpu.memory_space<hbm>> -> memref<626x16xf32, #tpu.memory_space<hbm>>
      %dma_start3A_39 = arith.constant 0 : i32
      %dma_start3A_40 = tpu.memref_slice %arg10[%mul3A_32, %dma_start3A_39] : memref<10016x16xf32, #tpu.memory_space<vmem_shared>> -> memref<626x16xf32, #tpu.memory_space<vmem_shared>>
      tpu.enqueue_dma source(%dma_start3A_40 : memref<626x16xf32, #tpu.memory_space<vmem_shared>>) target(%dma_start3A_38 : memref<626x16xf32, #tpu.memory_space<hbm>>) target_semaphore(%run_scoped3A_36 : memref<!tpu.dma_semaphore, #tpu.memory_space<semaphore_mem>>)
      %dma_wait3A = arith.constant 0 : i32
      %dma_wait3A_41 = tpu.memref_slice %arg4[%arg0, %run_scoped3A_35, %mul3A_34, %dma_wait3A] : memref<2x2x10016x16xf32, #tpu.memory_space<hbm>> -> memref<1x1x626x16xf32, #tpu.memory_space<hbm>>
      %dma_wait3A_42 = tpu.memref_squeeze %dma_wait3A_41 : memref<1x1x626x16xf32, #tpu.memory_space<hbm>> -> memref<626x16xf32, #tpu.memory_space<hbm>>
      %dma_wait3A_43 = arith.constant 0 : i32
      %dma_wait3A_44 = tpu.memref_slice %arg10[%mul3A_32, %dma_wait3A_43] : memref<10016x16xf32, #tpu.memory_space<vmem_shared>> -> memref<626x16xf32, #tpu.memory_space<vmem_shared>>
      tpu.wait_dma2 semaphore(%run_scoped3A_36 : memref<!tpu.dma_semaphore, #tpu.memory_space<semaphore_mem>>) src(%dma_wait3A_44 : memref<626x16xf32, #tpu.memory_space<vmem_shared>>) dst(%dma_wait3A_42 : memref<626x16xf32, #tpu.memory_space<hbm>>)
      tpu.yield
    }) : () -> ()
    return
  }
}

#map = affine_map<(d0, d1) -> (0, 0)>
#map1 = affine_map<(d0, d1) -> (0, 0, 0, 0)>
#map2 = affine_map<(d0, d1) -> (0, 0, 0)>
module attributes {stable_mosaic.version = 14 : i64} {
  func.func @_agg_body(%arg0: i32, %arg1: i32, %arg2: memref<10016x128xf32, #tpu.memory_space<hbm>>, %arg3: memref<2x16x250x40xi32, #tpu.memory_space<hbm>>, %arg4: memref<2x16x250x40xi32, #tpu.memory_space<hbm>>, %arg5: memref<10016x128xf32, #tpu.memory_space<hbm>>, %arg6: memref<2x10016x128xf32, #tpu.memory_space<hbm>>, %arg7: memref<250x40xi32, #tpu.memory_space<vmem>>, %arg8: memref<250x40xi32, #tpu.memory_space<vmem>>, %arg9: memref<40x128xf32, #tpu.memory_space<vmem>>, %arg10: memref<40x128xf32, #tpu.memory_space<vmem>>, %arg11: memref<40x128xf32, #tpu.memory_space<vmem>>, %arg12: memref<40x128xf32, #tpu.memory_space<vmem>>, %arg13: memref<40x128xf32, #tpu.memory_space<vmem>>, %arg14: memref<40x128xf32, #tpu.memory_space<vmem>>, %arg15: memref<10016x128xf32, #tpu.memory_space<vmem_shared>>, %arg16: memref<!tpu.dma_semaphore, #tpu.memory_space<semaphore_mem>>, %arg17: memref<!tpu.dma_semaphore, #tpu.memory_space<semaphore_mem>>, %arg18: memref<!tpu.dma_semaphore, #tpu.memory_space<semaphore_mem>>, %arg19: memref<!tpu.dma_semaphore, #tpu.memory_space<semaphore_mem>>, %arg20: memref<!tpu.dma_semaphore, #tpu.memory_space<semaphore_mem>>, %arg21: memref<!tpu.dma_semaphore, #tpu.memory_space<semaphore_mem>>, %arg22: memref<!tpu.dma_semaphore, #tpu.memory_space<semaphore_mem>>, %arg23: memref<!tpu.dma_semaphore, #tpu.memory_space<semaphore_mem>>, %arg24: memref<!tpu.dma_semaphore, #tpu.memory_space<semaphore_mem>>, %arg25: memref<!tpu.dma_semaphore, #tpu.memory_space<semaphore_mem>>, %arg26: memref<!tpu.dma_semaphore, #tpu.memory_space<semaphore_mem>>, %arg27: memref<!tpu.dma_semaphore, #tpu.memory_space<semaphore_mem>>) attributes {dimension_semantics = [#tpu.dimension_semantics<core_parallel>, #tpu.dimension_semantics<subcore_parallel>], iteration_bounds = array<i64: 2, 16>, scalar_prefetch = 0 : i64, scratch_operands = 21 : i64, tpu.core_type = #tpu.core_type<sc_vector_subcore>, window_params = [{transform_indices = #map}, {transform_indices = #map1}, {transform_indices = #map1}, {transform_indices = #map}, {transform_indices = #map2}]} {
    "tpu.region"() ({
      %run_scoped3A = tpu.sem_alloc : memref<!tpu.dma_semaphore, #tpu.memory_space<semaphore_mem>>
      %dma_start3A_54 = arith.constant 0 : i32
      %dma_start3A_55 = arith.constant 0 : i32
      %dma_start3A_56 = tpu.memref_slice %arg3[%arg0, %arg1, %dma_start3A_54, %dma_start3A_55] : memref<2x16x250x40xi32, #tpu.memory_space<hbm>> -> memref<1x1x250x40xi32, #tpu.memory_space<hbm>>
      %dma_start3A_57 = tpu.memref_squeeze %dma_start3A_56 : memref<1x1x250x40xi32, #tpu.memory_space<hbm>> -> memref<250x40xi32, #tpu.memory_space<hbm>>
      %dma_start3A_58 = arith.constant 0 : i32
      %dma_start3A_59 = arith.constant 0 : i32
      %dma_start3A_60 = tpu.memref_slice %arg3[%arg0, %arg1, %dma_start3A_58, %dma_start3A_59] : memref<2x16x250x40xi32, #tpu.memory_space<hbm>> -> memref<1x1x250x40xi32, #tpu.memory_space<hbm>>
      %dma_start3A_61 = tpu.memref_squeeze %dma_start3A_60 : memref<1x1x250x40xi32, #tpu.memory_space<hbm>> -> memref<250x40xi32, #tpu.memory_space<hbm>>
      tpu.enqueue_dma source(%dma_start3A_61 : memref<250x40xi32, #tpu.memory_space<hbm>>) target(%arg7 : memref<250x40xi32, #tpu.memory_space<vmem>>) target_semaphore(%run_scoped3A : memref<!tpu.dma_semaphore, #tpu.memory_space<semaphore_mem>>)
      %dma_wait3A = arith.constant 0 : i32
      %dma_wait3A_62 = arith.constant 0 : i32
      %dma_wait3A_63 = tpu.memref_slice %arg3[%arg0, %arg1, %dma_wait3A, %dma_wait3A_62] : memref<2x16x250x40xi32, #tpu.memory_space<hbm>> -> memref<1x1x250x40xi32, #tpu.memory_space<hbm>>
      %dma_wait3A_64 = tpu.memref_squeeze %dma_wait3A_63 : memref<1x1x250x40xi32, #tpu.memory_space<hbm>> -> memref<250x40xi32, #tpu.memory_space<hbm>>
      %dma_wait3A_65 = arith.constant 0 : i32
      %dma_wait3A_66 = arith.constant 0 : i32
      %dma_wait3A_67 = tpu.memref_slice %arg3[%arg0, %arg1, %dma_wait3A_65, %dma_wait3A_66] : memref<2x16x250x40xi32, #tpu.memory_space<hbm>> -> memref<1x1x250x40xi32, #tpu.memory_space<hbm>>
      %dma_wait3A_68 = tpu.memref_squeeze %dma_wait3A_67 : memref<1x1x250x40xi32, #tpu.memory_space<hbm>> -> memref<250x40xi32, #tpu.memory_space<hbm>>
      tpu.wait_dma2 semaphore(%run_scoped3A : memref<!tpu.dma_semaphore, #tpu.memory_space<semaphore_mem>>) src(%dma_wait3A_68 : memref<250x40xi32, #tpu.memory_space<hbm>>) dst(%arg7 : memref<250x40xi32, #tpu.memory_space<vmem>>)
      tpu.yield
    }) : () -> ()
    "tpu.region"() ({
      %run_scoped3A = tpu.sem_alloc : memref<!tpu.dma_semaphore, #tpu.memory_space<semaphore_mem>>
      %dma_start3A_54 = arith.constant 0 : i32
      %dma_start3A_55 = arith.constant 0 : i32
      %dma_start3A_56 = tpu.memref_slice %arg4[%arg0, %arg1, %dma_start3A_54, %dma_start3A_55] : memref<2x16x250x40xi32, #tpu.memory_space<hbm>> -> memref<1x1x250x40xi32, #tpu.memory_space<hbm>>
      %dma_start3A_57 = tpu.memref_squeeze %dma_start3A_56 : memref<1x1x250x40xi32, #tpu.memory_space<hbm>> -> memref<250x40xi32, #tpu.memory_space<hbm>>
      %dma_start3A_58 = arith.constant 0 : i32
      %dma_start3A_59 = arith.constant 0 : i32
      %dma_start3A_60 = tpu.memref_slice %arg4[%arg0, %arg1, %dma_start3A_58, %dma_start3A_59] : memref<2x16x250x40xi32, #tpu.memory_space<hbm>> -> memref<1x1x250x40xi32, #tpu.memory_space<hbm>>
      %dma_start3A_61 = tpu.memref_squeeze %dma_start3A_60 : memref<1x1x250x40xi32, #tpu.memory_space<hbm>> -> memref<250x40xi32, #tpu.memory_space<hbm>>
      tpu.enqueue_dma source(%dma_start3A_61 : memref<250x40xi32, #tpu.memory_space<hbm>>) target(%arg8 : memref<250x40xi32, #tpu.memory_space<vmem>>) target_semaphore(%run_scoped3A : memref<!tpu.dma_semaphore, #tpu.memory_space<semaphore_mem>>)
      %dma_wait3A = arith.constant 0 : i32
      %dma_wait3A_62 = arith.constant 0 : i32
      %dma_wait3A_63 = tpu.memref_slice %arg4[%arg0, %arg1, %dma_wait3A, %dma_wait3A_62] : memref<2x16x250x40xi32, #tpu.memory_space<hbm>> -> memref<1x1x250x40xi32, #tpu.memory_space<hbm>>
      %dma_wait3A_64 = tpu.memref_squeeze %dma_wait3A_63 : memref<1x1x250x40xi32, #tpu.memory_space<hbm>> -> memref<250x40xi32, #tpu.memory_space<hbm>>
      %dma_wait3A_65 = arith.constant 0 : i32
      %dma_wait3A_66 = arith.constant 0 : i32
      %dma_wait3A_67 = tpu.memref_slice %arg4[%arg0, %arg1, %dma_wait3A_65, %dma_wait3A_66] : memref<2x16x250x40xi32, #tpu.memory_space<hbm>> -> memref<1x1x250x40xi32, #tpu.memory_space<hbm>>
      %dma_wait3A_68 = tpu.memref_squeeze %dma_wait3A_67 : memref<1x1x250x40xi32, #tpu.memory_space<hbm>> -> memref<250x40xi32, #tpu.memory_space<hbm>>
      tpu.wait_dma2 semaphore(%run_scoped3A : memref<!tpu.dma_semaphore, #tpu.memory_space<semaphore_mem>>) src(%dma_wait3A_68 : memref<250x40xi32, #tpu.memory_space<hbm>>) dst(%arg8 : memref<250x40xi32, #tpu.memory_space<vmem>>)
      tpu.yield
    }) : () -> ()
    %dma_start3A = arith.constant 0 : i32
    %dma_start3A_0 = arith.constant 0 : i32
    %dma_start3A_1 = tpu.memref_slice %arg7[%dma_start3A, %dma_start3A_0] : memref<250x40xi32, #tpu.memory_space<vmem>> -> memref<1x40xi32, #tpu.memory_space<vmem>>
    %dma_start3A_2 = tpu.memref_squeeze %dma_start3A_1 : memref<1x40xi32, #tpu.memory_space<vmem>> -> memref<40xi32, #tpu.memory_space<vmem>>
    %dma_start3A_3 = arith.constant 0 : i32
    %dma_start3A_4 = arith.constant 0 : i32
    %dma_start3A_5 = tpu.memref_slice %arg2[%dma_start3A_3, %dma_start3A_4] : memref<10016x128xf32, #tpu.memory_space<hbm>> -> memref<10016x128xf32, #tpu.memory_space<hbm>>
    tpu.enqueue_indirect_dma source(%dma_start3A_5 : memref<10016x128xf32, #tpu.memory_space<hbm>>) target(%arg9 : memref<40x128xf32, #tpu.memory_space<vmem>>) offsets(%dma_start3A_2 : memref<40xi32, #tpu.memory_space<vmem>>) semaphore(%arg16 : memref<!tpu.dma_semaphore, #tpu.memory_space<semaphore_mem>>)
    %dma_start3A_6 = arith.constant 1 : i32
    %dma_start3A_7 = arith.constant 0 : i32
    %dma_start3A_8 = tpu.memref_slice %arg7[%dma_start3A_6, %dma_start3A_7] : memref<250x40xi32, #tpu.memory_space<vmem>> -> memref<1x40xi32, #tpu.memory_space<vmem>>
    %dma_start3A_9 = tpu.memref_squeeze %dma_start3A_8 : memref<1x40xi32, #tpu.memory_space<vmem>> -> memref<40xi32, #tpu.memory_space<vmem>>
    %dma_start3A_10 = arith.constant 0 : i32
    %dma_start3A_11 = arith.constant 0 : i32
    %dma_start3A_12 = tpu.memref_slice %arg2[%dma_start3A_10, %dma_start3A_11] : memref<10016x128xf32, #tpu.memory_space<hbm>> -> memref<10016x128xf32, #tpu.memory_space<hbm>>
    tpu.enqueue_indirect_dma source(%dma_start3A_12 : memref<10016x128xf32, #tpu.memory_space<hbm>>) target(%arg10 : memref<40x128xf32, #tpu.memory_space<vmem>>) offsets(%dma_start3A_9 : memref<40xi32, #tpu.memory_space<vmem>>) semaphore(%arg17 : memref<!tpu.dma_semaphore, #tpu.memory_space<semaphore_mem>>)
    %dma_start3A_13 = arith.constant 2 : i32
    %dma_start3A_14 = arith.constant 0 : i32
    %dma_start3A_15 = tpu.memref_slice %arg7[%dma_start3A_13, %dma_start3A_14] : memref<250x40xi32, #tpu.memory_space<vmem>> -> memref<1x40xi32, #tpu.memory_space<vmem>>
    %dma_start3A_16 = tpu.memref_squeeze %dma_start3A_15 : memref<1x40xi32, #tpu.memory_space<vmem>> -> memref<40xi32, #tpu.memory_space<vmem>>
    %dma_start3A_17 = arith.constant 0 : i32
    %dma_start3A_18 = arith.constant 0 : i32
    %dma_start3A_19 = tpu.memref_slice %arg2[%dma_start3A_17, %dma_start3A_18] : memref<10016x128xf32, #tpu.memory_space<hbm>> -> memref<10016x128xf32, #tpu.memory_space<hbm>>
    tpu.enqueue_indirect_dma source(%dma_start3A_19 : memref<10016x128xf32, #tpu.memory_space<hbm>>) target(%arg11 : memref<40x128xf32, #tpu.memory_space<vmem>>) offsets(%dma_start3A_16 : memref<40xi32, #tpu.memory_space<vmem>>) semaphore(%arg18 : memref<!tpu.dma_semaphore, #tpu.memory_space<semaphore_mem>>)
    %dma_start3A_20 = arith.constant 3 : i32
    %dma_start3A_21 = arith.constant 0 : i32
    %dma_start3A_22 = tpu.memref_slice %arg7[%dma_start3A_20, %dma_start3A_21] : memref<250x40xi32, #tpu.memory_space<vmem>> -> memref<1x40xi32, #tpu.memory_space<vmem>>
    %dma_start3A_23 = tpu.memref_squeeze %dma_start3A_22 : memref<1x40xi32, #tpu.memory_space<vmem>> -> memref<40xi32, #tpu.memory_space<vmem>>
    %dma_start3A_24 = arith.constant 0 : i32
    %dma_start3A_25 = arith.constant 0 : i32
    %dma_start3A_26 = tpu.memref_slice %arg2[%dma_start3A_24, %dma_start3A_25] : memref<10016x128xf32, #tpu.memory_space<hbm>> -> memref<10016x128xf32, #tpu.memory_space<hbm>>
    tpu.enqueue_indirect_dma source(%dma_start3A_26 : memref<10016x128xf32, #tpu.memory_space<hbm>>) target(%arg12 : memref<40x128xf32, #tpu.memory_space<vmem>>) offsets(%dma_start3A_23 : memref<40xi32, #tpu.memory_space<vmem>>) semaphore(%arg19 : memref<!tpu.dma_semaphore, #tpu.memory_space<semaphore_mem>>)
    %dma_start3A_27 = arith.constant 4 : i32
    %dma_start3A_28 = arith.constant 0 : i32
    %dma_start3A_29 = tpu.memref_slice %arg7[%dma_start3A_27, %dma_start3A_28] : memref<250x40xi32, #tpu.memory_space<vmem>> -> memref<1x40xi32, #tpu.memory_space<vmem>>
    %dma_start3A_30 = tpu.memref_squeeze %dma_start3A_29 : memref<1x40xi32, #tpu.memory_space<vmem>> -> memref<40xi32, #tpu.memory_space<vmem>>
    %dma_start3A_31 = arith.constant 0 : i32
    %dma_start3A_32 = arith.constant 0 : i32
    %dma_start3A_33 = tpu.memref_slice %arg2[%dma_start3A_31, %dma_start3A_32] : memref<10016x128xf32, #tpu.memory_space<hbm>> -> memref<10016x128xf32, #tpu.memory_space<hbm>>
    tpu.enqueue_indirect_dma source(%dma_start3A_33 : memref<10016x128xf32, #tpu.memory_space<hbm>>) target(%arg13 : memref<40x128xf32, #tpu.memory_space<vmem>>) offsets(%dma_start3A_30 : memref<40xi32, #tpu.memory_space<vmem>>) semaphore(%arg20 : memref<!tpu.dma_semaphore, #tpu.memory_space<semaphore_mem>>)
    %dma_start3A_34 = arith.constant 5 : i32
    %dma_start3A_35 = arith.constant 0 : i32
    %dma_start3A_36 = tpu.memref_slice %arg7[%dma_start3A_34, %dma_start3A_35] : memref<250x40xi32, #tpu.memory_space<vmem>> -> memref<1x40xi32, #tpu.memory_space<vmem>>
    %dma_start3A_37 = tpu.memref_squeeze %dma_start3A_36 : memref<1x40xi32, #tpu.memory_space<vmem>> -> memref<40xi32, #tpu.memory_space<vmem>>
    %dma_start3A_38 = arith.constant 0 : i32
    %dma_start3A_39 = arith.constant 0 : i32
    %dma_start3A_40 = tpu.memref_slice %arg2[%dma_start3A_38, %dma_start3A_39] : memref<10016x128xf32, #tpu.memory_space<hbm>> -> memref<10016x128xf32, #tpu.memory_space<hbm>>
    tpu.enqueue_indirect_dma source(%dma_start3A_40 : memref<10016x128xf32, #tpu.memory_space<hbm>>) target(%arg14 : memref<40x128xf32, #tpu.memory_space<vmem>>) offsets(%dma_start3A_37 : memref<40xi32, #tpu.memory_space<vmem>>) semaphore(%arg21 : memref<!tpu.dma_semaphore, #tpu.memory_space<semaphore_mem>>)
    %mul3A = arith.constant 626 : i32
    %mul3A_41 = arith.muli %arg1, %mul3A : i32
    %mul3A_42 = arith.constant 626 : i32
    %mul3A_43 = arith.muli %arg1, %mul3A_42 : i32
    "tpu.region"() ({
      %run_scoped3A = tpu.sem_alloc : memref<!tpu.dma_semaphore, #tpu.memory_space<semaphore_mem>>
      %dma_start3A_54 = arith.constant 0 : i32
      %dma_start3A_55 = tpu.memref_slice %arg15[%mul3A_43, %dma_start3A_54] : memref<10016x128xf32, #tpu.memory_space<vmem_shared>> -> memref<626x128xf32, #tpu.memory_space<vmem_shared>>
      %dma_start3A_56 = arith.constant 0 : i32
      %dma_start3A_57 = tpu.memref_slice %arg5[%mul3A_41, %dma_start3A_56] : memref<10016x128xf32, #tpu.memory_space<hbm>> -> memref<626x128xf32, #tpu.memory_space<hbm>>
      tpu.enqueue_dma source(%dma_start3A_57 : memref<626x128xf32, #tpu.memory_space<hbm>>) target(%dma_start3A_55 : memref<626x128xf32, #tpu.memory_space<vmem_shared>>) target_semaphore(%run_scoped3A : memref<!tpu.dma_semaphore, #tpu.memory_space<semaphore_mem>>)
      %dma_wait3A = arith.constant 0 : i32
      %dma_wait3A_58 = tpu.memref_slice %arg15[%mul3A_43, %dma_wait3A] : memref<10016x128xf32, #tpu.memory_space<vmem_shared>> -> memref<626x128xf32, #tpu.memory_space<vmem_shared>>
      %dma_wait3A_59 = arith.constant 0 : i32
      %dma_wait3A_60 = tpu.memref_slice %arg5[%mul3A_41, %dma_wait3A_59] : memref<10016x128xf32, #tpu.memory_space<hbm>> -> memref<626x128xf32, #tpu.memory_space<hbm>>
      tpu.wait_dma2 semaphore(%run_scoped3A : memref<!tpu.dma_semaphore, #tpu.memory_space<semaphore_mem>>) src(%dma_wait3A_60 : memref<626x128xf32, #tpu.memory_space<hbm>>) dst(%dma_wait3A_58 : memref<626x128xf32, #tpu.memory_space<vmem_shared>>)
      tpu.yield
    }) : () -> ()
    %barrier3A = arith.constant 0 : index
    tpu.barrier barrier_id(%barrier3A)
    %scan3A = arith.constant 0 : i32
    %scan3A_44 = arith.constant 0 : i32
    %scan3A_45 = arith.constant 42 : i32
    %scan3A_46 = arith.addi %scan3A_44, %scan3A_45 : i32
    %scan3A_47 = arith.constant 1 : i32
    scf.for %scan3A_54 = %scan3A_44 to %scan3A_46 step %scan3A_47  : i32 {
      %mul3A_55 = arith.constant 6 : i32
      %mul3A_56 = arith.muli %scan3A_54, %mul3A_55 : i32
      %add3A = arith.constant 0 : i32
      %add3A_57 = arith.addi %mul3A_56, %add3A : i32
      %lt3A = arith.constant 250 : i32
      %lt3A_58 = arith.cmpi slt, %add3A_57, %lt3A : i32
      %convert_element_type3A = arith.extui %lt3A_58 : i1 to i32
      %cond3A = arith.constant 0 : i32
      %cond3A_59 = arith.cmpi ne, %convert_element_type3A, %cond3A : i32
      scf.if %cond3A_59 {
        %dma_wait3A = arith.constant 0 : i32
        %dma_wait3A_201 = tpu.memref_slice %arg7[%add3A_57, %dma_wait3A] : memref<250x40xi32, #tpu.memory_space<vmem>> -> memref<1x40xi32, #tpu.memory_space<vmem>>
        %dma_wait3A_202 = tpu.memref_squeeze %dma_wait3A_201 : memref<1x40xi32, #tpu.memory_space<vmem>> -> memref<40xi32, #tpu.memory_space<vmem>>
        %dma_wait3A_203 = arith.constant 0 : i32
        %dma_wait3A_204 = arith.constant 0 : i32
        %dma_wait3A_205 = tpu.memref_slice %arg2[%dma_wait3A_203, %dma_wait3A_204] : memref<10016x128xf32, #tpu.memory_space<hbm>> -> memref<10016x128xf32, #tpu.memory_space<hbm>>
        tpu.wait_indirect_dma semaphore(%arg16 : memref<!tpu.dma_semaphore, #tpu.memory_space<semaphore_mem>>) src(%dma_wait3A_205 : memref<10016x128xf32, #tpu.memory_space<hbm>>) dst(%arg9 : memref<40x128xf32, #tpu.memory_space<vmem>>)
        %dma_start3A_206 = arith.constant 0 : i32
        %dma_start3A_207 = tpu.memref_slice %arg8[%add3A_57, %dma_start3A_206] : memref<250x40xi32, #tpu.memory_space<vmem>> -> memref<1x40xi32, #tpu.memory_space<vmem>>
        %dma_start3A_208 = tpu.memref_squeeze %dma_start3A_207 : memref<1x40xi32, #tpu.memory_space<vmem>> -> memref<40xi32, #tpu.memory_space<vmem>>
        %dma_start3A_209 = arith.constant 0 : i32
        %dma_start3A_210 = arith.constant 0 : i32
        %dma_start3A_211 = tpu.memref_slice %arg15[%dma_start3A_209, %dma_start3A_210] : memref<10016x128xf32, #tpu.memory_space<vmem_shared>> -> memref<10016x128xf32, #tpu.memory_space<vmem_shared>>
        tpu.enqueue_indirect_dma source(%arg9 : memref<40x128xf32, #tpu.memory_space<vmem>>) target(%dma_start3A_211 : memref<10016x128xf32, #tpu.memory_space<vmem_shared>>) offsets(%dma_start3A_208 : memref<40xi32, #tpu.memory_space<vmem>>) semaphore(%arg22 : memref<!tpu.dma_semaphore, #tpu.memory_space<semaphore_mem>>) {add = true}
      } else {
      }
      %mul3A_60 = arith.constant 6 : i32
      %mul3A_61 = arith.muli %scan3A_54, %mul3A_60 : i32
      %add3A_62 = arith.constant 1 : i32
      %add3A_63 = arith.addi %mul3A_61, %add3A_62 : i32
      %lt3A_64 = arith.constant 250 : i32
      %lt3A_65 = arith.cmpi slt, %add3A_63, %lt3A_64 : i32
      %convert_element_type3A_66 = arith.extui %lt3A_65 : i1 to i32
      %cond3A_67 = arith.constant 0 : i32
      %cond3A_68 = arith.cmpi ne, %convert_element_type3A_66, %cond3A_67 : i32
      scf.if %cond3A_68 {
        %dma_wait3A = arith.constant 0 : i32
        %dma_wait3A_201 = tpu.memref_slice %arg7[%add3A_63, %dma_wait3A] : memref<250x40xi32, #tpu.memory_space<vmem>> -> memref<1x40xi32, #tpu.memory_space<vmem>>
        %dma_wait3A_202 = tpu.memref_squeeze %dma_wait3A_201 : memref<1x40xi32, #tpu.memory_space<vmem>> -> memref<40xi32, #tpu.memory_space<vmem>>
        %dma_wait3A_203 = arith.constant 0 : i32
        %dma_wait3A_204 = arith.constant 0 : i32
        %dma_wait3A_205 = tpu.memref_slice %arg2[%dma_wait3A_203, %dma_wait3A_204] : memref<10016x128xf32, #tpu.memory_space<hbm>> -> memref<10016x128xf32, #tpu.memory_space<hbm>>
        tpu.wait_indirect_dma semaphore(%arg17 : memref<!tpu.dma_semaphore, #tpu.memory_space<semaphore_mem>>) src(%dma_wait3A_205 : memref<10016x128xf32, #tpu.memory_space<hbm>>) dst(%arg10 : memref<40x128xf32, #tpu.memory_space<vmem>>)
        %dma_start3A_206 = arith.constant 0 : i32
        %dma_start3A_207 = tpu.memref_slice %arg8[%add3A_63, %dma_start3A_206] : memref<250x40xi32, #tpu.memory_space<vmem>> -> memref<1x40xi32, #tpu.memory_space<vmem>>
        %dma_start3A_208 = tpu.memref_squeeze %dma_start3A_207 : memref<1x40xi32, #tpu.memory_space<vmem>> -> memref<40xi32, #tpu.memory_space<vmem>>
        %dma_start3A_209 = arith.constant 0 : i32
        %dma_start3A_210 = arith.constant 0 : i32
        %dma_start3A_211 = tpu.memref_slice %arg15[%dma_start3A_209, %dma_start3A_210] : memref<10016x128xf32, #tpu.memory_space<vmem_shared>> -> memref<10016x128xf32, #tpu.memory_space<vmem_shared>>
        tpu.enqueue_indirect_dma source(%arg10 : memref<40x128xf32, #tpu.memory_space<vmem>>) target(%dma_start3A_211 : memref<10016x128xf32, #tpu.memory_space<vmem_shared>>) offsets(%dma_start3A_208 : memref<40xi32, #tpu.memory_space<vmem>>) semaphore(%arg23 : memref<!tpu.dma_semaphore, #tpu.memory_space<semaphore_mem>>) {add = true}
      } else {
      }
      %mul3A_69 = arith.constant 6 : i32
      %mul3A_70 = arith.muli %scan3A_54, %mul3A_69 : i32
      %add3A_71 = arith.constant 2 : i32
      %add3A_72 = arith.addi %mul3A_70, %add3A_71 : i32
      %lt3A_73 = arith.constant 250 : i32
      %lt3A_74 = arith.cmpi slt, %add3A_72, %lt3A_73 : i32
      %convert_element_type3A_75 = arith.extui %lt3A_74 : i1 to i32
      %cond3A_76 = arith.constant 0 : i32
      %cond3A_77 = arith.cmpi ne, %convert_element_type3A_75, %cond3A_76 : i32
      scf.if %cond3A_77 {
        %dma_wait3A = arith.constant 0 : i32
        %dma_wait3A_201 = tpu.memref_slice %arg7[%add3A_72, %dma_wait3A] : memref<250x40xi32, #tpu.memory_space<vmem>> -> memref<1x40xi32, #tpu.memory_space<vmem>>
        %dma_wait3A_202 = tpu.memref_squeeze %dma_wait3A_201 : memref<1x40xi32, #tpu.memory_space<vmem>> -> memref<40xi32, #tpu.memory_space<vmem>>
        %dma_wait3A_203 = arith.constant 0 : i32
        %dma_wait3A_204 = arith.constant 0 : i32
        %dma_wait3A_205 = tpu.memref_slice %arg2[%dma_wait3A_203, %dma_wait3A_204] : memref<10016x128xf32, #tpu.memory_space<hbm>> -> memref<10016x128xf32, #tpu.memory_space<hbm>>
        tpu.wait_indirect_dma semaphore(%arg18 : memref<!tpu.dma_semaphore, #tpu.memory_space<semaphore_mem>>) src(%dma_wait3A_205 : memref<10016x128xf32, #tpu.memory_space<hbm>>) dst(%arg11 : memref<40x128xf32, #tpu.memory_space<vmem>>)
        %dma_start3A_206 = arith.constant 0 : i32
        %dma_start3A_207 = tpu.memref_slice %arg8[%add3A_72, %dma_start3A_206] : memref<250x40xi32, #tpu.memory_space<vmem>> -> memref<1x40xi32, #tpu.memory_space<vmem>>
        %dma_start3A_208 = tpu.memref_squeeze %dma_start3A_207 : memref<1x40xi32, #tpu.memory_space<vmem>> -> memref<40xi32, #tpu.memory_space<vmem>>
        %dma_start3A_209 = arith.constant 0 : i32
        %dma_start3A_210 = arith.constant 0 : i32
        %dma_start3A_211 = tpu.memref_slice %arg15[%dma_start3A_209, %dma_start3A_210] : memref<10016x128xf32, #tpu.memory_space<vmem_shared>> -> memref<10016x128xf32, #tpu.memory_space<vmem_shared>>
        tpu.enqueue_indirect_dma source(%arg11 : memref<40x128xf32, #tpu.memory_space<vmem>>) target(%dma_start3A_211 : memref<10016x128xf32, #tpu.memory_space<vmem_shared>>) offsets(%dma_start3A_208 : memref<40xi32, #tpu.memory_space<vmem>>) semaphore(%arg24 : memref<!tpu.dma_semaphore, #tpu.memory_space<semaphore_mem>>) {add = true}
      } else {
      }
      %mul3A_78 = arith.constant 6 : i32
      %mul3A_79 = arith.muli %scan3A_54, %mul3A_78 : i32
      %add3A_80 = arith.constant 3 : i32
      %add3A_81 = arith.addi %mul3A_79, %add3A_80 : i32
      %lt3A_82 = arith.constant 250 : i32
      %lt3A_83 = arith.cmpi slt, %add3A_81, %lt3A_82 : i32
      %convert_element_type3A_84 = arith.extui %lt3A_83 : i1 to i32
      %cond3A_85 = arith.constant 0 : i32
      %cond3A_86 = arith.cmpi ne, %convert_element_type3A_84, %cond3A_85 : i32
      scf.if %cond3A_86 {
        %dma_wait3A = arith.constant 0 : i32
        %dma_wait3A_201 = tpu.memref_slice %arg7[%add3A_81, %dma_wait3A] : memref<250x40xi32, #tpu.memory_space<vmem>> -> memref<1x40xi32, #tpu.memory_space<vmem>>
        %dma_wait3A_202 = tpu.memref_squeeze %dma_wait3A_201 : memref<1x40xi32, #tpu.memory_space<vmem>> -> memref<40xi32, #tpu.memory_space<vmem>>
        %dma_wait3A_203 = arith.constant 0 : i32
        %dma_wait3A_204 = arith.constant 0 : i32
        %dma_wait3A_205 = tpu.memref_slice %arg2[%dma_wait3A_203, %dma_wait3A_204] : memref<10016x128xf32, #tpu.memory_space<hbm>> -> memref<10016x128xf32, #tpu.memory_space<hbm>>
        tpu.wait_indirect_dma semaphore(%arg19 : memref<!tpu.dma_semaphore, #tpu.memory_space<semaphore_mem>>) src(%dma_wait3A_205 : memref<10016x128xf32, #tpu.memory_space<hbm>>) dst(%arg12 : memref<40x128xf32, #tpu.memory_space<vmem>>)
        %dma_start3A_206 = arith.constant 0 : i32
        %dma_start3A_207 = tpu.memref_slice %arg8[%add3A_81, %dma_start3A_206] : memref<250x40xi32, #tpu.memory_space<vmem>> -> memref<1x40xi32, #tpu.memory_space<vmem>>
        %dma_start3A_208 = tpu.memref_squeeze %dma_start3A_207 : memref<1x40xi32, #tpu.memory_space<vmem>> -> memref<40xi32, #tpu.memory_space<vmem>>
        %dma_start3A_209 = arith.constant 0 : i32
        %dma_start3A_210 = arith.constant 0 : i32
        %dma_start3A_211 = tpu.memref_slice %arg15[%dma_start3A_209, %dma_start3A_210] : memref<10016x128xf32, #tpu.memory_space<vmem_shared>> -> memref<10016x128xf32, #tpu.memory_space<vmem_shared>>
        tpu.enqueue_indirect_dma source(%arg12 : memref<40x128xf32, #tpu.memory_space<vmem>>) target(%dma_start3A_211 : memref<10016x128xf32, #tpu.memory_space<vmem_shared>>) offsets(%dma_start3A_208 : memref<40xi32, #tpu.memory_space<vmem>>) semaphore(%arg25 : memref<!tpu.dma_semaphore, #tpu.memory_space<semaphore_mem>>) {add = true}
      } else {
      }
      %mul3A_87 = arith.constant 6 : i32
      %mul3A_88 = arith.muli %scan3A_54, %mul3A_87 : i32
      %add3A_89 = arith.constant 4 : i32
      %add3A_90 = arith.addi %mul3A_88, %add3A_89 : i32
      %lt3A_91 = arith.constant 250 : i32
      %lt3A_92 = arith.cmpi slt, %add3A_90, %lt3A_91 : i32
      %convert_element_type3A_93 = arith.extui %lt3A_92 : i1 to i32
      %cond3A_94 = arith.constant 0 : i32
      %cond3A_95 = arith.cmpi ne, %convert_element_type3A_93, %cond3A_94 : i32
      scf.if %cond3A_95 {
        %dma_wait3A = arith.constant 0 : i32
        %dma_wait3A_201 = tpu.memref_slice %arg7[%add3A_90, %dma_wait3A] : memref<250x40xi32, #tpu.memory_space<vmem>> -> memref<1x40xi32, #tpu.memory_space<vmem>>
        %dma_wait3A_202 = tpu.memref_squeeze %dma_wait3A_201 : memref<1x40xi32, #tpu.memory_space<vmem>> -> memref<40xi32, #tpu.memory_space<vmem>>
        %dma_wait3A_203 = arith.constant 0 : i32
        %dma_wait3A_204 = arith.constant 0 : i32
        %dma_wait3A_205 = tpu.memref_slice %arg2[%dma_wait3A_203, %dma_wait3A_204] : memref<10016x128xf32, #tpu.memory_space<hbm>> -> memref<10016x128xf32, #tpu.memory_space<hbm>>
        tpu.wait_indirect_dma semaphore(%arg20 : memref<!tpu.dma_semaphore, #tpu.memory_space<semaphore_mem>>) src(%dma_wait3A_205 : memref<10016x128xf32, #tpu.memory_space<hbm>>) dst(%arg13 : memref<40x128xf32, #tpu.memory_space<vmem>>)
        %dma_start3A_206 = arith.constant 0 : i32
        %dma_start3A_207 = tpu.memref_slice %arg8[%add3A_90, %dma_start3A_206] : memref<250x40xi32, #tpu.memory_space<vmem>> -> memref<1x40xi32, #tpu.memory_space<vmem>>
        %dma_start3A_208 = tpu.memref_squeeze %dma_start3A_207 : memref<1x40xi32, #tpu.memory_space<vmem>> -> memref<40xi32, #tpu.memory_space<vmem>>
        %dma_start3A_209 = arith.constant 0 : i32
        %dma_start3A_210 = arith.constant 0 : i32
        %dma_start3A_211 = tpu.memref_slice %arg15[%dma_start3A_209, %dma_start3A_210] : memref<10016x128xf32, #tpu.memory_space<vmem_shared>> -> memref<10016x128xf32, #tpu.memory_space<vmem_shared>>
        tpu.enqueue_indirect_dma source(%arg13 : memref<40x128xf32, #tpu.memory_space<vmem>>) target(%dma_start3A_211 : memref<10016x128xf32, #tpu.memory_space<vmem_shared>>) offsets(%dma_start3A_208 : memref<40xi32, #tpu.memory_space<vmem>>) semaphore(%arg26 : memref<!tpu.dma_semaphore, #tpu.memory_space<semaphore_mem>>) {add = true}
      } else {
      }
      %mul3A_96 = arith.constant 6 : i32
      %mul3A_97 = arith.muli %scan3A_54, %mul3A_96 : i32
      %add3A_98 = arith.constant 5 : i32
      %add3A_99 = arith.addi %mul3A_97, %add3A_98 : i32
      %lt3A_100 = arith.constant 250 : i32
      %lt3A_101 = arith.cmpi slt, %add3A_99, %lt3A_100 : i32
      %convert_element_type3A_102 = arith.extui %lt3A_101 : i1 to i32
      %cond3A_103 = arith.constant 0 : i32
      %cond3A_104 = arith.cmpi ne, %convert_element_type3A_102, %cond3A_103 : i32
      scf.if %cond3A_104 {
        %dma_wait3A = arith.constant 0 : i32
        %dma_wait3A_201 = tpu.memref_slice %arg7[%add3A_99, %dma_wait3A] : memref<250x40xi32, #tpu.memory_space<vmem>> -> memref<1x40xi32, #tpu.memory_space<vmem>>
        %dma_wait3A_202 = tpu.memref_squeeze %dma_wait3A_201 : memref<1x40xi32, #tpu.memory_space<vmem>> -> memref<40xi32, #tpu.memory_space<vmem>>
        %dma_wait3A_203 = arith.constant 0 : i32
        %dma_wait3A_204 = arith.constant 0 : i32
        %dma_wait3A_205 = tpu.memref_slice %arg2[%dma_wait3A_203, %dma_wait3A_204] : memref<10016x128xf32, #tpu.memory_space<hbm>> -> memref<10016x128xf32, #tpu.memory_space<hbm>>
        tpu.wait_indirect_dma semaphore(%arg21 : memref<!tpu.dma_semaphore, #tpu.memory_space<semaphore_mem>>) src(%dma_wait3A_205 : memref<10016x128xf32, #tpu.memory_space<hbm>>) dst(%arg14 : memref<40x128xf32, #tpu.memory_space<vmem>>)
        %dma_start3A_206 = arith.constant 0 : i32
        %dma_start3A_207 = tpu.memref_slice %arg8[%add3A_99, %dma_start3A_206] : memref<250x40xi32, #tpu.memory_space<vmem>> -> memref<1x40xi32, #tpu.memory_space<vmem>>
        %dma_start3A_208 = tpu.memref_squeeze %dma_start3A_207 : memref<1x40xi32, #tpu.memory_space<vmem>> -> memref<40xi32, #tpu.memory_space<vmem>>
        %dma_start3A_209 = arith.constant 0 : i32
        %dma_start3A_210 = arith.constant 0 : i32
        %dma_start3A_211 = tpu.memref_slice %arg15[%dma_start3A_209, %dma_start3A_210] : memref<10016x128xf32, #tpu.memory_space<vmem_shared>> -> memref<10016x128xf32, #tpu.memory_space<vmem_shared>>
        tpu.enqueue_indirect_dma source(%arg14 : memref<40x128xf32, #tpu.memory_space<vmem>>) target(%dma_start3A_211 : memref<10016x128xf32, #tpu.memory_space<vmem_shared>>) offsets(%dma_start3A_208 : memref<40xi32, #tpu.memory_space<vmem>>) semaphore(%arg27 : memref<!tpu.dma_semaphore, #tpu.memory_space<semaphore_mem>>) {add = true}
      } else {
      }
      %mul3A_105 = arith.constant 6 : i32
      %mul3A_106 = arith.muli %scan3A_54, %mul3A_105 : i32
      %add3A_107 = arith.constant 0 : i32
      %add3A_108 = arith.addi %mul3A_106, %add3A_107 : i32
      %add3A_109 = arith.constant 6 : i32
      %add3A_110 = arith.addi %add3A_108, %add3A_109 : i32
      %lt3A_111 = arith.constant 250 : i32
      %lt3A_112 = arith.cmpi slt, %add3A_108, %lt3A_111 : i32
      %convert_element_type3A_113 = arith.extui %lt3A_112 : i1 to i32
      %cond3A_114 = arith.constant 0 : i32
      %cond3A_115 = arith.cmpi ne, %convert_element_type3A_113, %cond3A_114 : i32
      scf.if %cond3A_115 {
        %dma_wait3A = arith.constant 0 : i32
        %dma_wait3A_201 = tpu.memref_slice %arg8[%add3A_108, %dma_wait3A] : memref<250x40xi32, #tpu.memory_space<vmem>> -> memref<1x40xi32, #tpu.memory_space<vmem>>
        %dma_wait3A_202 = tpu.memref_squeeze %dma_wait3A_201 : memref<1x40xi32, #tpu.memory_space<vmem>> -> memref<40xi32, #tpu.memory_space<vmem>>
        %dma_wait3A_203 = arith.constant 0 : i32
        %dma_wait3A_204 = arith.constant 0 : i32
        %dma_wait3A_205 = tpu.memref_slice %arg15[%dma_wait3A_203, %dma_wait3A_204] : memref<10016x128xf32, #tpu.memory_space<vmem_shared>> -> memref<10016x128xf32, #tpu.memory_space<vmem_shared>>
        tpu.wait_indirect_dma semaphore(%arg22 : memref<!tpu.dma_semaphore, #tpu.memory_space<semaphore_mem>>) src(%arg9 : memref<40x128xf32, #tpu.memory_space<vmem>>) dst(%dma_wait3A_205 : memref<10016x128xf32, #tpu.memory_space<vmem_shared>>)
      } else {
      }
      %lt3A_116 = arith.constant 250 : i32
      %lt3A_117 = arith.cmpi slt, %add3A_110, %lt3A_116 : i32
      %convert_element_type3A_118 = arith.extui %lt3A_117 : i1 to i32
      %cond3A_119 = arith.constant 0 : i32
      %cond3A_120 = arith.cmpi ne, %convert_element_type3A_118, %cond3A_119 : i32
      scf.if %cond3A_120 {
        %dma_start3A_201 = arith.constant 0 : i32
        %dma_start3A_202 = tpu.memref_slice %arg7[%add3A_110, %dma_start3A_201] : memref<250x40xi32, #tpu.memory_space<vmem>> -> memref<1x40xi32, #tpu.memory_space<vmem>>
        %dma_start3A_203 = tpu.memref_squeeze %dma_start3A_202 : memref<1x40xi32, #tpu.memory_space<vmem>> -> memref<40xi32, #tpu.memory_space<vmem>>
        %dma_start3A_204 = arith.constant 0 : i32
        %dma_start3A_205 = arith.constant 0 : i32
        %dma_start3A_206 = tpu.memref_slice %arg2[%dma_start3A_204, %dma_start3A_205] : memref<10016x128xf32, #tpu.memory_space<hbm>> -> memref<10016x128xf32, #tpu.memory_space<hbm>>
        tpu.enqueue_indirect_dma source(%dma_start3A_206 : memref<10016x128xf32, #tpu.memory_space<hbm>>) target(%arg9 : memref<40x128xf32, #tpu.memory_space<vmem>>) offsets(%dma_start3A_203 : memref<40xi32, #tpu.memory_space<vmem>>) semaphore(%arg16 : memref<!tpu.dma_semaphore, #tpu.memory_space<semaphore_mem>>)
      } else {
      }
      %mul3A_121 = arith.constant 6 : i32
      %mul3A_122 = arith.muli %scan3A_54, %mul3A_121 : i32
      %add3A_123 = arith.constant 1 : i32
      %add3A_124 = arith.addi %mul3A_122, %add3A_123 : i32
      %add3A_125 = arith.constant 6 : i32
      %add3A_126 = arith.addi %add3A_124, %add3A_125 : i32
      %lt3A_127 = arith.constant 250 : i32
      %lt3A_128 = arith.cmpi slt, %add3A_124, %lt3A_127 : i32
      %convert_element_type3A_129 = arith.extui %lt3A_128 : i1 to i32
      %cond3A_130 = arith.constant 0 : i32
      %cond3A_131 = arith.cmpi ne, %convert_element_type3A_129, %cond3A_130 : i32
      scf.if %cond3A_131 {
        %dma_wait3A = arith.constant 0 : i32
        %dma_wait3A_201 = tpu.memref_slice %arg8[%add3A_124, %dma_wait3A] : memref<250x40xi32, #tpu.memory_space<vmem>> -> memref<1x40xi32, #tpu.memory_space<vmem>>
        %dma_wait3A_202 = tpu.memref_squeeze %dma_wait3A_201 : memref<1x40xi32, #tpu.memory_space<vmem>> -> memref<40xi32, #tpu.memory_space<vmem>>
        %dma_wait3A_203 = arith.constant 0 : i32
        %dma_wait3A_204 = arith.constant 0 : i32
        %dma_wait3A_205 = tpu.memref_slice %arg15[%dma_wait3A_203, %dma_wait3A_204] : memref<10016x128xf32, #tpu.memory_space<vmem_shared>> -> memref<10016x128xf32, #tpu.memory_space<vmem_shared>>
        tpu.wait_indirect_dma semaphore(%arg23 : memref<!tpu.dma_semaphore, #tpu.memory_space<semaphore_mem>>) src(%arg10 : memref<40x128xf32, #tpu.memory_space<vmem>>) dst(%dma_wait3A_205 : memref<10016x128xf32, #tpu.memory_space<vmem_shared>>)
      } else {
      }
      %lt3A_132 = arith.constant 250 : i32
      %lt3A_133 = arith.cmpi slt, %add3A_126, %lt3A_132 : i32
      %convert_element_type3A_134 = arith.extui %lt3A_133 : i1 to i32
      %cond3A_135 = arith.constant 0 : i32
      %cond3A_136 = arith.cmpi ne, %convert_element_type3A_134, %cond3A_135 : i32
      scf.if %cond3A_136 {
        %dma_start3A_201 = arith.constant 0 : i32
        %dma_start3A_202 = tpu.memref_slice %arg7[%add3A_126, %dma_start3A_201] : memref<250x40xi32, #tpu.memory_space<vmem>> -> memref<1x40xi32, #tpu.memory_space<vmem>>
        %dma_start3A_203 = tpu.memref_squeeze %dma_start3A_202 : memref<1x40xi32, #tpu.memory_space<vmem>> -> memref<40xi32, #tpu.memory_space<vmem>>
        %dma_start3A_204 = arith.constant 0 : i32
        %dma_start3A_205 = arith.constant 0 : i32
        %dma_start3A_206 = tpu.memref_slice %arg2[%dma_start3A_204, %dma_start3A_205] : memref<10016x128xf32, #tpu.memory_space<hbm>> -> memref<10016x128xf32, #tpu.memory_space<hbm>>
        tpu.enqueue_indirect_dma source(%dma_start3A_206 : memref<10016x128xf32, #tpu.memory_space<hbm>>) target(%arg10 : memref<40x128xf32, #tpu.memory_space<vmem>>) offsets(%dma_start3A_203 : memref<40xi32, #tpu.memory_space<vmem>>) semaphore(%arg17 : memref<!tpu.dma_semaphore, #tpu.memory_space<semaphore_mem>>)
      } else {
      }
      %mul3A_137 = arith.constant 6 : i32
      %mul3A_138 = arith.muli %scan3A_54, %mul3A_137 : i32
      %add3A_139 = arith.constant 2 : i32
      %add3A_140 = arith.addi %mul3A_138, %add3A_139 : i32
      %add3A_141 = arith.constant 6 : i32
      %add3A_142 = arith.addi %add3A_140, %add3A_141 : i32
      %lt3A_143 = arith.constant 250 : i32
      %lt3A_144 = arith.cmpi slt, %add3A_140, %lt3A_143 : i32
      %convert_element_type3A_145 = arith.extui %lt3A_144 : i1 to i32
      %cond3A_146 = arith.constant 0 : i32
      %cond3A_147 = arith.cmpi ne, %convert_element_type3A_145, %cond3A_146 : i32
      scf.if %cond3A_147 {
        %dma_wait3A = arith.constant 0 : i32
        %dma_wait3A_201 = tpu.memref_slice %arg8[%add3A_140, %dma_wait3A] : memref<250x40xi32, #tpu.memory_space<vmem>> -> memref<1x40xi32, #tpu.memory_space<vmem>>
        %dma_wait3A_202 = tpu.memref_squeeze %dma_wait3A_201 : memref<1x40xi32, #tpu.memory_space<vmem>> -> memref<40xi32, #tpu.memory_space<vmem>>
        %dma_wait3A_203 = arith.constant 0 : i32
        %dma_wait3A_204 = arith.constant 0 : i32
        %dma_wait3A_205 = tpu.memref_slice %arg15[%dma_wait3A_203, %dma_wait3A_204] : memref<10016x128xf32, #tpu.memory_space<vmem_shared>> -> memref<10016x128xf32, #tpu.memory_space<vmem_shared>>
        tpu.wait_indirect_dma semaphore(%arg24 : memref<!tpu.dma_semaphore, #tpu.memory_space<semaphore_mem>>) src(%arg11 : memref<40x128xf32, #tpu.memory_space<vmem>>) dst(%dma_wait3A_205 : memref<10016x128xf32, #tpu.memory_space<vmem_shared>>)
      } else {
      }
      %lt3A_148 = arith.constant 250 : i32
      %lt3A_149 = arith.cmpi slt, %add3A_142, %lt3A_148 : i32
      %convert_element_type3A_150 = arith.extui %lt3A_149 : i1 to i32
      %cond3A_151 = arith.constant 0 : i32
      %cond3A_152 = arith.cmpi ne, %convert_element_type3A_150, %cond3A_151 : i32
      scf.if %cond3A_152 {
        %dma_start3A_201 = arith.constant 0 : i32
        %dma_start3A_202 = tpu.memref_slice %arg7[%add3A_142, %dma_start3A_201] : memref<250x40xi32, #tpu.memory_space<vmem>> -> memref<1x40xi32, #tpu.memory_space<vmem>>
        %dma_start3A_203 = tpu.memref_squeeze %dma_start3A_202 : memref<1x40xi32, #tpu.memory_space<vmem>> -> memref<40xi32, #tpu.memory_space<vmem>>
        %dma_start3A_204 = arith.constant 0 : i32
        %dma_start3A_205 = arith.constant 0 : i32
        %dma_start3A_206 = tpu.memref_slice %arg2[%dma_start3A_204, %dma_start3A_205] : memref<10016x128xf32, #tpu.memory_space<hbm>> -> memref<10016x128xf32, #tpu.memory_space<hbm>>
        tpu.enqueue_indirect_dma source(%dma_start3A_206 : memref<10016x128xf32, #tpu.memory_space<hbm>>) target(%arg11 : memref<40x128xf32, #tpu.memory_space<vmem>>) offsets(%dma_start3A_203 : memref<40xi32, #tpu.memory_space<vmem>>) semaphore(%arg18 : memref<!tpu.dma_semaphore, #tpu.memory_space<semaphore_mem>>)
      } else {
      }
      %mul3A_153 = arith.constant 6 : i32
      %mul3A_154 = arith.muli %scan3A_54, %mul3A_153 : i32
      %add3A_155 = arith.constant 3 : i32
      %add3A_156 = arith.addi %mul3A_154, %add3A_155 : i32
      %add3A_157 = arith.constant 6 : i32
      %add3A_158 = arith.addi %add3A_156, %add3A_157 : i32
      %lt3A_159 = arith.constant 250 : i32
      %lt3A_160 = arith.cmpi slt, %add3A_156, %lt3A_159 : i32
      %convert_element_type3A_161 = arith.extui %lt3A_160 : i1 to i32
      %cond3A_162 = arith.constant 0 : i32
      %cond3A_163 = arith.cmpi ne, %convert_element_type3A_161, %cond3A_162 : i32
      scf.if %cond3A_163 {
        %dma_wait3A = arith.constant 0 : i32
        %dma_wait3A_201 = tpu.memref_slice %arg8[%add3A_156, %dma_wait3A] : memref<250x40xi32, #tpu.memory_space<vmem>> -> memref<1x40xi32, #tpu.memory_space<vmem>>
        %dma_wait3A_202 = tpu.memref_squeeze %dma_wait3A_201 : memref<1x40xi32, #tpu.memory_space<vmem>> -> memref<40xi32, #tpu.memory_space<vmem>>
        %dma_wait3A_203 = arith.constant 0 : i32
        %dma_wait3A_204 = arith.constant 0 : i32
        %dma_wait3A_205 = tpu.memref_slice %arg15[%dma_wait3A_203, %dma_wait3A_204] : memref<10016x128xf32, #tpu.memory_space<vmem_shared>> -> memref<10016x128xf32, #tpu.memory_space<vmem_shared>>
        tpu.wait_indirect_dma semaphore(%arg25 : memref<!tpu.dma_semaphore, #tpu.memory_space<semaphore_mem>>) src(%arg12 : memref<40x128xf32, #tpu.memory_space<vmem>>) dst(%dma_wait3A_205 : memref<10016x128xf32, #tpu.memory_space<vmem_shared>>)
      } else {
      }
      %lt3A_164 = arith.constant 250 : i32
      %lt3A_165 = arith.cmpi slt, %add3A_158, %lt3A_164 : i32
      %convert_element_type3A_166 = arith.extui %lt3A_165 : i1 to i32
      %cond3A_167 = arith.constant 0 : i32
      %cond3A_168 = arith.cmpi ne, %convert_element_type3A_166, %cond3A_167 : i32
      scf.if %cond3A_168 {
        %dma_start3A_201 = arith.constant 0 : i32
        %dma_start3A_202 = tpu.memref_slice %arg7[%add3A_158, %dma_start3A_201] : memref<250x40xi32, #tpu.memory_space<vmem>> -> memref<1x40xi32, #tpu.memory_space<vmem>>
        %dma_start3A_203 = tpu.memref_squeeze %dma_start3A_202 : memref<1x40xi32, #tpu.memory_space<vmem>> -> memref<40xi32, #tpu.memory_space<vmem>>
        %dma_start3A_204 = arith.constant 0 : i32
        %dma_start3A_205 = arith.constant 0 : i32
        %dma_start3A_206 = tpu.memref_slice %arg2[%dma_start3A_204, %dma_start3A_205] : memref<10016x128xf32, #tpu.memory_space<hbm>> -> memref<10016x128xf32, #tpu.memory_space<hbm>>
        tpu.enqueue_indirect_dma source(%dma_start3A_206 : memref<10016x128xf32, #tpu.memory_space<hbm>>) target(%arg12 : memref<40x128xf32, #tpu.memory_space<vmem>>) offsets(%dma_start3A_203 : memref<40xi32, #tpu.memory_space<vmem>>) semaphore(%arg19 : memref<!tpu.dma_semaphore, #tpu.memory_space<semaphore_mem>>)
      } else {
      }
      %mul3A_169 = arith.constant 6 : i32
      %mul3A_170 = arith.muli %scan3A_54, %mul3A_169 : i32
      %add3A_171 = arith.constant 4 : i32
      %add3A_172 = arith.addi %mul3A_170, %add3A_171 : i32
      %add3A_173 = arith.constant 6 : i32
      %add3A_174 = arith.addi %add3A_172, %add3A_173 : i32
      %lt3A_175 = arith.constant 250 : i32
      %lt3A_176 = arith.cmpi slt, %add3A_172, %lt3A_175 : i32
      %convert_element_type3A_177 = arith.extui %lt3A_176 : i1 to i32
      %cond3A_178 = arith.constant 0 : i32
      %cond3A_179 = arith.cmpi ne, %convert_element_type3A_177, %cond3A_178 : i32
      scf.if %cond3A_179 {
        %dma_wait3A = arith.constant 0 : i32
        %dma_wait3A_201 = tpu.memref_slice %arg8[%add3A_172, %dma_wait3A] : memref<250x40xi32, #tpu.memory_space<vmem>> -> memref<1x40xi32, #tpu.memory_space<vmem>>
        %dma_wait3A_202 = tpu.memref_squeeze %dma_wait3A_201 : memref<1x40xi32, #tpu.memory_space<vmem>> -> memref<40xi32, #tpu.memory_space<vmem>>
        %dma_wait3A_203 = arith.constant 0 : i32
        %dma_wait3A_204 = arith.constant 0 : i32
        %dma_wait3A_205 = tpu.memref_slice %arg15[%dma_wait3A_203, %dma_wait3A_204] : memref<10016x128xf32, #tpu.memory_space<vmem_shared>> -> memref<10016x128xf32, #tpu.memory_space<vmem_shared>>
        tpu.wait_indirect_dma semaphore(%arg26 : memref<!tpu.dma_semaphore, #tpu.memory_space<semaphore_mem>>) src(%arg13 : memref<40x128xf32, #tpu.memory_space<vmem>>) dst(%dma_wait3A_205 : memref<10016x128xf32, #tpu.memory_space<vmem_shared>>)
      } else {
      }
      %lt3A_180 = arith.constant 250 : i32
      %lt3A_181 = arith.cmpi slt, %add3A_174, %lt3A_180 : i32
      %convert_element_type3A_182 = arith.extui %lt3A_181 : i1 to i32
      %cond3A_183 = arith.constant 0 : i32
      %cond3A_184 = arith.cmpi ne, %convert_element_type3A_182, %cond3A_183 : i32
      scf.if %cond3A_184 {
        %dma_start3A_201 = arith.constant 0 : i32
        %dma_start3A_202 = tpu.memref_slice %arg7[%add3A_174, %dma_start3A_201] : memref<250x40xi32, #tpu.memory_space<vmem>> -> memref<1x40xi32, #tpu.memory_space<vmem>>
        %dma_start3A_203 = tpu.memref_squeeze %dma_start3A_202 : memref<1x40xi32, #tpu.memory_space<vmem>> -> memref<40xi32, #tpu.memory_space<vmem>>
        %dma_start3A_204 = arith.constant 0 : i32
        %dma_start3A_205 = arith.constant 0 : i32
        %dma_start3A_206 = tpu.memref_slice %arg2[%dma_start3A_204, %dma_start3A_205] : memref<10016x128xf32, #tpu.memory_space<hbm>> -> memref<10016x128xf32, #tpu.memory_space<hbm>>
        tpu.enqueue_indirect_dma source(%dma_start3A_206 : memref<10016x128xf32, #tpu.memory_space<hbm>>) target(%arg13 : memref<40x128xf32, #tpu.memory_space<vmem>>) offsets(%dma_start3A_203 : memref<40xi32, #tpu.memory_space<vmem>>) semaphore(%arg20 : memref<!tpu.dma_semaphore, #tpu.memory_space<semaphore_mem>>)
      } else {
      }
      %mul3A_185 = arith.constant 6 : i32
      %mul3A_186 = arith.muli %scan3A_54, %mul3A_185 : i32
      %add3A_187 = arith.constant 5 : i32
      %add3A_188 = arith.addi %mul3A_186, %add3A_187 : i32
      %add3A_189 = arith.constant 6 : i32
      %add3A_190 = arith.addi %add3A_188, %add3A_189 : i32
      %lt3A_191 = arith.constant 250 : i32
      %lt3A_192 = arith.cmpi slt, %add3A_188, %lt3A_191 : i32
      %convert_element_type3A_193 = arith.extui %lt3A_192 : i1 to i32
      %cond3A_194 = arith.constant 0 : i32
      %cond3A_195 = arith.cmpi ne, %convert_element_type3A_193, %cond3A_194 : i32
      scf.if %cond3A_195 {
        %dma_wait3A = arith.constant 0 : i32
        %dma_wait3A_201 = tpu.memref_slice %arg8[%add3A_188, %dma_wait3A] : memref<250x40xi32, #tpu.memory_space<vmem>> -> memref<1x40xi32, #tpu.memory_space<vmem>>
        %dma_wait3A_202 = tpu.memref_squeeze %dma_wait3A_201 : memref<1x40xi32, #tpu.memory_space<vmem>> -> memref<40xi32, #tpu.memory_space<vmem>>
        %dma_wait3A_203 = arith.constant 0 : i32
        %dma_wait3A_204 = arith.constant 0 : i32
        %dma_wait3A_205 = tpu.memref_slice %arg15[%dma_wait3A_203, %dma_wait3A_204] : memref<10016x128xf32, #tpu.memory_space<vmem_shared>> -> memref<10016x128xf32, #tpu.memory_space<vmem_shared>>
        tpu.wait_indirect_dma semaphore(%arg27 : memref<!tpu.dma_semaphore, #tpu.memory_space<semaphore_mem>>) src(%arg14 : memref<40x128xf32, #tpu.memory_space<vmem>>) dst(%dma_wait3A_205 : memref<10016x128xf32, #tpu.memory_space<vmem_shared>>)
      } else {
      }
      %lt3A_196 = arith.constant 250 : i32
      %lt3A_197 = arith.cmpi slt, %add3A_190, %lt3A_196 : i32
      %convert_element_type3A_198 = arith.extui %lt3A_197 : i1 to i32
      %cond3A_199 = arith.constant 0 : i32
      %cond3A_200 = arith.cmpi ne, %convert_element_type3A_198, %cond3A_199 : i32
      scf.if %cond3A_200 {
        %dma_start3A_201 = arith.constant 0 : i32
        %dma_start3A_202 = tpu.memref_slice %arg7[%add3A_190, %dma_start3A_201] : memref<250x40xi32, #tpu.memory_space<vmem>> -> memref<1x40xi32, #tpu.memory_space<vmem>>
        %dma_start3A_203 = tpu.memref_squeeze %dma_start3A_202 : memref<1x40xi32, #tpu.memory_space<vmem>> -> memref<40xi32, #tpu.memory_space<vmem>>
        %dma_start3A_204 = arith.constant 0 : i32
        %dma_start3A_205 = arith.constant 0 : i32
        %dma_start3A_206 = tpu.memref_slice %arg2[%dma_start3A_204, %dma_start3A_205] : memref<10016x128xf32, #tpu.memory_space<hbm>> -> memref<10016x128xf32, #tpu.memory_space<hbm>>
        tpu.enqueue_indirect_dma source(%dma_start3A_206 : memref<10016x128xf32, #tpu.memory_space<hbm>>) target(%arg14 : memref<40x128xf32, #tpu.memory_space<vmem>>) offsets(%dma_start3A_203 : memref<40xi32, #tpu.memory_space<vmem>>) semaphore(%arg21 : memref<!tpu.dma_semaphore, #tpu.memory_space<semaphore_mem>>)
      } else {
      }
    }
    %scan3A_48 = arith.constant 42 : i32
    %barrier3A_49 = arith.constant 0 : index
    tpu.barrier barrier_id(%barrier3A_49)
    %mul3A_50 = arith.constant 626 : i32
    %mul3A_51 = arith.muli %arg1, %mul3A_50 : i32
    %mul3A_52 = arith.constant 626 : i32
    %mul3A_53 = arith.muli %arg1, %mul3A_52 : i32
    "tpu.region"() ({
      %run_scoped3A = tpu.sem_alloc : memref<!tpu.dma_semaphore, #tpu.memory_space<semaphore_mem>>
      %dma_start3A_54 = arith.constant 0 : i32
      %dma_start3A_55 = tpu.memref_slice %arg6[%arg0, %mul3A_53, %dma_start3A_54] : memref<2x10016x128xf32, #tpu.memory_space<hbm>> -> memref<1x626x128xf32, #tpu.memory_space<hbm>>
      %dma_start3A_56 = tpu.memref_squeeze %dma_start3A_55 : memref<1x626x128xf32, #tpu.memory_space<hbm>> -> memref<626x128xf32, #tpu.memory_space<hbm>>
      %dma_start3A_57 = arith.constant 0 : i32
      %dma_start3A_58 = tpu.memref_slice %arg15[%mul3A_51, %dma_start3A_57] : memref<10016x128xf32, #tpu.memory_space<vmem_shared>> -> memref<626x128xf32, #tpu.memory_space<vmem_shared>>
      tpu.enqueue_dma source(%dma_start3A_58 : memref<626x128xf32, #tpu.memory_space<vmem_shared>>) target(%dma_start3A_56 : memref<626x128xf32, #tpu.memory_space<hbm>>) target_semaphore(%run_scoped3A : memref<!tpu.dma_semaphore, #tpu.memory_space<semaphore_mem>>)
      %dma_wait3A = arith.constant 0 : i32
      %dma_wait3A_59 = tpu.memref_slice %arg6[%arg0, %mul3A_53, %dma_wait3A] : memref<2x10016x128xf32, #tpu.memory_space<hbm>> -> memref<1x626x128xf32, #tpu.memory_space<hbm>>
      %dma_wait3A_60 = tpu.memref_squeeze %dma_wait3A_59 : memref<1x626x128xf32, #tpu.memory_space<hbm>> -> memref<626x128xf32, #tpu.memory_space<hbm>>
      %dma_wait3A_61 = arith.constant 0 : i32
      %dma_wait3A_62 = tpu.memref_slice %arg15[%mul3A_51, %dma_wait3A_61] : memref<10016x128xf32, #tpu.memory_space<vmem_shared>> -> memref<626x128xf32, #tpu.memory_space<vmem_shared>>
      tpu.wait_dma2 semaphore(%run_scoped3A : memref<!tpu.dma_semaphore, #tpu.memory_space<semaphore_mem>>) src(%dma_wait3A_62 : memref<626x128xf32, #tpu.memory_space<vmem_shared>>) dst(%dma_wait3A_60 : memref<626x128xf32, #tpu.memory_space<hbm>>)
      tpu.yield
    }) : () -> ()
    return
  }
}

module attributes {stable_mosaic.version = 14 : i64} {
  func.func @_mm1u_body(%arg0: i32, %arg1: memref<2504x128xf32, #tpu.memory_space<vmem>>, %arg2: memref<128x128xf32, #tpu.memory_space<vmem>>, %arg3: memref<2504x128xf32, #tpu.memory_space<vmem>>) attributes {dimension_semantics = [#tpu.dimension_semantics<arbitrary>], iteration_bounds = array<i64: 4>, scalar_prefetch = 0 : i64, scratch_operands = 0 : i64, tpu.core_type = #tpu.core_type<tc>, window_params = [{transform_indices = @transform_0, window_bounds = array<i64: 2504, 128>}, {pipeline_mode = #tpu.pipeline_mode<synchronous>, transform_indices = @transform_1, window_bounds = array<i64: 128, 128>}, {transform_indices = @transform_2, window_bounds = array<i64: 2504, 128>}]} {
    %get3A = arith.constant 0 : index
    %get3A_0 = arith.constant 0 : index
    %get3A_1 = vector.load %arg1[%get3A, %get3A_0] : memref<2504x128xf32, #tpu.memory_space<vmem>>, vector<2504x128xf32>
    %get3A_2 = arith.constant 0 : index
    %get3A_3 = arith.constant 0 : index
    %get3A_4 = vector.load %arg2[%get3A_2, %get3A_3] : memref<128x128xf32, #tpu.memory_space<vmem>>, vector<128x128xf32>
    %dot_general3A = arith.constant dense<0.000000e+00> : vector<2504x128xf32>
    %dot_general3A_5 = tpu.matmul %get3A_1, %get3A_4, %dot_general3A {dimension_numbers = #tpu.dot_dimension_numbers<[1], [0], [0], [1], [0, 0, 1, 1], [], []>, transpose_lhs_hint = false} : vector<2504x128xf32>, vector<128x128xf32>, vector<2504x128xf32> -> vector<2504x128xf32>
    %swap3A = arith.constant 0 : index
    %swap3A_6 = arith.constant 0 : index
    %swap3A_7 = vector.load %arg3[%swap3A, %swap3A_6] : memref<2504x128xf32, #tpu.memory_space<vmem>>, vector<2504x128xf32>
    tpu.vector_store %arg3[%swap3A, %swap3A_6], %dot_general3A_5 {strides = array<i32>} : memref<2504x128xf32, #tpu.memory_space<vmem>>, vector<2504x128xf32>,
    return
  }
  func.func @transform_0(%arg0: i32) -> (i32, i32) {
    %c0_i32 = arith.constant 0 : i32
    %c0_i32_0 = arith.constant 0 : i32
    return %arg0, %c0_i32 : i32, i32
  }
  func.func @transform_1(%arg0: i32) -> (i32, i32) {
    %c0_i32 = arith.constant 0 : i32
    %c0_i32_0 = arith.constant 0 : i32
    %c0_i32_1 = arith.constant 0 : i32
    return %c0_i32, %c0_i32_0 : i32, i32
  }
  func.func @transform_2(%arg0: i32) -> (i32, i32) {
    %c0_i32 = arith.constant 0 : i32
    %c0_i32_0 = arith.constant 0 : i32
    return %arg0, %c0_i32 : i32, i32
  }
}

module attributes {stable_mosaic.version = 14 : i64} {
  func.func @_scale_body(%arg0: i32, %arg1: memref<2504x128xf32, #tpu.memory_space<vmem>>, %arg2: memref<2x2x2504x16xf32, #tpu.memory_space<vmem>>, %arg3: memref<2504x128xf32, #tpu.memory_space<vmem>>, %arg4: memref<2504x8xf32, #tpu.memory_space<vmem>>) attributes {dimension_semantics = [#tpu.dimension_semantics<arbitrary>], iteration_bounds = array<i64: 4>, scalar_prefetch = 0 : i64, scratch_operands = 0 : i64, tpu.core_type = #tpu.core_type<tc>, window_params = [{transform_indices = @transform_0, window_bounds = array<i64: 2504, 128>}, {transform_indices = @transform_1, window_bounds = array<i64: 2, 2, 2504, 16>}, {transform_indices = @transform_2, window_bounds = array<i64: 2504, 128>}, {transform_indices = @transform_3, window_bounds = array<i64: 2504, 8>}]} {
    %get3A = arith.constant 0 : index
    %get3A_0 = arith.constant 0 : index
    %get3A_1 = arith.constant 0 : index
    %get3A_2 = arith.constant 0 : index
    %get3A_3 = vector.load %arg2[%get3A, %get3A_0, %get3A_1, %get3A_2] : memref<2x2x2504x16xf32, #tpu.memory_space<vmem>>, vector<2x2x2504x16xf32>
    %slice3A = vector.extract_strided_slice %get3A_3 {offsets = [0, 0, 0, 0], sizes = [2, 1, 2504, 1], strides = [1, 1, 1, 1]} : vector<2x2x2504x16xf32> to vector<2x1x2504x1xf32>
    %squeeze3A = vector.shape_cast %slice3A : vector<2x1x2504x1xf32> to vector<2x2504xf32>
    %reduce_sum3A = arith.constant dense<0.000000e+00> : vector<2504xf32>
    %reduce_sum3A_4 = vector.multi_reduction <add>, %squeeze3A, %reduce_sum3A [0] : vector<2x2504xf32> to vector<2504xf32>
    %slice3A_5 = vector.extract_strided_slice %get3A_3 {offsets = [0, 1, 0, 0], sizes = [2, 1, 2504, 1], strides = [1, 1, 1, 1]} : vector<2x2x2504x16xf32> to vector<2x1x2504x1xf32>
    %squeeze3A_6 = vector.shape_cast %slice3A_5 : vector<2x1x2504x1xf32> to vector<2x2504xf32>
    %reduce_sum3A_7 = arith.constant dense<0.000000e+00> : vector<2504xf32>
    %reduce_sum3A_8 = vector.multi_reduction <add>, %squeeze3A_6, %reduce_sum3A_7 [0] : vector<2x2504xf32> to vector<2504xf32>
    %max3A = arith.constant 1.000000e+00 : f32
    %max3A_9 = vector.broadcast %max3A : f32 to vector<2504xf32>
    %max3A_10 = arith.maximumf %reduce_sum3A_4, %max3A_9 : vector<2504xf32>
    %rsqrt3A = math.rsqrt %max3A_10 : vector<2504xf32>
    %max3A_11 = arith.constant 1.000000e+00 : f32
    %max3A_12 = vector.broadcast %max3A_11 : f32 to vector<2504xf32>
    %max3A_13 = arith.maximumf %reduce_sum3A_8, %max3A_12 : vector<2504xf32>
    %rsqrt3A_14 = math.rsqrt %max3A_13 : vector<2504xf32>
    %get3A_15 = arith.constant 0 : index
    %get3A_16 = arith.constant 0 : index
    %get3A_17 = vector.load %arg1[%get3A_15, %get3A_16] : memref<2504x128xf32, #tpu.memory_space<vmem>>, vector<2504x128xf32>
    %broadcast_in_dim3A = vector.shape_cast %rsqrt3A : vector<2504xf32> to vector<2504x1xf32>
    %mul3A = vector.broadcast %broadcast_in_dim3A : vector<2504x1xf32> to vector<2504x128xf32>
    %mul3A_18 = arith.mulf %get3A_17, %mul3A : vector<2504x128xf32>
    %swap3A = arith.constant 0 : index
    %swap3A_19 = arith.constant 0 : index
    %swap3A_20 = vector.load %arg3[%swap3A, %swap3A_19] : memref<2504x128xf32, #tpu.memory_space<vmem>>, vector<2504x128xf32>
    tpu.vector_store %arg3[%swap3A, %swap3A_19], %mul3A_18 {strides = array<i32>} : memref<2504x128xf32, #tpu.memory_space<vmem>>, vector<2504x128xf32>,
    %broadcast_in_dim3A_21 = vector.shape_cast %rsqrt3A : vector<2504xf32> to vector<2504x1xf32>
    %broadcast_in_dim3A_22 = vector.shape_cast %rsqrt3A_14 : vector<2504xf32> to vector<2504x1xf32>
    %broadcast_in_dim3A_23 = arith.constant 0.000000e+00 : f32
    %broadcast_in_dim3A_24 = vector.broadcast %broadcast_in_dim3A_23 : f32 to vector<2504x6xf32>
    %concatenate3A = tpu.concatenate %broadcast_in_dim3A_21, %broadcast_in_dim3A_22, %broadcast_in_dim3A_24 in 1 : vector<2504x1xf32>, vector<2504x1xf32>, vector<2504x6xf32> -> vector<2504x8xf32>
    %swap3A_25 = arith.constant 0 : index
    %swap3A_26 = arith.constant 0 : index
    %swap3A_27 = vector.load %arg4[%swap3A_25, %swap3A_26] : memref<2504x8xf32, #tpu.memory_space<vmem>>, vector<2504x8xf32>
    tpu.vector_store %arg4[%swap3A_25, %swap3A_26], %concatenate3A {strides = array<i32>} : memref<2504x8xf32, #tpu.memory_space<vmem>>, vector<2504x8xf32>,
    return
  }
  func.func @transform_0(%arg0: i32) -> (i32, i32) {
    %c0_i32 = arith.constant 0 : i32
    %c0_i32_0 = arith.constant 0 : i32
    return %arg0, %c0_i32 : i32, i32
  }
  func.func @transform_1(%arg0: i32) -> (i32, i32, i32, i32) {
    %c0_i32 = arith.constant 0 : i32
    %c0_i32_0 = arith.constant 0 : i32
    %c0_i32_1 = arith.constant 0 : i32
    %c0_i32_2 = arith.constant 0 : i32
    return %c0_i32, %c0_i32_0, %arg0, %c0_i32_1 : i32, i32, i32, i32
  }
  func.func @transform_2(%arg0: i32) -> (i32, i32) {
    %c0_i32 = arith.constant 0 : i32
    %c0_i32_0 = arith.constant 0 : i32
    return %arg0, %c0_i32 : i32, i32
  }
  func.func @transform_3(%arg0: i32) -> (i32, i32) {
    %c0_i32 = arith.constant 0 : i32
    %c0_i32_0 = arith.constant 0 : i32
    return %arg0, %c0_i32 : i32, i32
  }
}

module attributes {stable_mosaic.version = 14 : i64} {
  func.func @_mid_body(%arg0: i32, %arg1: memref<2x2504x128xf32, #tpu.memory_space<vmem>>, %arg2: memref<2504x8xf32, #tpu.memory_space<vmem>>, %arg3: memref<1x128xf32, #tpu.memory_space<vmem>>, %arg4: memref<128x128xf32, #tpu.memory_space<vmem>>, %arg5: memref<2504x128xf32, #tpu.memory_space<vmem>>) attributes {dimension_semantics = [#tpu.dimension_semantics<arbitrary>], iteration_bounds = array<i64: 4>, scalar_prefetch = 0 : i64, scratch_operands = 0 : i64, tpu.core_type = #tpu.core_type<tc>, window_params = [{transform_indices = @transform_0, window_bounds = array<i64: 2, 2504, 128>}, {transform_indices = @transform_1, window_bounds = array<i64: 2504, 8>}, {pipeline_mode = #tpu.pipeline_mode<synchronous>, transform_indices = @transform_2, window_bounds = array<i64: 1, 128>}, {pipeline_mode = #tpu.pipeline_mode<synchronous>, transform_indices = @transform_3, window_bounds = array<i64: 128, 128>}, {transform_indices = @transform_4, window_bounds = array<i64: 2504, 128>}]} {
    %get3A = arith.constant 0 : index
    %get3A_0 = arith.constant 0 : index
    %get3A_1 = vector.load %arg2[%get3A, %get3A_0] : memref<2504x8xf32, #tpu.memory_space<vmem>>, vector<2504x1xf32>
    %get3A_2 = vector.shape_cast %get3A_1 : vector<2504x1xf32> to vector<2504xf32>
    %get3A_3 = arith.constant 0 : index
    %get3A_4 = arith.constant 1 : index
    %get3A_5 = vector.load %arg2[%get3A_3, %get3A_4] : memref<2504x8xf32, #tpu.memory_space<vmem>>, vector<2504x1xf32>
    %get3A_6 = vector.shape_cast %get3A_5 : vector<2504x1xf32> to vector<2504xf32>
    %get3A_7 = arith.constant 0 : index
    %get3A_8 = arith.constant 0 : index
    %get3A_9 = arith.constant 0 : index
    %get3A_10 = vector.load %arg1[%get3A_7, %get3A_8, %get3A_9] : memref<2x2504x128xf32, #tpu.memory_space<vmem>>, vector<1x2504x128xf32>
    %get3A_11 = vector.shape_cast %get3A_10 : vector<1x2504x128xf32> to vector<2504x128xf32>
    %get3A_12 = arith.constant 1 : index
    %get3A_13 = arith.constant 0 : index
    %get3A_14 = arith.constant 0 : index
    %get3A_15 = vector.load %arg1[%get3A_12, %get3A_13, %get3A_14] : memref<2x2504x128xf32, #tpu.memory_space<vmem>>, vector<1x2504x128xf32>
    %get3A_16 = vector.shape_cast %get3A_15 : vector<1x2504x128xf32> to vector<2504x128xf32>
    %add3A = arith.addf %get3A_11, %get3A_16 : vector<2504x128xf32>
    %broadcast_in_dim3A = vector.shape_cast %get3A_6 : vector<2504xf32> to vector<2504x1xf32>
    %mul3A = vector.broadcast %broadcast_in_dim3A : vector<2504x1xf32> to vector<2504x128xf32>
    %mul3A_17 = arith.mulf %add3A, %mul3A : vector<2504x128xf32>
    %get3A_18 = arith.constant 0 : index
    %get3A_19 = arith.constant 0 : index
    %get3A_20 = vector.load %arg3[%get3A_18, %get3A_19] : memref<1x128xf32, #tpu.memory_space<vmem>>, vector<1x128xf32>
    %add3A_21 = vector.broadcast %get3A_20 : vector<1x128xf32> to vector<2504x128xf32>
    %add3A_22 = arith.addf %mul3A_17, %add3A_21 : vector<2504x128xf32>
    %max3A = arith.constant 0.000000e+00 : f32
    %max3A_23 = vector.broadcast %max3A : f32 to vector<2504x128xf32>
    %max3A_24 = arith.maximumf %add3A_22, %max3A_23 : vector<2504x128xf32>
    %broadcast_in_dim3A_25 = vector.shape_cast %get3A_2 : vector<2504xf32> to vector<2504x1xf32>
    %mul3A_26 = vector.broadcast %broadcast_in_dim3A_25 : vector<2504x1xf32> to vector<2504x128xf32>
    %mul3A_27 = arith.mulf %max3A_24, %mul3A_26 : vector<2504x128xf32>
    %get3A_28 = arith.constant 0 : index
    %get3A_29 = arith.constant 0 : index
    %get3A_30 = vector.load %arg4[%get3A_28, %get3A_29] : memref<128x128xf32, #tpu.memory_space<vmem>>, vector<128x128xf32>
    %dot_general3A = arith.constant dense<0.000000e+00> : vector<2504x128xf32>
    %dot_general3A_31 = tpu.matmul %mul3A_27, %get3A_30, %dot_general3A {dimension_numbers = #tpu.dot_dimension_numbers<[1], [0], [0], [1], [0, 0, 1, 1], [], []>, transpose_lhs_hint = false} : vector<2504x128xf32>, vector<128x128xf32>, vector<2504x128xf32> -> vector<2504x128xf32>
    %swap3A = arith.constant 0 : index
    %swap3A_32 = arith.constant 0 : index
    %swap3A_33 = vector.load %arg5[%swap3A, %swap3A_32] : memref<2504x128xf32, #tpu.memory_space<vmem>>, vector<2504x128xf32>
    tpu.vector_store %arg5[%swap3A, %swap3A_32], %dot_general3A_31 {strides = array<i32>} : memref<2504x128xf32, #tpu.memory_space<vmem>>, vector<2504x128xf32>,
    return
  }
  func.func @transform_0(%arg0: i32) -> (i32, i32, i32) {
    %c0_i32 = arith.constant 0 : i32
    %c0_i32_0 = arith.constant 0 : i32
    %c0_i32_1 = arith.constant 0 : i32
    return %c0_i32, %arg0, %c0_i32_0 : i32, i32, i32
  }
  func.func @transform_1(%arg0: i32) -> (i32, i32) {
    %c0_i32 = arith.constant 0 : i32
    %c0_i32_0 = arith.constant 0 : i32
    return %arg0, %c0_i32 : i32, i32
  }
  func.func @transform_2(%arg0: i32) -> (i32, i32) {
    %c0_i32 = arith.constant 0 : i32
    %c0_i32_0 = arith.constant 0 : i32
    %c0_i32_1 = arith.constant 0 : i32
    return %c0_i32, %c0_i32_0 : i32, i32
  }
  func.func @transform_3(%arg0: i32) -> (i32, i32) {
    %c0_i32 = arith.constant 0 : i32
    %c0_i32_0 = arith.constant 0 : i32
    %c0_i32_1 = arith.constant 0 : i32
    return %c0_i32, %c0_i32_0 : i32, i32
  }
  func.func @transform_4(%arg0: i32) -> (i32, i32) {
    %c0_i32 = arith.constant 0 : i32
    %c0_i32_0 = arith.constant 0 : i32
    return %arg0, %c0_i32 : i32, i32
  }
}

module attributes {stable_mosaic.version = 14 : i64} {
  func.func @_fin_body(%arg0: i32, %arg1: memref<2x2504x128xf32, #tpu.memory_space<vmem>>, %arg2: memref<2504x8xf32, #tpu.memory_space<vmem>>, %arg3: memref<1x128xf32, #tpu.memory_space<vmem>>, %arg4: memref<128x64xf32, #tpu.memory_space<vmem>>, %arg5: memref<1x64xf32, #tpu.memory_space<vmem>>, %arg6: memref<2504x64xf32, #tpu.memory_space<vmem>>) attributes {dimension_semantics = [#tpu.dimension_semantics<arbitrary>], iteration_bounds = array<i64: 4>, scalar_prefetch = 0 : i64, scratch_operands = 0 : i64, tpu.core_type = #tpu.core_type<tc>, window_params = [{transform_indices = @transform_0, window_bounds = array<i64: 2, 2504, 128>}, {transform_indices = @transform_1, window_bounds = array<i64: 2504, 8>}, {pipeline_mode = #tpu.pipeline_mode<synchronous>, transform_indices = @transform_2, window_bounds = array<i64: 1, 128>}, {pipeline_mode = #tpu.pipeline_mode<synchronous>, transform_indices = @transform_3, window_bounds = array<i64: 128, 64>}, {pipeline_mode = #tpu.pipeline_mode<synchronous>, transform_indices = @transform_4, window_bounds = array<i64: 1, 64>}, {transform_indices = @transform_5, window_bounds = array<i64: 2504, 64>}]} {
    %get3A = arith.constant 0 : index
    %get3A_0 = arith.constant 1 : index
    %get3A_1 = vector.load %arg2[%get3A, %get3A_0] : memref<2504x8xf32, #tpu.memory_space<vmem>>, vector<2504x1xf32>
    %get3A_2 = vector.shape_cast %get3A_1 : vector<2504x1xf32> to vector<2504xf32>
    %get3A_3 = arith.constant 0 : index
    %get3A_4 = arith.constant 0 : index
    %get3A_5 = arith.constant 0 : index
    %get3A_6 = vector.load %arg1[%get3A_3, %get3A_4, %get3A_5] : memref<2x2504x128xf32, #tpu.memory_space<vmem>>, vector<1x2504x128xf32>
    %get3A_7 = vector.shape_cast %get3A_6 : vector<1x2504x128xf32> to vector<2504x128xf32>
    %get3A_8 = arith.constant 1 : index
    %get3A_9 = arith.constant 0 : index
    %get3A_10 = arith.constant 0 : index
    %get3A_11 = vector.load %arg1[%get3A_8, %get3A_9, %get3A_10] : memref<2x2504x128xf32, #tpu.memory_space<vmem>>, vector<1x2504x128xf32>
    %get3A_12 = vector.shape_cast %get3A_11 : vector<1x2504x128xf32> to vector<2504x128xf32>
    %add3A = arith.addf %get3A_7, %get3A_12 : vector<2504x128xf32>
    %broadcast_in_dim3A = vector.shape_cast %get3A_2 : vector<2504xf32> to vector<2504x1xf32>
    %mul3A = vector.broadcast %broadcast_in_dim3A : vector<2504x1xf32> to vector<2504x128xf32>
    %mul3A_13 = arith.mulf %add3A, %mul3A : vector<2504x128xf32>
    %get3A_14 = arith.constant 0 : index
    %get3A_15 = arith.constant 0 : index
    %get3A_16 = vector.load %arg3[%get3A_14, %get3A_15] : memref<1x128xf32, #tpu.memory_space<vmem>>, vector<1x128xf32>
    %add3A_17 = vector.broadcast %get3A_16 : vector<1x128xf32> to vector<2504x128xf32>
    %add3A_18 = arith.addf %mul3A_13, %add3A_17 : vector<2504x128xf32>
    %max3A = arith.constant 0.000000e+00 : f32
    %max3A_19 = vector.broadcast %max3A : f32 to vector<2504x128xf32>
    %max3A_20 = arith.maximumf %add3A_18, %max3A_19 : vector<2504x128xf32>
    %get3A_21 = arith.constant 0 : index
    %get3A_22 = arith.constant 0 : index
    %get3A_23 = vector.load %arg4[%get3A_21, %get3A_22] : memref<128x64xf32, #tpu.memory_space<vmem>>, vector<128x64xf32>
    %dot_general3A = arith.constant dense<0.000000e+00> : vector<2504x64xf32>
    %dot_general3A_24 = tpu.matmul %max3A_20, %get3A_23, %dot_general3A {dimension_numbers = #tpu.dot_dimension_numbers<[1], [0], [0], [1], [0, 0, 1, 1], [], []>, transpose_lhs_hint = false} : vector<2504x128xf32>, vector<128x64xf32>, vector<2504x64xf32> -> vector<2504x64xf32>
    %get3A_25 = arith.constant 0 : index
    %get3A_26 = arith.constant 0 : index
    %get3A_27 = vector.load %arg5[%get3A_25, %get3A_26] : memref<1x64xf32, #tpu.memory_space<vmem>>, vector<1x64xf32>
    %add3A_28 = vector.broadcast %get3A_27 : vector<1x64xf32> to vector<2504x64xf32>
    %add3A_29 = arith.addf %dot_general3A_24, %add3A_28 : vector<2504x64xf32>
    %swap3A = arith.constant 0 : index
    %swap3A_30 = arith.constant 0 : index
    %swap3A_31 = vector.load %arg6[%swap3A, %swap3A_30] : memref<2504x64xf32, #tpu.memory_space<vmem>>, vector<2504x64xf32>
    tpu.vector_store %arg6[%swap3A, %swap3A_30], %add3A_29 {strides = array<i32>} : memref<2504x64xf32, #tpu.memory_space<vmem>>, vector<2504x64xf32>,
    return
  }
  func.func @transform_0(%arg0: i32) -> (i32, i32, i32) {
    %c0_i32 = arith.constant 0 : i32
    %c0_i32_0 = arith.constant 0 : i32
    %c0_i32_1 = arith.constant 0 : i32
    return %c0_i32, %arg0, %c0_i32_0 : i32, i32, i32
  }
  func.func @transform_1(%arg0: i32) -> (i32, i32) {
    %c0_i32 = arith.constant 0 : i32
    %c0_i32_0 = arith.constant 0 : i32
    return %arg0, %c0_i32 : i32, i32
  }
  func.func @transform_2(%arg0: i32) -> (i32, i32) {
    %c0_i32 = arith.constant 0 : i32
    %c0_i32_0 = arith.constant 0 : i32
    %c0_i32_1 = arith.constant 0 : i32
    return %c0_i32, %c0_i32_0 : i32, i32
  }
  func.func @transform_3(%arg0: i32) -> (i32, i32) {
    %c0_i32 = arith.constant 0 : i32
    %c0_i32_0 = arith.constant 0 : i32
    %c0_i32_1 = arith.constant 0 : i32
    return %c0_i32, %c0_i32_0 : i32, i32
  }
  func.func @transform_4(%arg0: i32) -> (i32, i32) {
    %c0_i32 = arith.constant 0 : i32
    %c0_i32_0 = arith.constant 0 : i32
    %c0_i32_1 = arith.constant 0 : i32
    return %c0_i32, %c0_i32_0 : i32, i32
  }
  func.func @transform_5(%arg0: i32) -> (i32, i32) {
    %c0_i32 = arith.constant 0 : i32
    %c0_i32_0 = arith.constant 0 : i32
    return %arg0, %c0_i32 : i32, i32
  }
}

</mosaic_0001>

<sc_bundles>
// kernel: kernel.12.cloned.1.call-start
scs
__scs_entry_jumppad:
0x0: {  	(pc) =	sbr.rel $0x88, $3  }
0x1: {  	(tag) =	ssettag $0x0;
	lr =	simm.s32 $0x1  }
0x2: {  	[smem:$0x3F99] =	sst lr;
	_ =	strace $0xD0000000  }
0x3: {  	_ = 	snop  }
0x4: {  	_ = 	snop  }
0x5: {  	_ = 	snop  }
0x6: {  	_ = 	snop  }
0x7: {  	_ = 	snop  }
__scs_overlays_trampoline_lowered:
0x8: {  	[smem:$0x3FA8] =	sst s0  }
0x9: {  	[smem:$0x3FA9] =	sst s1  }
0xa: {  	[smem:$0x3FAA] =	sst s2  }
0xb: {  	[smem:$0x3FAB] =	sst s3  }
0xc: {  	[smem:$0x3FAC] =	sst s4  }
0xd: {  	[smem:$0x3FAD] =	sst s5  }
0xe: {  	[smem:$0x3FAE] =	sst s6  }
0xf: {  	[smem:$0x3FAF] =	sst s7  }
0x10: {  	[smem:$0x3FB0] =	sst s8  }
0x11: {  	[smem:$0x3FB1] =	sst s9;
	s0 =	simm.s32 @!p0 $0x0  }
0x12: {  	s1 =	sld [smem:$0x3F97];
	s0 =	simm.s32 @p0 $0x1  }
0x13: {  	[smem:$0x3FB2] =	sst s0;
	s0 =	simm.s32 @!p1 $0x0  }
0x14: {  	s2 =	sld [smem:$0x3F96];
	s0 =	simm.s32 @p1 $0x1  }
0x15: {  	[smem:$0x3FB3] =	sst s0;
	s0 =	simm.s32 @!p2 $0x0  }
0x16: {  	s3 =	sld [smem:$0x3FDB];
	s0 =	simm.s32 @p2 $0x1  }
0x17: {  	s4 =	simm.s32 $0x1BF5;
	[smem:$0x3FB5] =	sst s0  }
0x18: {  	s0 =	sld [smem:$0x3F98];
	_ =	swait.ge [sflag:s4], $0x0  }
0x19: {  	s7 =	sld [smem:$0x3F99]  }
0x1a: {  	s8 =	sadd.s32 $0xFFFFE003, lr  }
0x1b: {  	s9 =	sadd.s32 $0xFFFFFEF7, lr;
	s5 =	simm.s32 $0xFFFFFFFF;
	p2 =	slt.u32 s8, $0xFFFFF086  }
0x1c: {  	p1 =	slt.u32 s9, $0xF7A;
	s5 =	simm.s32 @!p2 $0x0  }
0x1d: {  	s5 =	simm.s32 @p1 $0x1;
	p0 =	seq.s32 s7, s2  }
0x1e: {  	s7 =	smul.u32 @!p0 $0xF7A, s2;
	p2 =	seq.s32 @!p0 s5, $0x0  }
0x1f: {  	s9 =	smul.u32 $0xF7A, s1;
	s8 =	simm.s32 @!p0 $0x1BF5;
	p2 =	por !p2, p0  }
0x20: {  	[sflag:s8] =	ssyncset.s32 @!p0 $0xFFFFF086;
	s6 =	sadd.s32 @!p0 s3, s7;
	s7 =	simm.s32 @!p0 $0x108  }
0x21: {  	s3 =	sadd.s32 s3, s9;
	s6 =	sadd.s32 @!p0 $0x88, s6;
	s7 =	simm.s32 @p2 $0x1082  }
0x22: {  	[simem:s7], [sflag:s8] =	dma.local @!p0 [hbm:s6], $0xF7A  }
0x23: {  	s9 =	sor.u32 $0xD0000000, s2;
	s6 =	simm.s32 $0x108;
	_ =	swait.ge @!p0 [sflag:s8], $0x0  }
0x24: {  	s3 =	sadd.s32 $0x88, s3;
	s6 =	simm.s32 @!p1 $0x1082;
	[sflag:s4] =	ssyncset.s32 $0xFFFFF086  }
0x25: {  	[simem:s6], [sflag:s4] =	dma.local [hbm:s3], $0xF7A  }
0x26: {  	[smem:$0x3F99] =	sst s1;
	(tag) =	ssettag s2;
	_ =	strace s9  }
0x27: {  	s1 =	sld [smem:$0x3FA9]  }
0x28: {  	s2 =	sld [smem:$0x3FAA]  }
0x29: {  	s4 =	sld [smem:$0x3FAC]  }
0x2a: {  	p0 =	seq.s32 s5, $0x0;
	s5 =	sld [smem:$0x3FAD]  }
0x2b: {  	s6 =	sld [smem:$0x3FAE]  }
0x2c: {  	s7 =	sld [smem:$0x3FAF]  }
0x2d: {  	s3 =	simm.s32 $0x108;
	s8 =	sld [smem:$0x3FB0]  }
0x2e: {  	s3 =	simm.s32 @!p0 $0x1082;
	s9 =	sld [smem:$0x3FB1]  }
0x2f: {  	lr =	sadd.s32 s0, s3;
	s0 =	sld [smem:$0x3FA8]  }
0x30: {  	s3 =	sld [smem:$0x3FAB]  }
0x31: {  	[smem:$0x3FB4] =	sst s10  }
0x32: {  	s10 =	sld [smem:$0x3FB2];
	_ =	sdelay $0x3  }
0x33: {  	p0 =	seq.s32 s10, $0x1;
	s10 =	sld [smem:$0x3FB4];
	_ =	sdelay $0x3  }
0x34: {  	[smem:$0x3FB4] =	sst s10  }
0x35: {  	s10 =	sld [smem:$0x3FB3];
	_ =	sdelay $0x3  }
0x36: {  	p1 =	seq.s32 s10, $0x1;
	s10 =	sld [smem:$0x3FB4];
	_ =	sdelay $0x3  }
0x37: {  	[smem:$0x3FB4] =	sst s10  }
0x38: {  	s10 =	sld [smem:$0x3FB5]  }
0x39: {  	_ = 	snop;
	(pc) =	sbr.ind lr, $3  }
0x3a: {  	_ = 	snop  }
0x3b: {  	_ = 	snop  }
0x3c: {  	p2 =	seq.s32 s10, $0x1;
	s10 =	sld [smem:$0x3FB4]  }
0x3d: {  	_ =	shalt  }
0x3e: {  	_ =	shalt  }
0x3f: {  	_ =	shalt  }
0x40: {  	_ =	shalt  }
0x41: {  	_ =	shalt  }
0x42: {  	_ =	shalt  }
0x43: {  	_ =	shalt  }
0x44: {  	_ =	shalt  }
0x45: {  	_ =	shalt  }
0x46: {  	_ =	shalt  }
0x47: {  	_ =	shalt  }
0x48: {  	_ =	shalt  }
0x49: {  	_ =	shalt  }
0x4a: {  	_ =	shalt  }
0x4b: {  	_ =	shalt  }
0x4c: {  	_ =	shalt  }
0x4d: {  	_ =	shalt  }
0x4e: {  	_ =	shalt  }
0x4f: {  	_ =	shalt  }
0x50: {  	_ =	shalt  }
0x51: {  	_ =	shalt  }
0x52: {  	_ =	shalt  }
0x53: {  	_ =	shalt  }
0x54: {  	_ =	shalt  }
0x55: {  	_ =	shalt  }
0x56: {  	_ =	shalt  }
0x57: {  	_ =	shalt  }
0x58: {  	_ =	shalt  }
0x59: {  	_ =	shalt  }
0x5a: {  	_ =	shalt  }
0x5b: {  	_ =	shalt  }
0x5c: {  	_ =	shalt  }
0x5d: {  	_ =	shalt  }
0x5e: {  	_ =	shalt  }
0x5f: {  	_ =	shalt  }
0x60: {  	_ =	shalt  }
0x61: {  	_ =	shalt  }
0x62: {  	_ =	shalt  }
0x63: {  	_ =	shalt  }
0x64: {  	_ =	shalt  }
0x65: {  	_ =	shalt  }
0x66: {  	_ =	shalt  }
0x67: {  	_ =	shalt  }
0x68: {  	_ =	shalt  }
0x69: {  	_ =	shalt  }
0x6a: {  	_ =	shalt  }
0x6b: {  	_ =	shalt  }
0x6c: {  	_ =	shalt  }
0x6d: {  	_ =	shalt  }
0x6e: {  	_ =	shalt  }
0x6f: {  	_ =	shalt  }
0x70: {  	_ =	shalt  }
0x71: {  	_ =	shalt  }
0x72: {  	_ =	shalt  }
0x73: {  	_ =	shalt  }
0x74: {  	_ =	shalt  }
0x75: {  	_ =	shalt  }
0x76: {  	_ =	shalt  }
0x77: {  	_ =	shalt  }
0x78: {  	_ =	shalt  }
0x79: {  	_ =	shalt  }
0x7a: {  	_ =	shalt  }
0x7b: {  	_ =	shalt  }
0x7c: {  	_ =	shalt  }
0x7d: {  	_ =	shalt  }
0x7e: {  	_ =	shalt  }
0x7f: {  	_ =	shalt  }
0x80: {  	_ =	shalt  }
0x81: {  	_ =	shalt  }
0x82: {  	_ =	shalt  }
0x83: {  	_ =	shalt  }
0x84: {  	_ =	shalt  }
0x85: {  	_ =	shalt  }
0x86: {  	_ =	shalt  }
0x87: {  	_ =	shalt  }
.Lfunc_end0:
.L_simem_size_0:
called_computation.1_lowered:
.L_overlay_start_0:
0x88: {  	s2 =	sld [smem:$0x3FD9]  }
0x89: {  	s3 =	sld [smem:$0x3FFE];
	_ =	sdelay $0x1  }
0x8a: {  	s1 =	srdreg.scid  }
0x8b: {  	s0 =	sand.u32 $0x1, s1  }
0x8c: {  	s16 =	sshll.u32 s0, $0xA;
	s2 =	sadd.s32 s3, s2  }
0x8d: {  	s2 =	sadd.s32 s2, s16  }
0x8e: {  	[smem:$0x3FC0] =	sst s2  }
0x8f: {  	_ = 	snop  }
0x90: {  	(tm) =	ssettm $0x1  }
0x91: {  	s17 =	sld [smem:$0x3FFB];
	_ =	sdelay $0x3  }
0x92: {  	_ =	strace s17  }
0x93: {  	s2 =	sld [smem:$0x3FFC];
	_ =	sdelay $0x3  }
0x94: {  	_ =	strace s2  }
0x95: {  	s2 =	sld [smem:$0x3FFD];
	_ =	sdelay $0x3  }
0x96: {  	_ =	strace s2  }
0x97: {  	_ =	strace $0x8FFFFFFF  }
0x98: {  	s18 =	sld [smem:$0x3FDB];
	_ =	sdelay $0x1  }
0x99: {  	s19 =	simm.s32 $_scs_section_size  }
0x9a: {  	s4 =	simm.s32 $_size__tile_overlayer_lowered;
	s5 =	simm.s32 $_tile_overlayer_lowered  }
0x9b: {  	s22 =	simm.s32 $0x1BFF;
	s21 =	sshll.u32 s5, $0x1;
	s2 =	sadd.s32 s19, s18  }
0x9c: {  	s6 =	simm.s32 $0x0;
	s20 =	sshll.u32 s4, $0x1;
	s4 =	sadd.s32 s21, s2  }
0x9d: {  	[timem:s6], [sflag:s22] =	dma.local [hbm:s4], s20  }
0x9e: {  	_ =	swait.ge [sflag:s22], s20  }
0x9f: {  	s3 =	ssub.s32 $0x0, s20;
	[sflag:s22] =	ssyncset.done $0x0  }
0xa0: {  	[sflag:s22] =	ssyncadd.s32 s3;
	_ =	sdelay $0x1  }
0xa1: {  	s23 =	simm.s32 $0x1B8B  }
0xa2: {  	_ =	swait.ge [sflag:s23], $0x1  }
0xa3: {  	[sflag:s23] =	ssyncset.done $0x0  }
0xa4: {  	s25 =	simm.s32 $0x1B8E;
	s24 =	sld [smem:$0x3FFE];
	[sflag:s23] =	ssyncadd.s32 $0xFFFFFFFF  }
0xa5: {  	s26 =	simm.s32 $execute0_lowered;
	[smem:$0x3FD2] =	sst s25  }
0xa6: {  	s4 =	sshll.u32 s26, $0x1;
	_ =	strace $0x80000049;
	[dreg:$0x1] =	wrdreg $0xFFFFFFFF  }
0xa7: {  	s28 =	simm.s32 $_size_execute0_lowered;
	s2 =	sadd.s32 s2, s4;
	[dreg:$0x0] =	wrdreg $0x0  }
0xa8: {  	s4 =	sshll.u32 s28, $0x1;
	[dreg:$0x2] =	wrdreg s2  }
0xa9: {  	[dreg:$0x3] =	wrdreg s4  }
0xaa: {  	[dreg:$0x4] =	wrdreg $0xC0  }
0xab: {  	_ =	task [dreg:s6], $0x5FFFF  }
0xac: {  	[dreg:$0x1] =	wrdreg $0xFFFFFFFF  }
0xad: {  	[dreg:$0x0] =	wrdreg $0x60  }
0xae: {  	[dreg:$0x2] =	wrdreg s24  }
0xaf: {  	[dreg:$0x3] =	wrdreg $0xC6200  }
0xb0: {  	[dreg:$0x4] =	wrdreg $0x9  }
0xb1: {  	_ =	task.clear_ibuf [dreg:s6], $0x5FFFF;
	_ =	strace $0x90000049  }
0xb2: {  	s29 =	simm.s32 $0x9;
	_ =	strace $0x8000004B  }
0xb3: {  	_ =	swait.ge [sflag:s29], $0x1  }
0xb4: {  	[sflag:s29] =	ssyncadd.s32 $0xFFFFFFFF  }
0xb5: {  	_ =	strace $0x9000004B  }
0xb6: {  	_ =	sfence  }
0xb7: {  	s30 =	sld [smem:$0x0];
	_ =	sdelay $0x2  }
0xb8: {  	s31 =	sshll.u32 s1, $0xD;
	s1 =	sshrl.u32 s1, $0x2  }
0xb9: {  	s3 =	sand.u32 $0x4000, s31;
	s1 =	sadd.s32 s1, s30  }
0xba: {  	s0 =	sor.u32 s3, s0;
	s1 =	sshll.u32 s1, $0x11  }
0xbb: {  	s0 =	sor.u32 s1, s0  }
0xbc: {  	s0 =	sadd.s32 $0x8F2B, s0  }
0xbd: {  	[sflag:s0] =	ssyncadd.remote.s32 $0x1  }
0xbe: {  	_ =	sfence.sel $0xFFFF  }
0xbf: {  	[dreg:$0x0] =	wrdreg $0xFFFFFFFF;
	(pc) =	sbr.abs _section_cstart, $3  }
0xc0: {  	[dreg:$0x1] =	wrdreg $0xFFFFFFFF  }
0xc1: {  	_ =	task.clear_ibuf [dreg:s6], $0x2FFFF;
	_ =	strace $0x9FFFFFFF  }
0xc2: {  	(tm) =	ssettm $0x7FFFFFFF  }
0xc3: {  	_ =	shalt  }
tec
execute0_lowered:
.L_overlay_start_1:
0x0: {  	(tag) =	ssettag $0x1  }
0x1: {  	s0 =	srdreg.scid  }
0x2: {  	s1 =	rddreg [dreg:$0x0];
	s11 =	stileid.u32  }
0x3: {  	s2 =	rddreg [dreg:$0x1];
	s3 =	simm.s32 $0x0;
	s10 =	simm.s32 $0xD  }
0x4: {  	s12 =	simm.s32 $0x28;
	s13 =	simm.s32 $0x4E20;
	s14 =	simm.s32 $0x6220  }
0x5: {  	s16 =	simm.s32 $0x7620;
	s18 =	simm.s32 $0x8A20;
	s20 =	simm.s32 $0x9E20  }
0x6: {  	s22 =	simm.s32 $0xB220;
	s28 =	simm.s32 $0x3;
	s29 =	simm.s32 $0x4  }
0x7: {  	s30 =	simm.s32 $0x5;
	s31 =	simm.s32 $0x6;
	s15 =	simm.s32 $0xA  }
0x8: {  	s17 =	simm.s32 $0xB;
	s19 =	simm.s32 $0xC;
	s5 =	smul.u32 $0x2710, s11  }
0x9: {  	s21 =	simm.s32 $0x0;
	s0 =	sand.u32 $0x1, s0;
	s6 =	smul.u32 $0x13900, s11  }
0xa: {  	[smem:$0x7FF] =	sst s3;
	s26 =	sshll.u32 s11, $0x6;
	s4 =	smul.u32 $0x27100, s0  }
0xb: {  	s11 =	simm.s32 $0x9;
	s7 =	smul.u32 $0x139000, s0;
	s0 =	ssub.s32 $0x2, s0  }
0xc: {  	_ =	strace $0x8000004A;
	s8 =	sshrl.u32 s6, $0x3;
	s9 =	sshrl.u32 s0, $0x1  }
0xd: {  	s24 =	sadd.s32 s6, s2;
	s5 =	sadd.s32 s5, s4;
	s4 =	sadd.s32 $0x15E00, s1  }
0xe: {  	s7 =	sadd.s32 s6, s7;
	s8 =	sadd.s32 s8, s1;
	s0 =	ssub.s32 s0, s9  }
0xf: {  	s24 =	sshrl.u32 s24, $0x3;
	s5 =	sshrl.u32 s5, $0x3;
	s7 =	sshrl.u32 s7, $0x3  }
0x10: {  	s25 =	sadd.s32 $0x3D000, s8;
	s9 =	smax.u32 s0, $0x1;
	s0 =	simm.s32 $0x8  }
0x11: {  	s5 =	sadd.s32 s5, s1;
	s1 =	sadd.s32 s7, s1;
	[dreg:$0x5] =	wrdreg s25  }
0x12: {  	s25 =	simm.s32 $0x1;
	s23 =	sadd.s32 $0xC000, s5;
	s5 =	sadd.s32 $0x2200, s5  }
0x13: {  	s8 =	sadd.s32 $0x64200, s1;
	s1 =	simm.s32 $0x7;
	[dreg:$0x3] =	wrdreg s23  }
0x14: {  	[dreg:$0x4] =	wrdreg s5;
	s23 =	sor.u32 $0x1C0D, s26;
	s26 =	simm.s32 $0x2  }
.LBB2_1:
0x15: {  	s5 =	rddreg [dreg:$0x3]  }
0x16: {  	[tilespmem:s3], [sflag:$0xD] =	stream.linear.gather [hbm4b:s5+s3], $0x2710, $0x38;
	[tilespmem:$0x1FF20] =	vst v63  }
0x17: {  	_ =	swait.ge [sflag:s10], $0x2710  }
0x18: {  	[sflag:s10] =	ssyncset.done $0x0  }
0x19: {  	s6 =	simm.s32 $0x2710;
	s7 =	rddreg [dreg:$0x4];
	[sflag:s10] =	ssyncadd.s32 $0xFFFFD8F0  }
0x1a: {  	[tilespmem:s6], [sflag:$0xD] =	stream.linear.gather [hbm4b:s7+s3], $0x2710, $0x38;
	[tilespmem:$0x1FF20] =	vst v63  }
0x1b: {  	_ =	swait.ge [sflag:s10], $0x2710  }
0x1c: {  	[sflag:s10] =	ssyncset.done $0x0  }
0x1d: {  	[sflag:s10] =	ssyncadd.s32 $0xFFFFD8F0  }
0x1e: {  	[tilespmem:s13], [sflag:$0x1] =	stream.indirect.gather [hbm4b:s4+s12], $0x80, s3, s12, $0xb8;
	[tilespmem:$0x1FF20] =	vst v63  }
0x1f: {  	_ = 	snop  }
0x20: {  	[tilespmem:s14], [sflag:$0x2] =	stream.indirect.gather [hbm4b:s4+s12], $0x80, s12, s12, $0xb8;
	[tilespmem:$0x1FF20] =	vst v63  }
0x21: {  	s6 =	simm.s32 $0x50  }
0x22: {  	[tilespmem:s16], [sflag:$0x3] =	stream.indirect.gather [hbm4b:s4+s12], $0x80, s6, s12, $0xb8;
	[tilespmem:$0x1FF20] =	vst v63  }
0x23: {  	s7 =	simm.s32 $0x78  }
0x24: {  	[tilespmem:s18], [sflag:$0x4] =	stream.indirect.gather [hbm4b:s4+s12], $0x80, s7, s12, $0xb8;
	[tilespmem:$0x1FF20] =	vst v63  }
0x25: {  	s6 =	simm.s32 $0xA0  }
0x26: {  	[tilespmem:s20], [sflag:$0x5] =	stream.indirect.gather [hbm4b:s4+s12], $0x80, s6, s12, $0xb8;
	[tilespmem:$0x1FF20] =	vst v63  }
0x27: {  	s7 =	simm.s32 $0xC8;
	s6 =	rddreg [dreg:$0x5]  }
0x28: {  	[tilespmem:s22], [sflag:$0x6] =	stream.indirect.gather [hbm4b:s4+s12], $0x80, s7, s12, $0xb8;
	[tilespmem:$0x1FF20] =	vst v63  }
0x29: {  	[spmem:s24], [sflag:s23] =	dma.local [hbm:s6], $0x2720  }
0x2a: {  	_ =	swait.ge [sflag:s10], $0x2720  }
0x2b: {  	[sflag:s10] =	ssyncset.done $0x0  }
0x2c: {  	[sflag:s10] =	ssyncadd.s32 $0xFFFFD8E0  }
0x2d: {  	[bflag:$0x0] =	sbarrier.arrive $0xFFFF  }
0x2e: {  	_ =	swait.ge [sflag:s25], $0x1400  }
0x2f: {  	[sflag:s25] =	ssyncset.done $0x0  }
0x30: {  	s7 =	simm.s32 $0x2710;
	[sflag:s25] =	ssyncadd.s32 $0xFFFFEC00  }
0x31: {  	[spmem:s2] =	stream.indirect.scatter.add.f32 [tilespmem:s13], [sflag:$0x7], $0x80, s7, s12, $0xb8;
	[tilespmem:$0x1FF20] =	vst v63  }
0x32: {  	_ =	swait.ge [sflag:s26], $0x1400  }
0x33: {  	[sflag:s26] =	ssyncset.done $0x0  }
0x34: {  	s6 =	simm.s32 $0x2738;
	[sflag:s26] =	ssyncadd.s32 $0xFFFFEC00  }
0x35: {  	[spmem:s2] =	stream.indirect.scatter.add.f32 [tilespmem:s14], [sflag:$0x8], $0x80, s6, s12, $0xb8;
	[tilespmem:$0x1FF20] =	vst v63  }
0x36: {  	_ =	swait.ge [sflag:s28], $0x1400  }
0x37: {  	[sflag:s28] =	ssyncset.done $0x0  }
0x38: {  	s7 =	simm.s32 $0x2760;
	[sflag:s28] =	ssyncadd.s32 $0xFFFFEC00  }
0x39: {  	[spmem:s2] =	stream.indirect.scatter.add.f32 [tilespmem:s16], [sflag:$0x9], $0x80, s7, s12, $0xb8;
	[tilespmem:$0x1FF20] =	vst v63  }
0x3a: {  	_ =	swait.ge [sflag:s29], $0x1400  }
0x3b: {  	[sflag:s29] =	ssyncset.done $0x0  }
0x3c: {  	s6 =	simm.s32 $0x2788;
	[sflag:s29] =	ssyncadd.s32 $0xFFFFEC00  }
0x3d: {  	[spmem:s2] =	stream.indirect.scatter.add.f32 [tilespmem:s18], [sflag:$0xA], $0x80, s6, s12, $0xb8;
	[tilespmem:$0x1FF20] =	vst v63  }
0x3e: {  	_ =	swait.ge [sflag:s30], $0x1400  }
0x3f: {  	[sflag:s30] =	ssyncset.done $0x0  }
0x40: {  	s7 =	simm.s32 $0x27B0;
	[sflag:s30] =	ssyncadd.s32 $0xFFFFEC00  }
0x41: {  	[spmem:s2] =	stream.indirect.scatter.add.f32 [tilespmem:s20], [sflag:$0xB], $0x80, s7, s12, $0xb8;
	[tilespmem:$0x1FF20] =	vst v63  }
0x42: {  	_ =	swait.ge [sflag:s31], $0x1400  }
0x43: {  	[sflag:s31] =	ssyncset.done $0x0  }
0x44: {  	s6 =	simm.s32 $0x27D8;
	[sflag:s31] =	ssyncadd.s32 $0xFFFFEC00  }
0x45: {  	[spmem:s2] =	stream.indirect.scatter.add.f32 [tilespmem:s22], [sflag:$0xC], $0x80, s6, s12, $0xb8;
	[tilespmem:$0x1FF20] =	vst v63  }
0x46: {  	_ =	swait.ge [sflag:s1], $0x1400  }
0x47: {  	[sflag:s1] =	ssyncset.done $0x0  }
0x48: {  	s7 =	simm.s32 $0xF0;
	[sflag:s1] =	ssyncadd.s32 $0xFFFFEC00  }
0x49: {  	[tilespmem:s13], [sflag:$0x1] =	stream.indirect.gather [hbm4b:s4+s12], $0x80, s7, s12, $0xb8;
	[tilespmem:$0x1FF20] =	vst v63  }
0x4a: {  	_ =	swait.ge [sflag:s0], $0x1400  }
0x4b: {  	[sflag:s0] =	ssyncset.done $0x0  }
0x4c: {  	s6 =	simm.s32 $0x118;
	[sflag:s0] =	ssyncadd.s32 $0xFFFFEC00  }
0x4d: {  	[tilespmem:s14], [sflag:$0x2] =	stream.indirect.gather [hbm4b:s4+s12], $0x80, s6, s12, $0xb8;
	[tilespmem:$0x1FF20] =	vst v63  }
0x4e: {  	_ =	swait.ge [sflag:s11], $0x1400  }
0x4f: {  	[sflag:s11] =	ssyncset.done $0x0  }
0x50: {  	s7 =	simm.s32 $0x140;
	[sflag:s11] =	ssyncadd.s32 $0xFFFFEC00  }
0x51: {  	[tilespmem:s16], [sflag:$0x3] =	stream.indirect.gather [hbm4b:s4+s12], $0x80, s7, s12, $0xb8;
	[tilespmem:$0x1FF20] =	vst v63  }
0x52: {  	_ =	swait.ge [sflag:s15], $0x1400  }
0x53: {  	[sflag:s15] =	ssyncset.done $0x0  }
0x54: {  	s6 =	simm.s32 $0x168;
	[sflag:s15] =	ssyncadd.s32 $0xFFFFEC00  }
0x55: {  	[tilespmem:s18], [sflag:$0x4] =	stream.indirect.gather [hbm4b:s4+s12], $0x80, s6, s12, $0xb8;
	[tilespmem:$0x1FF20] =	vst v63  }
0x56: {  	_ =	swait.ge [sflag:s17], $0x1400  }
0x57: {  	[sflag:s17] =	ssyncset.done $0x0  }
0x58: {  	s7 =	simm.s32 $0x190;
	[sflag:s17] =	ssyncadd.s32 $0xFFFFEC00  }
0x59: {  	[tilespmem:s20], [sflag:$0x5] =	stream.indirect.gather [hbm4b:s4+s12], $0x80, s7, s12, $0xb8;
	[tilespmem:$0x1FF20] =	vst v63  }
0x5a: {  	_ =	swait.ge [sflag:s19], $0x1400  }
0x5b: {  	[sflag:s19] =	ssyncset.done $0x0  }
0x5c: {  	s5 =	simm.s32 $0x3C0;
	s6 =	simm.s32 $0x1B8;
	[sflag:s19] =	ssyncadd.s32 $0xFFFFEC00  }
.LBB2_2:
0x5d: {  	[tilespmem:s22], [sflag:$0x6] =	stream.indirect.gather [hbm4b:s4+s12], $0x80, s6, s12, $0xb8;
	[tilespmem:$0x1FF20] =	vst v63  }
0x5e: {  	s6 =	smov.u32 s5;
	s5 =	sadd.s32 $0x3C0, s5;
	_ =	swait.ge [sflag:s25], $0x1400  }
0x5f: {  	s6 =	sshra.s32 s6, $0x2;
	p0 =	sne.s32 s5, $0x9600;
	[sflag:s25] =	ssyncset.done $0x0  }
0x60: {  	s7 =	sadd.s32 $0x2710, s6;
	[sflag:s25] =	ssyncadd.s32 $0xFFFFEC00  }
0x61: {  	[spmem:s2] =	stream.indirect.scatter.add.f32 [tilespmem:s13], [sflag:$0x7], $0x80, s7, s12, $0xb8;
	[tilespmem:$0x1FF20] =	vst v63  }
0x62: {  	_ =	swait.ge [sflag:s26], $0x1400  }
0x63: {  	[sflag:s26] =	ssyncset.done $0x0  }
0x64: {  	s7 =	sadd.s32 $0x2738, s6;
	[sflag:s26] =	ssyncadd.s32 $0xFFFFEC00  }
0x65: {  	[spmem:s2] =	stream.indirect.scatter.add.f32 [tilespmem:s14], [sflag:$0x8], $0x80, s7, s12, $0xb8;
	[tilespmem:$0x1FF20] =	vst v63  }
0x66: {  	_ =	swait.ge [sflag:s28], $0x1400  }
0x67: {  	[sflag:s28] =	ssyncset.done $0x0  }
0x68: {  	s7 =	sadd.s32 $0x2760, s6;
	[sflag:s28] =	ssyncadd.s32 $0xFFFFEC00  }
0x69: {  	[spmem:s2] =	stream.indirect.scatter.add.f32 [tilespmem:s16], [sflag:$0x9], $0x80, s7, s12, $0xb8;
	[tilespmem:$0x1FF20] =	vst v63  }
0x6a: {  	_ =	swait.ge [sflag:s29], $0x1400  }
0x6b: {  	[sflag:s29] =	ssyncset.done $0x0  }
0x6c: {  	s7 =	sadd.s32 $0x2788, s6;
	[sflag:s29] =	ssyncadd.s32 $0xFFFFEC00  }
0x6d: {  	[spmem:s2] =	stream.indirect.scatter.add.f32 [tilespmem:s18], [sflag:$0xA], $0x80, s7, s12, $0xb8;
	[tilespmem:$0x1FF20] =	vst v63  }
0x6e: {  	_ =	swait.ge [sflag:s30], $0x1400  }
0x6f: {  	[sflag:s30] =	ssyncset.done $0x0  }
0x70: {  	s7 =	sadd.s32 $0x27B0, s6;
	[sflag:s30] =	ssyncadd.s32 $0xFFFFEC00  }
0x71: {  	[spmem:s2] =	stream.indirect.scatter.add.f32 [tilespmem:s20], [sflag:$0xB], $0x80, s7, s12, $0xb8;
	[tilespmem:$0x1FF20] =	vst v63  }
0x72: {  	_ =	swait.ge [sflag:s31], $0x1400  }
0x73: {  	[sflag:s31] =	ssyncset.done $0x0  }
0x74: {  	s7 =	sadd.s32 $0x27D8, s6;
	[sflag:s31] =	ssyncadd.s32 $0xFFFFEC00  }
0x75: {  	[spmem:s2] =	stream.indirect.scatter.add.f32 [tilespmem:s22], [sflag:$0xC], $0x80, s7, s12, $0xb8;
	[tilespmem:$0x1FF20] =	vst v63  }
0x76: {  	_ =	swait.ge [sflag:s1], $0x1400  }
0x77: {  	[sflag:s1] =	ssyncset.done $0x0  }
0x78: {  	s7 =	sadd.s32 $0xF0, s6;
	[sflag:s1] =	ssyncadd.s32 $0xFFFFEC00  }
0x79: {  	[tilespmem:s13], [sflag:$0x1] =	stream.indirect.gather [hbm4b:s4+s12], $0x80, s7, s12, $0xb8;
	[tilespmem:$0x1FF20] =	vst v63  }
0x7a: {  	_ =	swait.ge [sflag:s0], $0x1400  }
0x7b: {  	[sflag:s0] =	ssyncset.done $0x0  }
0x7c: {  	s7 =	sadd.s32 $0x118, s6;
	[sflag:s0] =	ssyncadd.s32 $0xFFFFEC00  }
0x7d: {  	[tilespmem:s14], [sflag:$0x2] =	stream.indirect.gather [hbm4b:s4+s12], $0x80, s7, s12, $0xb8;
	[tilespmem:$0x1FF20] =	vst v63  }
0x7e: {  	_ =	swait.ge [sflag:s11], $0x1400  }
0x7f: {  	[sflag:s11] =	ssyncset.done $0x0  }
0x80: {  	s7 =	sadd.s32 $0x140, s6;
	[sflag:s11] =	ssyncadd.s32 $0xFFFFEC00  }
0x81: {  	[tilespmem:s16], [sflag:$0x3] =	stream.indirect.gather [hbm4b:s4+s12], $0x80, s7, s12, $0xb8;
	[tilespmem:$0x1FF20] =	vst v63  }
0x82: {  	_ =	swait.ge [sflag:s15], $0x1400  }
0x83: {  	[sflag:s15] =	ssyncset.done $0x0  }
0x84: {  	s7 =	sadd.s32 $0x168, s6;
	[sflag:s15] =	ssyncadd.s32 $0xFFFFEC00  }
0x85: {  	[tilespmem:s18], [sflag:$0x4] =	stream.indirect.gather [hbm4b:s4+s12], $0x80, s7, s12, $0xb8;
	[tilespmem:$0x1FF20] =	vst v63  }
0x86: {  	_ =	swait.ge [sflag:s17], $0x1400  }
0x87: {  	[sflag:s17] =	ssyncset.done $0x0  }
.Ltmp0:
0x88: {  	s7 =	sadd.s32 $0x190, s6;
	[sflag:s17] =	ssyncadd.s32 $0xFFFFEC00;
	(pc) =	sbr.rel @p0 .LBB2_2-.Ltmp0, $4  }
0x89: {  	[tilespmem:s20], [sflag:$0x5] =	stream.indirect.gather [hbm4b:s4+s12], $0x80, s7, s12, $0xb8;
	[tilespmem:$0x1FF20] =	vst v63  }
0x8a: {  	_ =	swait.ge [sflag:s19], $0x1400  }
0x8b: {  	[sflag:s19] =	ssyncset.done $0x0  }
0x8c: {  	s6 =	sadd.s32 $0x1B8, s6;
	[sflag:s19] =	ssyncadd.s32 $0xFFFFEC00  }
0x8d: {  	[tilespmem:s22], [sflag:$0x6] =	stream.indirect.gather [hbm4b:s4+s12], $0x80, s6, s12, $0xb8;
	[tilespmem:$0x1FF20] =	vst v63  }
0x8e: {  	_ =	swait.ge [sflag:s25], $0x1400  }
0x8f: {  	s5 =	sshra.s32 s5, $0x2;
	[sflag:s25] =	ssyncset.done $0x0  }
0x90: {  	s7 =	sadd.s32 $0x2710, s5;
	[sflag:s25] =	ssyncadd.s32 $0xFFFFEC00  }
0x91: {  	[spmem:s2] =	stream.indirect.scatter.add.f32 [tilespmem:s13], [sflag:$0x7], $0x80, s7, s12, $0xb8;
	[tilespmem:$0x1FF20] =	vst v63  }
0x92: {  	_ =	swait.ge [sflag:s26], $0x1400  }
0x93: {  	[sflag:s26] =	ssyncset.done $0x0  }
0x94: {  	s7 =	sadd.s32 $0x2738, s5;
	[sflag:s26] =	ssyncadd.s32 $0xFFFFEC00  }
0x95: {  	[spmem:s2] =	stream.indirect.scatter.add.f32 [tilespmem:s14], [sflag:$0x8], $0x80, s7, s12, $0xb8;
	[tilespmem:$0x1FF20] =	vst v63  }
0x96: {  	_ =	swait.ge [sflag:s28], $0x1400  }
0x97: {  	[sflag:s28] =	ssyncset.done $0x0  }
0x98: {  	s7 =	sadd.s32 $0x2760, s5;
	[sflag:s28] =	ssyncadd.s32 $0xFFFFEC00  }
0x99: {  	[spmem:s2] =	stream.indirect.scatter.add.f32 [tilespmem:s16], [sflag:$0x9], $0x80, s7, s12, $0xb8;
	[tilespmem:$0x1FF20] =	vst v63  }
0x9a: {  	_ =	swait.ge [sflag:s29], $0x1400  }
0x9b: {  	[sflag:s29] =	ssyncset.done $0x0  }
0x9c: {  	s7 =	sadd.s32 $0x2788, s5;
	[sflag:s29] =	ssyncadd.s32 $0xFFFFEC00  }
0x9d: {  	[spmem:s2] =	stream.indirect.scatter.add.f32 [tilespmem:s18], [sflag:$0xA], $0x80, s7, s12, $0xb8;
	[tilespmem:$0x1FF20] =	vst v63  }
0x9e: {  	_ =	swait.ge [sflag:s30], $0x1400  }
0x9f: {  	[sflag:s30] =	ssyncset.done $0x0  }
0xa0: {  	s7 =	sadd.s32 $0x27B0, s5;
	[sflag:s30] =	ssyncadd.s32 $0xFFFFEC00  }
0xa1: {  	[spmem:s2] =	stream.indirect.scatter.add.f32 [tilespmem:s20], [sflag:$0xB], $0x80, s7, s12, $0xb8;
	[tilespmem:$0x1FF20] =	vst v63  }
0xa2: {  	_ =	swait.ge [sflag:s31], $0x1400  }
0xa3: {  	[sflag:s31] =	ssyncset.done $0x0  }
0xa4: {  	s7 =	sadd.s32 $0x27D8, s5;
	[sflag:s31] =	ssyncadd.s32 $0xFFFFEC00  }
0xa5: {  	[spmem:s2] =	stream.indirect.scatter.add.f32 [tilespmem:s22], [sflag:$0xC], $0x80, s7, s12, $0xb8;
	[tilespmem:$0x1FF20] =	vst v63  }
0xa6: {  	_ =	swait.ge [sflag:s1], $0x1400  }
0xa7: {  	[sflag:s1] =	ssyncset.done $0x0  }
0xa8: {  	s7 =	sadd.s32 $0xF0, s5;
	[sflag:s1] =	ssyncadd.s32 $0xFFFFEC00  }
0xa9: {  	[tilespmem:s13], [sflag:$0x1] =	stream.indirect.gather [hbm4b:s4+s12], $0x80, s7, s12, $0xb8;
	[tilespmem:$0x1FF20] =	vst v63  }
0xaa: {  	_ =	swait.ge [sflag:s0], $0x1400  }
0xab: {  	[sflag:s0] =	ssyncset.done $0x0  }
0xac: {  	s7 =	sadd.s32 $0x118, s5;
	[sflag:s0] =	ssyncadd.s32 $0xFFFFEC00  }
0xad: {  	[tilespmem:s14], [sflag:$0x2] =	stream.indirect.gather [hbm4b:s4+s12], $0x80, s7, s12, $0xb8;
	[tilespmem:$0x1FF20] =	vst v63  }
0xae: {  	_ =	swait.ge [sflag:s11], $0x1400  }
0xaf: {  	[sflag:s11] =	ssyncset.done $0x0  }
0xb0: {  	s7 =	sadd.s32 $0x140, s5;
	[sflag:s11] =	ssyncadd.s32 $0xFFFFEC00  }
0xb1: {  	[tilespmem:s16], [sflag:$0x3] =	stream.indirect.gather [hbm4b:s4+s12], $0x80, s7, s12, $0xb8;
	[tilespmem:$0x1FF20] =	vst v63  }
0xb2: {  	_ =	swait.ge [sflag:s15], $0x1400  }
0xb3: {  	[sflag:s15] =	ssyncset.done $0x0  }
0xb4: {  	s5 =	sadd.s32 $0x168, s5;
	[sflag:s15] =	ssyncadd.s32 $0xFFFFEC00  }
0xb5: {  	[tilespmem:s18], [sflag:$0x4] =	stream.indirect.gather [hbm4b:s4+s12], $0x80, s5, s12, $0xb8;
	[tilespmem:$0x1FF20] =	vst v63  }
0xb6: {  	_ =	swait.ge [sflag:s17], $0x1400  }
0xb7: {  	[sflag:s17] =	ssyncset.done $0x0  }
0xb8: {  	[sflag:s17] =	ssyncadd.s32 $0xFFFFEC00  }
0xb9: {  	_ =	swait.ge [sflag:s19], $0x1400  }
0xba: {  	[sflag:s19] =	ssyncset.done $0x0  }
0xbb: {  	[sflag:s19] =	ssyncadd.s32 $0xFFFFEC00  }
0xbc: {  	_ =	swait.ge [sflag:s25], $0x1400  }
0xbd: {  	[sflag:s25] =	ssyncset.done $0x0  }
0xbe: {  	s6 =	simm.s32 $0x4D80;
	[sflag:s25] =	ssyncadd.s32 $0xFFFFEC00  }
0xbf: {  	[spmem:s2] =	stream.indirect.scatter.add.f32 [tilespmem:s13], [sflag:$0x7], $0x80, s6, s12, $0xb8;
	[tilespmem:$0x1FF20] =	vst v63  }
0xc0: {  	_ =	swait.ge [sflag:s26], $0x1400  }
0xc1: {  	[sflag:s26] =	ssyncset.done $0x0  }
0xc2: {  	s7 =	simm.s32 $0x4DA8;
	[sflag:s26] =	ssyncadd.s32 $0xFFFFEC00  }
0xc3: {  	[spmem:s2] =	stream.indirect.scatter.add.f32 [tilespmem:s14], [sflag:$0x8], $0x80, s7, s12, $0xb8;
	[tilespmem:$0x1FF20] =	vst v63  }
0xc4: {  	_ =	swait.ge [sflag:s28], $0x1400  }
0xc5: {  	[sflag:s28] =	ssyncset.done $0x0  }
0xc6: {  	s6 =	simm.s32 $0x4DD0;
	[sflag:s28] =	ssyncadd.s32 $0xFFFFEC00  }
0xc7: {  	[spmem:s2] =	stream.indirect.scatter.add.f32 [tilespmem:s16], [sflag:$0x9], $0x80, s6, s12, $0xb8;
	[tilespmem:$0x1FF20] =	vst v63  }
0xc8: {  	_ =	swait.ge [sflag:s29], $0x1400  }
0xc9: {  	[sflag:s29] =	ssyncset.done $0x0  }
0xca: {  	s7 =	simm.s32 $0x4DF8;
	[sflag:s29] =	ssyncadd.s32 $0xFFFFEC00  }
0xcb: {  	[spmem:s2] =	stream.indirect.scatter.add.f32 [tilespmem:s18], [sflag:$0xA], $0x80, s7, s12, $0xb8;
	[tilespmem:$0x1FF20] =	vst v63  }
0xcc: {  	_ =	swait.ge [sflag:s1], $0x1400  }
0xcd: {  	[sflag:s1] =	ssyncset.done $0x0  }
0xce: {  	[sflag:s1] =	ssyncadd.s32 $0xFFFFEC00  }
0xcf: {  	_ =	swait.ge [sflag:s0], $0x1400  }
0xd0: {  	[sflag:s0] =	ssyncset.done $0x0  }
0xd1: {  	[sflag:s0] =	ssyncadd.s32 $0xFFFFEC00  }
0xd2: {  	_ =	swait.ge [sflag:s11], $0x1400  }
0xd3: {  	[sflag:s11] =	ssyncset.done $0x0  }
0xd4: {  	[sflag:s11] =	ssyncadd.s32 $0xFFFFEC00  }
0xd5: {  	_ =	swait.ge [sflag:s15], $0x1400  }
0xd6: {  	s21 =	sadd.s32 $0x1, s21;
	[sflag:s15] =	ssyncset.done $0x0  }
0xd7: {  	p0 =	sne.s32 s21, s9;
	[sflag:s15] =	ssyncadd.s32 $0xFFFFEC00  }
.Ltmp1:
0xd8: {  	[bflag:$0x0] =	sbarrier.arrive $0xFFFF;
	(pc) =	sbr.rel @p0 .LBB2_1-.Ltmp1, $4  }
0xd9: {  	[hbm:s8], [sflag:s23] =	dma.local [spmem:s24], $0x2720  }
0xda: {  	_ =	swait.ge [sflag:s10], $0x2720  }
0xdb: {  	[sflag:s10] =	ssyncset.done $0x0  }
0xdc: {  	[sflag:s10] =	ssyncadd.s32 $0xFFFFD8E0  }
0xdd: {  	_ =	sfence.sel $0x180000  }
0xde: {  	[bflag:$0x0] =	sbarrier.arrive $0xFFFF  }
0xdf: {  	_ =	strace $0x9000004A  }
0xe0: {  	s0 =	stileid.u32;
	[bflag:$0x2] =	sbarrier.arrive $0xFFFF  }
0xe1: {  	p0 =	sne.s32 s0, $0x0;
	s0 =	rddreg [dreg:$0x2]  }
0xe2: {  	s0 =	sadd.s32 @!p0 $0x100000, s0  }
0xe3: {  	[sflag:s0] =	ssyncadd.tile.s32 @!p0 $0x1;
	_ =	shalt  }
.Lfunc_end2:
_tile_overlayer_lowered:
.L_overlay_start_2:
0xe4: {  	(tag) =	ssettag $0x2  }
0xe5: {  	s0 =	rddreg [dreg:$0x0];
	s2 =	stileid.u32  }
0xe6: {  	s1 =	rddreg [dreg:$0x1];
	p0 =	sne.s32 s2, $0x0  }
0xe7: {  	s3 =	rddreg [dreg:$0x2];
	[bflag:$0x3] =	sbarrier.arrive $0xFFFF;
	s2 =	simm.s32 @!p0 $0x1C0D  }
0xe8: {  	[timem:s3], [sflag:s2] =	dma.local @!p0 [hbm:s0], s1  }
0xe9: {  	s0 =	simm.s32 @!p0 $0xD  }
0xea: {  	_ =	swait.ge @!p0 [sflag:s0], s1  }
0xeb: {  	s1 =	ssub.s32 @!p0 $0x0, s1;
	[sflag:s0] =	ssyncset.done @!p0 $0x0  }
0xec: {  	[sflag:s0] =	ssyncadd.s32 @!p0 s1  }
0xed: {  	[bflag:$0x3] =	sbarrier.arrive $0xFFFF  }
0xee: {  	_ =	shalt  }

// kernel: kernel.15.cloned.1.call-start
scs
__scs_entry_jumppad:
0x0: {  	(pc) =	sbr.rel $0x88, $3  }
0x1: {  	(tag) =	ssettag $0x0;
	lr =	simm.s32 $0x1  }
0x2: {  	[smem:$0x3F99] =	sst lr;
	_ =	strace $0xD0000000  }
0x3: {  	_ = 	snop  }
0x4: {  	_ = 	snop  }
0x5: {  	_ = 	snop  }
0x6: {  	_ = 	snop  }
0x7: {  	_ = 	snop  }
__scs_overlays_trampoline_lowered:
0x8: {  	[smem:$0x3FA8] =	sst s0  }
0x9: {  	[smem:$0x3FA9] =	sst s1  }
0xa: {  	[smem:$0x3FAA] =	sst s2  }
0xb: {  	[smem:$0x3FAB] =	sst s3  }
0xc: {  	[smem:$0x3FAC] =	sst s4  }
0xd: {  	[smem:$0x3FAD] =	sst s5  }
0xe: {  	[smem:$0x3FAE] =	sst s6  }
0xf: {  	[smem:$0x3FAF] =	sst s7  }
0x10: {  	[smem:$0x3FB0] =	sst s8  }
0x11: {  	[smem:$0x3FB1] =	sst s9;
	s0 =	simm.s32 @!p0 $0x0  }
0x12: {  	s1 =	sld [smem:$0x3F97];
	s0 =	simm.s32 @p0 $0x1  }
0x13: {  	[smem:$0x3FB2] =	sst s0;
	s0 =	simm.s32 @!p1 $0x0  }
0x14: {  	s2 =	sld [smem:$0x3F96];
	s0 =	simm.s32 @p1 $0x1  }
0x15: {  	[smem:$0x3FB3] =	sst s0;
	s0 =	simm.s32 @!p2 $0x0  }
0x16: {  	s3 =	sld [smem:$0x3FDB];
	s0 =	simm.s32 @p2 $0x1  }
0x17: {  	s4 =	simm.s32 $0x1BF5;
	[smem:$0x3FB5] =	sst s0  }
0x18: {  	s0 =	sld [smem:$0x3F98];
	_ =	swait.ge [sflag:s4], $0x0  }
0x19: {  	s7 =	sld [smem:$0x3F99]  }
0x1a: {  	s8 =	sadd.s32 $0xFFFFE003, lr  }
0x1b: {  	s9 =	sadd.s32 $0xFFFFFEF7, lr;
	s5 =	simm.s32 $0xFFFFFFFF;
	p2 =	slt.u32 s8, $0xFFFFF086  }
0x1c: {  	p1 =	slt.u32 s9, $0xF7A;
	s5 =	simm.s32 @!p2 $0x0  }
0x1d: {  	s5 =	simm.s32 @p1 $0x1;
	p0 =	seq.s32 s7, s2  }
0x1e: {  	s7 =	smul.u32 @!p0 $0xF7A, s2;
	p2 =	seq.s32 @!p0 s5, $0x0  }
0x1f: {  	s9 =	smul.u32 $0xF7A, s1;
	s8 =	simm.s32 @!p0 $0x1BF5;
	p2 =	por !p2, p0  }
0x20: {  	[sflag:s8] =	ssyncset.s32 @!p0 $0xFFFFF086;
	s6 =	sadd.s32 @!p0 s3, s7;
	s7 =	simm.s32 @!p0 $0x108  }
0x21: {  	s3 =	sadd.s32 s3, s9;
	s6 =	sadd.s32 @!p0 $0x88, s6;
	s7 =	simm.s32 @p2 $0x1082  }
0x22: {  	[simem:s7], [sflag:s8] =	dma.local @!p0 [hbm:s6], $0xF7A  }
0x23: {  	s9 =	sor.u32 $0xD0000000, s2;
	s6 =	simm.s32 $0x108;
	_ =	swait.ge @!p0 [sflag:s8], $0x0  }
0x24: {  	s3 =	sadd.s32 $0x88, s3;
	s6 =	simm.s32 @!p1 $0x1082;
	[sflag:s4] =	ssyncset.s32 $0xFFFFF086  }
0x25: {  	[simem:s6], [sflag:s4] =	dma.local [hbm:s3], $0xF7A  }
0x26: {  	[smem:$0x3F99] =	sst s1;
	(tag) =	ssettag s2;
	_ =	strace s9  }
0x27: {  	s1 =	sld [smem:$0x3FA9]  }
0x28: {  	s2 =	sld [smem:$0x3FAA]  }
0x29: {  	s4 =	sld [smem:$0x3FAC]  }
0x2a: {  	p0 =	seq.s32 s5, $0x0;
	s5 =	sld [smem:$0x3FAD]  }
0x2b: {  	s6 =	sld [smem:$0x3FAE]  }
0x2c: {  	s7 =	sld [smem:$0x3FAF]  }
0x2d: {  	s3 =	simm.s32 $0x108;
	s8 =	sld [smem:$0x3FB0]  }
0x2e: {  	s3 =	simm.s32 @!p0 $0x1082;
	s9 =	sld [smem:$0x3FB1]  }
0x2f: {  	lr =	sadd.s32 s0, s3;
	s0 =	sld [smem:$0x3FA8]  }
0x30: {  	s3 =	sld [smem:$0x3FAB]  }
0x31: {  	[smem:$0x3FB4] =	sst s10  }
0x32: {  	s10 =	sld [smem:$0x3FB2];
	_ =	sdelay $0x3  }
0x33: {  	p0 =	seq.s32 s10, $0x1;
	s10 =	sld [smem:$0x3FB4];
	_ =	sdelay $0x3  }
0x34: {  	[smem:$0x3FB4] =	sst s10  }
0x35: {  	s10 =	sld [smem:$0x3FB3];
	_ =	sdelay $0x3  }
0x36: {  	p1 =	seq.s32 s10, $0x1;
	s10 =	sld [smem:$0x3FB4];
	_ =	sdelay $0x3  }
0x37: {  	[smem:$0x3FB4] =	sst s10  }
0x38: {  	s10 =	sld [smem:$0x3FB5]  }
0x39: {  	_ = 	snop;
	(pc) =	sbr.ind lr, $3  }
0x3a: {  	_ = 	snop  }
0x3b: {  	_ = 	snop  }
0x3c: {  	p2 =	seq.s32 s10, $0x1;
	s10 =	sld [smem:$0x3FB4]  }
0x3d: {  	_ =	shalt  }
0x3e: {  	_ =	shalt  }
0x3f: {  	_ =	shalt  }
0x40: {  	_ =	shalt  }
0x41: {  	_ =	shalt  }
0x42: {  	_ =	shalt  }
0x43: {  	_ =	shalt  }
0x44: {  	_ =	shalt  }
0x45: {  	_ =	shalt  }
0x46: {  	_ =	shalt  }
0x47: {  	_ =	shalt  }
0x48: {  	_ =	shalt  }
0x49: {  	_ =	shalt  }
0x4a: {  	_ =	shalt  }
0x4b: {  	_ =	shalt  }
0x4c: {  	_ =	shalt  }
0x4d: {  	_ =	shalt  }
0x4e: {  	_ =	shalt  }
0x4f: {  	_ =	shalt  }
0x50: {  	_ =	shalt  }
0x51: {  	_ =	shalt  }
0x52: {  	_ =	shalt  }
0x53: {  	_ =	shalt  }
0x54: {  	_ =	shalt  }
0x55: {  	_ =	shalt  }
0x56: {  	_ =	shalt  }
0x57: {  	_ =	shalt  }
0x58: {  	_ =	shalt  }
0x59: {  	_ =	shalt  }
0x5a: {  	_ =	shalt  }
0x5b: {  	_ =	shalt  }
0x5c: {  	_ =	shalt  }
0x5d: {  	_ =	shalt  }
0x5e: {  	_ =	shalt  }
0x5f: {  	_ =	shalt  }
0x60: {  	_ =	shalt  }
0x61: {  	_ =	shalt  }
0x62: {  	_ =	shalt  }
0x63: {  	_ =	shalt  }
0x64: {  	_ =	shalt  }
0x65: {  	_ =	shalt  }
0x66: {  	_ =	shalt  }
0x67: {  	_ =	shalt  }
0x68: {  	_ =	shalt  }
0x69: {  	_ =	shalt  }
0x6a: {  	_ =	shalt  }
0x6b: {  	_ =	shalt  }
0x6c: {  	_ =	shalt  }
0x6d: {  	_ =	shalt  }
0x6e: {  	_ =	shalt  }
0x6f: {  	_ =	shalt  }
0x70: {  	_ =	shalt  }
0x71: {  	_ =	shalt  }
0x72: {  	_ =	shalt  }
0x73: {  	_ =	shalt  }
0x74: {  	_ =	shalt  }
0x75: {  	_ =	shalt  }
0x76: {  	_ =	shalt  }
0x77: {  	_ =	shalt  }
0x78: {  	_ =	shalt  }
0x79: {  	_ =	shalt  }
0x7a: {  	_ =	shalt  }
0x7b: {  	_ =	shalt  }
0x7c: {  	_ =	shalt  }
0x7d: {  	_ =	shalt  }
0x7e: {  	_ =	shalt  }
0x7f: {  	_ =	shalt  }
0x80: {  	_ =	shalt  }
0x81: {  	_ =	shalt  }
0x82: {  	_ =	shalt  }
0x83: {  	_ =	shalt  }
0x84: {  	_ =	shalt  }
0x85: {  	_ =	shalt  }
0x86: {  	_ =	shalt  }
0x87: {  	_ =	shalt  }
.Lfunc_end0:
.L_simem_size_0:
called_computation.2_lowered:
.L_overlay_start_0:
0x88: {  	s2 =	sld [smem:$0x3FD9]  }
0x89: {  	s3 =	sld [smem:$0x3FFE];
	_ =	sdelay $0x1  }
0x8a: {  	s1 =	srdreg.scid  }
0x8b: {  	s0 =	sand.u32 $0x1, s1  }
0x8c: {  	s16 =	sshll.u32 s0, $0xA;
	s2 =	sadd.s32 s3, s2  }
0x8d: {  	s2 =	sadd.s32 s2, s16  }
0x8e: {  	[smem:$0x3FC0] =	sst s2  }
0x8f: {  	_ = 	snop  }
0x90: {  	(tm) =	ssettm $0x1  }
0x91: {  	s17 =	sld [smem:$0x3FFB];
	_ =	sdelay $0x3  }
0x92: {  	_ =	strace s17  }
0x93: {  	s2 =	sld [smem:$0x3FFC];
	_ =	sdelay $0x3  }
0x94: {  	_ =	strace s2  }
0x95: {  	s2 =	sld [smem:$0x3FFD];
	_ =	sdelay $0x3  }
0x96: {  	_ =	strace s2  }
0x97: {  	_ =	strace $0x8FFFFFFF  }
0x98: {  	s18 =	sld [smem:$0x3FDB];
	_ =	sdelay $0x1  }
0x99: {  	s19 =	simm.s32 $_scs_section_size  }
0x9a: {  	s4 =	simm.s32 $_size__tile_overlayer_lowered;
	s5 =	simm.s32 $_tile_overlayer_lowered  }
0x9b: {  	s22 =	simm.s32 $0x1BFF;
	s21 =	sshll.u32 s5, $0x1;
	s2 =	sadd.s32 s19, s18  }
0x9c: {  	s6 =	simm.s32 $0x0;
	s20 =	sshll.u32 s4, $0x1;
	s4 =	sadd.s32 s21, s2  }
0x9d: {  	[timem:s6], [sflag:s22] =	dma.local [hbm:s4], s20  }
0x9e: {  	_ =	swait.ge [sflag:s22], s20  }
0x9f: {  	s3 =	ssub.s32 $0x0, s20;
	[sflag:s22] =	ssyncset.done $0x0  }
0xa0: {  	[sflag:s22] =	ssyncadd.s32 s3;
	_ =	sdelay $0x1  }
0xa1: {  	s23 =	simm.s32 $0x1B8B  }
0xa2: {  	_ =	swait.ge [sflag:s23], $0x1  }
0xa3: {  	[sflag:s23] =	ssyncset.done $0x0  }
0xa4: {  	s25 =	simm.s32 $0x1B8E;
	s24 =	sld [smem:$0x3FFE];
	[sflag:s23] =	ssyncadd.s32 $0xFFFFFFFF  }
0xa5: {  	s26 =	simm.s32 $execute0_lowered;
	[smem:$0x3FD2] =	sst s25  }
0xa6: {  	s4 =	sshll.u32 s26, $0x1;
	_ =	strace $0x8000004C;
	[dreg:$0x1] =	wrdreg $0xFFFFFFFF  }
0xa7: {  	s28 =	simm.s32 $_size_execute0_lowered;
	s2 =	sadd.s32 s2, s4;
	[dreg:$0x0] =	wrdreg $0x0  }
0xa8: {  	s4 =	sshll.u32 s28, $0x1;
	[dreg:$0x2] =	wrdreg s2  }
0xa9: {  	[dreg:$0x3] =	wrdreg s4  }
0xaa: {  	[dreg:$0x4] =	wrdreg $0xC0  }
0xab: {  	_ =	task [dreg:s6], $0x5FFFF  }
0xac: {  	[dreg:$0x1] =	wrdreg $0xFFFFFFFF  }
0xad: {  	[dreg:$0x0] =	wrdreg $0x60  }
0xae: {  	[dreg:$0x2] =	wrdreg s24  }
0xaf: {  	[dreg:$0x3] =	wrdreg $0xC6200  }
0xb0: {  	[dreg:$0x4] =	wrdreg $0x9  }
0xb1: {  	_ =	task.clear_ibuf [dreg:s6], $0x5FFFF;
	_ =	strace $0x9000004C  }
0xb2: {  	s29 =	simm.s32 $0x9;
	_ =	strace $0x8000004E  }
0xb3: {  	_ =	swait.ge [sflag:s29], $0x1  }
0xb4: {  	[sflag:s29] =	ssyncadd.s32 $0xFFFFFFFF  }
0xb5: {  	_ =	strace $0x9000004E  }
0xb6: {  	_ =	sfence  }
0xb7: {  	s30 =	sld [smem:$0x0];
	_ =	sdelay $0x2  }
0xb8: {  	s31 =	sshll.u32 s1, $0xD;
	s1 =	sshrl.u32 s1, $0x2  }
0xb9: {  	s3 =	sand.u32 $0x4000, s31;
	s1 =	sadd.s32 s1, s30  }
0xba: {  	s0 =	sor.u32 s3, s0;
	s1 =	sshll.u32 s1, $0x11  }
0xbb: {  	s0 =	sor.u32 s1, s0  }
0xbc: {  	s0 =	sadd.s32 $0x8F2B, s0  }
0xbd: {  	[sflag:s0] =	ssyncadd.remote.s32 $0x1  }
0xbe: {  	_ =	sfence.sel $0xFFFF  }
0xbf: {  	[dreg:$0x0] =	wrdreg $0xFFFFFFFF;
	(pc) =	sbr.abs _section_cstart, $3  }
0xc0: {  	[dreg:$0x1] =	wrdreg $0xFFFFFFFF  }
0xc1: {  	_ =	task.clear_ibuf [dreg:s6], $0x2FFFF;
	_ =	strace $0x9FFFFFFF  }
0xc2: {  	(tm) =	ssettm $0x7FFFFFFF  }
0xc3: {  	_ =	shalt  }
tec
execute0_lowered:
.L_overlay_start_1:
0x0: {  	(tag) =	ssettag $0x1  }
0x1: {  	s0 =	srdreg.scid  }
0x2: {  	s1 =	rddreg [dreg:$0x0];
	s11 =	stileid.u32  }
0x3: {  	s2 =	rddreg [dreg:$0x1];
	s3 =	simm.s32 $0x0;
	s10 =	simm.s32 $0xD  }
0x4: {  	s12 =	simm.s32 $0x28;
	s13 =	simm.s32 $0x4E20;
	s14 =	simm.s32 $0x6220  }
0x5: {  	s16 =	simm.s32 $0x7620;
	s18 =	simm.s32 $0x8A20;
	s20 =	simm.s32 $0x9E20  }
0x6: {  	s22 =	simm.s32 $0xB220;
	s28 =	simm.s32 $0x3;
	s29 =	simm.s32 $0x4  }
0x7: {  	s30 =	simm.s32 $0x5;
	s31 =	simm.s32 $0x6;
	s15 =	simm.s32 $0xA  }
0x8: {  	s17 =	simm.s32 $0xB;
	s19 =	simm.s32 $0xC;
	s5 =	smul.u32 $0x2710, s11  }
0x9: {  	s21 =	simm.s32 $0x0;
	s0 =	sand.u32 $0x1, s0;
	s6 =	smul.u32 $0x13900, s11  }
0xa: {  	[smem:$0x7FF] =	sst s3;
	s26 =	sshll.u32 s11, $0x6;
	s4 =	smul.u32 $0x27100, s0  }
0xb: {  	s11 =	simm.s32 $0x9;
	s7 =	smul.u32 $0x139000, s0;
	s0 =	ssub.s32 $0x2, s0  }
0xc: {  	_ =	strace $0x8000004D;
	s8 =	sshrl.u32 s6, $0x3;
	s9 =	sshrl.u32 s0, $0x1  }
0xd: {  	s24 =	sadd.s32 s6, s2;
	s5 =	sadd.s32 s5, s4;
	s4 =	sadd.s32 $0x15E00, s1  }
0xe: {  	s7 =	sadd.s32 s6, s7;
	s8 =	sadd.s32 s8, s1;
	s0 =	ssub.s32 s0, s9  }
0xf: {  	s24 =	sshrl.u32 s24, $0x3;
	s5 =	sshrl.u32 s5, $0x3;
	s7 =	sshrl.u32 s7, $0x3  }
0x10: {  	s25 =	sadd.s32 $0x3D000, s8;
	s9 =	smax.u32 s0, $0x1;
	s0 =	simm.s32 $0x8  }
0x11: {  	s5 =	sadd.s32 s5, s1;
	s1 =	sadd.s32 s7, s1;
	[dreg:$0x5] =	wrdreg s25  }
0x12: {  	s25 =	simm.s32 $0x1;
	s23 =	sadd.s32 $0xC000, s5;
	s5 =	sadd.s32 $0x2200, s5  }
0x13: {  	s8 =	sadd.s32 $0x64200, s1;
	s1 =	simm.s32 $0x7;
	[dreg:$0x3] =	wrdreg s23  }
0x14: {  	[dreg:$0x4] =	wrdreg s5;
	s23 =	sor.u32 $0x1C0D, s26;
	s26 =	simm.s32 $0x2  }
.LBB2_1:
0x15: {  	s5 =	rddreg [dreg:$0x3]  }
0x16: {  	[tilespmem:s3], [sflag:$0xD] =	stream.linear.gather [hbm4b:s5+s3], $0x2710, $0x38;
	[tilespmem:$0x1FF20] =	vst v63  }
0x17: {  	_ =	swait.ge [sflag:s10], $0x2710  }
0x18: {  	[sflag:s10] =	ssyncset.done $0x0  }
0x19: {  	s6 =	simm.s32 $0x2710;
	s7 =	rddreg [dreg:$0x4];
	[sflag:s10] =	ssyncadd.s32 $0xFFFFD8F0  }
0x1a: {  	[tilespmem:s6], [sflag:$0xD] =	stream.linear.gather [hbm4b:s7+s3], $0x2710, $0x38;
	[tilespmem:$0x1FF20] =	vst v63  }
0x1b: {  	_ =	swait.ge [sflag:s10], $0x2710  }
0x1c: {  	[sflag:s10] =	ssyncset.done $0x0  }
0x1d: {  	[sflag:s10] =	ssyncadd.s32 $0xFFFFD8F0  }
0x1e: {  	[tilespmem:s13], [sflag:$0x1] =	stream.indirect.gather [hbm4b:s4+s12], $0x80, s3, s12, $0xb8;
	[tilespmem:$0x1FF20] =	vst v63  }
0x1f: {  	_ = 	snop  }
0x20: {  	[tilespmem:s14], [sflag:$0x2] =	stream.indirect.gather [hbm4b:s4+s12], $0x80, s12, s12, $0xb8;
	[tilespmem:$0x1FF20] =	vst v63  }
0x21: {  	s6 =	simm.s32 $0x50  }
0x22: {  	[tilespmem:s16], [sflag:$0x3] =	stream.indirect.gather [hbm4b:s4+s12], $0x80, s6, s12, $0xb8;
	[tilespmem:$0x1FF20] =	vst v63  }
0x23: {  	s7 =	simm.s32 $0x78  }
0x24: {  	[tilespmem:s18], [sflag:$0x4] =	stream.indirect.gather [hbm4b:s4+s12], $0x80, s7, s12, $0xb8;
	[tilespmem:$0x1FF20] =	vst v63  }
0x25: {  	s6 =	simm.s32 $0xA0  }
0x26: {  	[tilespmem:s20], [sflag:$0x5] =	stream.indirect.gather [hbm4b:s4+s12], $0x80, s6, s12, $0xb8;
	[tilespmem:$0x1FF20] =	vst v63  }
0x27: {  	s7 =	simm.s32 $0xC8;
	s6 =	rddreg [dreg:$0x5]  }
0x28: {  	[tilespmem:s22], [sflag:$0x6] =	stream.indirect.gather [hbm4b:s4+s12], $0x80, s7, s12, $0xb8;
	[tilespmem:$0x1FF20] =	vst v63  }
0x29: {  	[spmem:s24], [sflag:s23] =	dma.local [hbm:s6], $0x2720  }
0x2a: {  	_ =	swait.ge [sflag:s10], $0x2720  }
0x2b: {  	[sflag:s10] =	ssyncset.done $0x0  }
0x2c: {  	[sflag:s10] =	ssyncadd.s32 $0xFFFFD8E0  }
0x2d: {  	[bflag:$0x0] =	sbarrier.arrive $0xFFFF  }
0x2e: {  	_ =	swait.ge [sflag:s25], $0x1400  }
0x2f: {  	[sflag:s25] =	ssyncset.done $0x0  }
0x30: {  	s7 =	simm.s32 $0x2710;
	[sflag:s25] =	ssyncadd.s32 $0xFFFFEC00  }
0x31: {  	[spmem:s2] =	stream.indirect.scatter.add.f32 [tilespmem:s13], [sflag:$0x7], $0x80, s7, s12, $0xb8;
	[tilespmem:$0x1FF20] =	vst v63  }
0x32: {  	_ =	swait.ge [sflag:s26], $0x1400  }
0x33: {  	[sflag:s26] =	ssyncset.done $0x0  }
0x34: {  	s6 =	simm.s32 $0x2738;
	[sflag:s26] =	ssyncadd.s32 $0xFFFFEC00  }
0x35: {  	[spmem:s2] =	stream.indirect.scatter.add.f32 [tilespmem:s14], [sflag:$0x8], $0x80, s6, s12, $0xb8;
	[tilespmem:$0x1FF20] =	vst v63  }
0x36: {  	_ =	swait.ge [sflag:s28], $0x1400  }
0x37: {  	[sflag:s28] =	ssyncset.done $0x0  }
0x38: {  	s7 =	simm.s32 $0x2760;
	[sflag:s28] =	ssyncadd.s32 $0xFFFFEC00  }
0x39: {  	[spmem:s2] =	stream.indirect.scatter.add.f32 [tilespmem:s16], [sflag:$0x9], $0x80, s7, s12, $0xb8;
	[tilespmem:$0x1FF20] =	vst v63  }
0x3a: {  	_ =	swait.ge [sflag:s29], $0x1400  }
0x3b: {  	[sflag:s29] =	ssyncset.done $0x0  }
0x3c: {  	s6 =	simm.s32 $0x2788;
	[sflag:s29] =	ssyncadd.s32 $0xFFFFEC00  }
0x3d: {  	[spmem:s2] =	stream.indirect.scatter.add.f32 [tilespmem:s18], [sflag:$0xA], $0x80, s6, s12, $0xb8;
	[tilespmem:$0x1FF20] =	vst v63  }
0x3e: {  	_ =	swait.ge [sflag:s30], $0x1400  }
0x3f: {  	[sflag:s30] =	ssyncset.done $0x0  }
0x40: {  	s7 =	simm.s32 $0x27B0;
	[sflag:s30] =	ssyncadd.s32 $0xFFFFEC00  }
0x41: {  	[spmem:s2] =	stream.indirect.scatter.add.f32 [tilespmem:s20], [sflag:$0xB], $0x80, s7, s12, $0xb8;
	[tilespmem:$0x1FF20] =	vst v63  }
0x42: {  	_ =	swait.ge [sflag:s31], $0x1400  }
0x43: {  	[sflag:s31] =	ssyncset.done $0x0  }
0x44: {  	s6 =	simm.s32 $0x27D8;
	[sflag:s31] =	ssyncadd.s32 $0xFFFFEC00  }
0x45: {  	[spmem:s2] =	stream.indirect.scatter.add.f32 [tilespmem:s22], [sflag:$0xC], $0x80, s6, s12, $0xb8;
	[tilespmem:$0x1FF20] =	vst v63  }
0x46: {  	_ =	swait.ge [sflag:s1], $0x1400  }
0x47: {  	[sflag:s1] =	ssyncset.done $0x0  }
0x48: {  	s7 =	simm.s32 $0xF0;
	[sflag:s1] =	ssyncadd.s32 $0xFFFFEC00  }
0x49: {  	[tilespmem:s13], [sflag:$0x1] =	stream.indirect.gather [hbm4b:s4+s12], $0x80, s7, s12, $0xb8;
	[tilespmem:$0x1FF20] =	vst v63  }
0x4a: {  	_ =	swait.ge [sflag:s0], $0x1400  }
0x4b: {  	[sflag:s0] =	ssyncset.done $0x0  }
0x4c: {  	s6 =	simm.s32 $0x118;
	[sflag:s0] =	ssyncadd.s32 $0xFFFFEC00  }
0x4d: {  	[tilespmem:s14], [sflag:$0x2] =	stream.indirect.gather [hbm4b:s4+s12], $0x80, s6, s12, $0xb8;
	[tilespmem:$0x1FF20] =	vst v63  }
0x4e: {  	_ =	swait.ge [sflag:s11], $0x1400  }
0x4f: {  	[sflag:s11] =	ssyncset.done $0x0  }
0x50: {  	s7 =	simm.s32 $0x140;
	[sflag:s11] =	ssyncadd.s32 $0xFFFFEC00  }
0x51: {  	[tilespmem:s16], [sflag:$0x3] =	stream.indirect.gather [hbm4b:s4+s12], $0x80, s7, s12, $0xb8;
	[tilespmem:$0x1FF20] =	vst v63  }
0x52: {  	_ =	swait.ge [sflag:s15], $0x1400  }
0x53: {  	[sflag:s15] =	ssyncset.done $0x0  }
0x54: {  	s6 =	simm.s32 $0x168;
	[sflag:s15] =	ssyncadd.s32 $0xFFFFEC00  }
0x55: {  	[tilespmem:s18], [sflag:$0x4] =	stream.indirect.gather [hbm4b:s4+s12], $0x80, s6, s12, $0xb8;
	[tilespmem:$0x1FF20] =	vst v63  }
0x56: {  	_ =	swait.ge [sflag:s17], $0x1400  }
0x57: {  	[sflag:s17] =	ssyncset.done $0x0  }
0x58: {  	s7 =	simm.s32 $0x190;
	[sflag:s17] =	ssyncadd.s32 $0xFFFFEC00  }
0x59: {  	[tilespmem:s20], [sflag:$0x5] =	stream.indirect.gather [hbm4b:s4+s12], $0x80, s7, s12, $0xb8;
	[tilespmem:$0x1FF20] =	vst v63  }
0x5a: {  	_ =	swait.ge [sflag:s19], $0x1400  }
0x5b: {  	[sflag:s19] =	ssyncset.done $0x0  }
0x5c: {  	s5 =	simm.s32 $0x3C0;
	s6 =	simm.s32 $0x1B8;
	[sflag:s19] =	ssyncadd.s32 $0xFFFFEC00  }
.LBB2_2:
0x5d: {  	[tilespmem:s22], [sflag:$0x6] =	stream.indirect.gather [hbm4b:s4+s12], $0x80, s6, s12, $0xb8;
	[tilespmem:$0x1FF20] =	vst v63  }
0x5e: {  	s6 =	smov.u32 s5;
	s5 =	sadd.s32 $0x3C0, s5;
	_ =	swait.ge [sflag:s25], $0x1400  }
0x5f: {  	s6 =	sshra.s32 s6, $0x2;
	p0 =	sne.s32 s5, $0x9600;
	[sflag:s25] =	ssyncset.done $0x0  }
0x60: {  	s7 =	sadd.s32 $0x2710, s6;
	[sflag:s25] =	ssyncadd.s32 $0xFFFFEC00  }
0x61: {  	[spmem:s2] =	stream.indirect.scatter.add.f32 [tilespmem:s13], [sflag:$0x7], $0x80, s7, s12, $0xb8;
	[tilespmem:$0x1FF20] =	vst v63  }
0x62: {  	_ =	swait.ge [sflag:s26], $0x1400  }
0x63: {  	[sflag:s26] =	ssyncset.done $0x0  }
0x64: {  	s7 =	sadd.s32 $0x2738, s6;
	[sflag:s26] =	ssyncadd.s32 $0xFFFFEC00  }
0x65: {  	[spmem:s2] =	stream.indirect.scatter.add.f32 [tilespmem:s14], [sflag:$0x8], $0x80, s7, s12, $0xb8;
	[tilespmem:$0x1FF20] =	vst v63  }
0x66: {  	_ =	swait.ge [sflag:s28], $0x1400  }
0x67: {  	[sflag:s28] =	ssyncset.done $0x0  }
0x68: {  	s7 =	sadd.s32 $0x2760, s6;
	[sflag:s28] =	ssyncadd.s32 $0xFFFFEC00  }
0x69: {  	[spmem:s2] =	stream.indirect.scatter.add.f32 [tilespmem:s16], [sflag:$0x9], $0x80, s7, s12, $0xb8;
	[tilespmem:$0x1FF20] =	vst v63  }
0x6a: {  	_ =	swait.ge [sflag:s29], $0x1400  }
0x6b: {  	[sflag:s29] =	ssyncset.done $0x0  }
0x6c: {  	s7 =	sadd.s32 $0x2788, s6;
	[sflag:s29] =	ssyncadd.s32 $0xFFFFEC00  }
0x6d: {  	[spmem:s2] =	stream.indirect.scatter.add.f32 [tilespmem:s18], [sflag:$0xA], $0x80, s7, s12, $0xb8;
	[tilespmem:$0x1FF20] =	vst v63  }
0x6e: {  	_ =	swait.ge [sflag:s30], $0x1400  }
0x6f: {  	[sflag:s30] =	ssyncset.done $0x0  }
0x70: {  	s7 =	sadd.s32 $0x27B0, s6;
	[sflag:s30] =	ssyncadd.s32 $0xFFFFEC00  }
0x71: {  	[spmem:s2] =	stream.indirect.scatter.add.f32 [tilespmem:s20], [sflag:$0xB], $0x80, s7, s12, $0xb8;
	[tilespmem:$0x1FF20] =	vst v63  }
0x72: {  	_ =	swait.ge [sflag:s31], $0x1400  }
0x73: {  	[sflag:s31] =	ssyncset.done $0x0  }
0x74: {  	s7 =	sadd.s32 $0x27D8, s6;
	[sflag:s31] =	ssyncadd.s32 $0xFFFFEC00  }
0x75: {  	[spmem:s2] =	stream.indirect.scatter.add.f32 [tilespmem:s22], [sflag:$0xC], $0x80, s7, s12, $0xb8;
	[tilespmem:$0x1FF20] =	vst v63  }
0x76: {  	_ =	swait.ge [sflag:s1], $0x1400  }
0x77: {  	[sflag:s1] =	ssyncset.done $0x0  }
0x78: {  	s7 =	sadd.s32 $0xF0, s6;
	[sflag:s1] =	ssyncadd.s32 $0xFFFFEC00  }
0x79: {  	[tilespmem:s13], [sflag:$0x1] =	stream.indirect.gather [hbm4b:s4+s12], $0x80, s7, s12, $0xb8;
	[tilespmem:$0x1FF20] =	vst v63  }
0x7a: {  	_ =	swait.ge [sflag:s0], $0x1400  }
0x7b: {  	[sflag:s0] =	ssyncset.done $0x0  }
0x7c: {  	s7 =	sadd.s32 $0x118, s6;
	[sflag:s0] =	ssyncadd.s32 $0xFFFFEC00  }
0x7d: {  	[tilespmem:s14], [sflag:$0x2] =	stream.indirect.gather [hbm4b:s4+s12], $0x80, s7, s12, $0xb8;
	[tilespmem:$0x1FF20] =	vst v63  }
0x7e: {  	_ =	swait.ge [sflag:s11], $0x1400  }
0x7f: {  	[sflag:s11] =	ssyncset.done $0x0  }
0x80: {  	s7 =	sadd.s32 $0x140, s6;
	[sflag:s11] =	ssyncadd.s32 $0xFFFFEC00  }
0x81: {  	[tilespmem:s16], [sflag:$0x3] =	stream.indirect.gather [hbm4b:s4+s12], $0x80, s7, s12, $0xb8;
	[tilespmem:$0x1FF20] =	vst v63  }
0x82: {  	_ =	swait.ge [sflag:s15], $0x1400  }
0x83: {  	[sflag:s15] =	ssyncset.done $0x0  }
0x84: {  	s7 =	sadd.s32 $0x168, s6;
	[sflag:s15] =	ssyncadd.s32 $0xFFFFEC00  }
0x85: {  	[tilespmem:s18], [sflag:$0x4] =	stream.indirect.gather [hbm4b:s4+s12], $0x80, s7, s12, $0xb8;
	[tilespmem:$0x1FF20] =	vst v63  }
0x86: {  	_ =	swait.ge [sflag:s17], $0x1400  }
0x87: {  	[sflag:s17] =	ssyncset.done $0x0  }
.Ltmp0:
0x88: {  	s7 =	sadd.s32 $0x190, s6;
	[sflag:s17] =	ssyncadd.s32 $0xFFFFEC00;
	(pc) =	sbr.rel @p0 .LBB2_2-.Ltmp0, $4  }
0x89: {  	[tilespmem:s20], [sflag:$0x5] =	stream.indirect.gather [hbm4b:s4+s12], $0x80, s7, s12, $0xb8;
	[tilespmem:$0x1FF20] =	vst v63  }
0x8a: {  	_ =	swait.ge [sflag:s19], $0x1400  }
0x8b: {  	[sflag:s19] =	ssyncset.done $0x0  }
0x8c: {  	s6 =	sadd.s32 $0x1B8, s6;
	[sflag:s19] =	ssyncadd.s32 $0xFFFFEC00  }
0x8d: {  	[tilespmem:s22], [sflag:$0x6] =	stream.indirect.gather [hbm4b:s4+s12], $0x80, s6, s12, $0xb8;
	[tilespmem:$0x1FF20] =	vst v63  }
0x8e: {  	_ =	swait.ge [sflag:s25], $0x1400  }
0x8f: {  	s5 =	sshra.s32 s5, $0x2;
	[sflag:s25] =	ssyncset.done $0x0  }
0x90: {  	s7 =	sadd.s32 $0x2710, s5;
	[sflag:s25] =	ssyncadd.s32 $0xFFFFEC00  }
0x91: {  	[spmem:s2] =	stream.indirect.scatter.add.f32 [tilespmem:s13], [sflag:$0x7], $0x80, s7, s12, $0xb8;
	[tilespmem:$0x1FF20] =	vst v63  }
0x92: {  	_ =	swait.ge [sflag:s26], $0x1400  }
0x93: {  	[sflag:s26] =	ssyncset.done $0x0  }
0x94: {  	s7 =	sadd.s32 $0x2738, s5;
	[sflag:s26] =	ssyncadd.s32 $0xFFFFEC00  }
0x95: {  	[spmem:s2] =	stream.indirect.scatter.add.f32 [tilespmem:s14], [sflag:$0x8], $0x80, s7, s12, $0xb8;
	[tilespmem:$0x1FF20] =	vst v63  }
0x96: {  	_ =	swait.ge [sflag:s28], $0x1400  }
0x97: {  	[sflag:s28] =	ssyncset.done $0x0  }
0x98: {  	s7 =	sadd.s32 $0x2760, s5;
	[sflag:s28] =	ssyncadd.s32 $0xFFFFEC00  }
0x99: {  	[spmem:s2] =	stream.indirect.scatter.add.f32 [tilespmem:s16], [sflag:$0x9], $0x80, s7, s12, $0xb8;
	[tilespmem:$0x1FF20] =	vst v63  }
0x9a: {  	_ =	swait.ge [sflag:s29], $0x1400  }
0x9b: {  	[sflag:s29] =	ssyncset.done $0x0  }
0x9c: {  	s7 =	sadd.s32 $0x2788, s5;
	[sflag:s29] =	ssyncadd.s32 $0xFFFFEC00  }
0x9d: {  	[spmem:s2] =	stream.indirect.scatter.add.f32 [tilespmem:s18], [sflag:$0xA], $0x80, s7, s12, $0xb8;
	[tilespmem:$0x1FF20] =	vst v63  }
0x9e: {  	_ =	swait.ge [sflag:s30], $0x1400  }
0x9f: {  	[sflag:s30] =	ssyncset.done $0x0  }
0xa0: {  	s7 =	sadd.s32 $0x27B0, s5;
	[sflag:s30] =	ssyncadd.s32 $0xFFFFEC00  }
0xa1: {  	[spmem:s2] =	stream.indirect.scatter.add.f32 [tilespmem:s20], [sflag:$0xB], $0x80, s7, s12, $0xb8;
	[tilespmem:$0x1FF20] =	vst v63  }
0xa2: {  	_ =	swait.ge [sflag:s31], $0x1400  }
0xa3: {  	[sflag:s31] =	ssyncset.done $0x0  }
0xa4: {  	s7 =	sadd.s32 $0x27D8, s5;
	[sflag:s31] =	ssyncadd.s32 $0xFFFFEC00  }
0xa5: {  	[spmem:s2] =	stream.indirect.scatter.add.f32 [tilespmem:s22], [sflag:$0xC], $0x80, s7, s12, $0xb8;
	[tilespmem:$0x1FF20] =	vst v63  }
0xa6: {  	_ =	swait.ge [sflag:s1], $0x1400  }
0xa7: {  	[sflag:s1] =	ssyncset.done $0x0  }
0xa8: {  	s7 =	sadd.s32 $0xF0, s5;
	[sflag:s1] =	ssyncadd.s32 $0xFFFFEC00  }
0xa9: {  	[tilespmem:s13], [sflag:$0x1] =	stream.indirect.gather [hbm4b:s4+s12], $0x80, s7, s12, $0xb8;
	[tilespmem:$0x1FF20] =	vst v63  }
0xaa: {  	_ =	swait.ge [sflag:s0], $0x1400  }
0xab: {  	[sflag:s0] =	ssyncset.done $0x0  }
0xac: {  	s7 =	sadd.s32 $0x118, s5;
	[sflag:s0] =	ssyncadd.s32 $0xFFFFEC00  }
0xad: {  	[tilespmem:s14], [sflag:$0x2] =	stream.indirect.gather [hbm4b:s4+s12], $0x80, s7, s12, $0xb8;
	[tilespmem:$0x1FF20] =	vst v63  }
0xae: {  	_ =	swait.ge [sflag:s11], $0x1400  }
0xaf: {  	[sflag:s11] =	ssyncset.done $0x0  }
0xb0: {  	s7 =	sadd.s32 $0x140, s5;
	[sflag:s11] =	ssyncadd.s32 $0xFFFFEC00  }
0xb1: {  	[tilespmem:s16], [sflag:$0x3] =	stream.indirect.gather [hbm4b:s4+s12], $0x80, s7, s12, $0xb8;
	[tilespmem:$0x1FF20] =	vst v63  }
0xb2: {  	_ =	swait.ge [sflag:s15], $0x1400  }
0xb3: {  	[sflag:s15] =	ssyncset.done $0x0  }
0xb4: {  	s5 =	sadd.s32 $0x168, s5;
	[sflag:s15] =	ssyncadd.s32 $0xFFFFEC00  }
0xb5: {  	[tilespmem:s18], [sflag:$0x4] =	stream.indirect.gather [hbm4b:s4+s12], $0x80, s5, s12, $0xb8;
	[tilespmem:$0x1FF20] =	vst v63  }
0xb6: {  	_ =	swait.ge [sflag:s17], $0x1400  }
0xb7: {  	[sflag:s17] =	ssyncset.done $0x0  }
0xb8: {  	[sflag:s17] =	ssyncadd.s32 $0xFFFFEC00  }
0xb9: {  	_ =	swait.ge [sflag:s19], $0x1400  }
0xba: {  	[sflag:s19] =	ssyncset.done $0x0  }
0xbb: {  	[sflag:s19] =	ssyncadd.s32 $0xFFFFEC00  }
0xbc: {  	_ =	swait.ge [sflag:s25], $0x1400  }
0xbd: {  	[sflag:s25] =	ssyncset.done $0x0  }
0xbe: {  	s6 =	simm.s32 $0x4D80;
	[sflag:s25] =	ssyncadd.s32 $0xFFFFEC00  }
0xbf: {  	[spmem:s2] =	stream.indirect.scatter.add.f32 [tilespmem:s13], [sflag:$0x7], $0x80, s6, s12, $0xb8;
	[tilespmem:$0x1FF20] =	vst v63  }
0xc0: {  	_ =	swait.ge [sflag:s26], $0x1400  }
0xc1: {  	[sflag:s26] =	ssyncset.done $0x0  }
0xc2: {  	s7 =	simm.s32 $0x4DA8;
	[sflag:s26] =	ssyncadd.s32 $0xFFFFEC00  }
0xc3: {  	[spmem:s2] =	stream.indirect.scatter.add.f32 [tilespmem:s14], [sflag:$0x8], $0x80, s7, s12, $0xb8;
	[tilespmem:$0x1FF20] =	vst v63  }
0xc4: {  	_ =	swait.ge [sflag:s28], $0x1400  }
0xc5: {  	[sflag:s28] =	ssyncset.done $0x0  }
0xc6: {  	s6 =	simm.s32 $0x4DD0;
	[sflag:s28] =	ssyncadd.s32 $0xFFFFEC00  }
0xc7: {  	[spmem:s2] =	stream.indirect.scatter.add.f32 [tilespmem:s16], [sflag:$0x9], $0x80, s6, s12, $0xb8;
	[tilespmem:$0x1FF20] =	vst v63  }
0xc8: {  	_ =	swait.ge [sflag:s29], $0x1400  }
0xc9: {  	[sflag:s29] =	ssyncset.done $0x0  }
0xca: {  	s7 =	simm.s32 $0x4DF8;
	[sflag:s29] =	ssyncadd.s32 $0xFFFFEC00  }
0xcb: {  	[spmem:s2] =	stream.indirect.scatter.add.f32 [tilespmem:s18], [sflag:$0xA], $0x80, s7, s12, $0xb8;
	[tilespmem:$0x1FF20] =	vst v63  }
0xcc: {  	_ =	swait.ge [sflag:s1], $0x1400  }
0xcd: {  	[sflag:s1] =	ssyncset.done $0x0  }
0xce: {  	[sflag:s1] =	ssyncadd.s32 $0xFFFFEC00  }
0xcf: {  	_ =	swait.ge [sflag:s0], $0x1400  }
0xd0: {  	[sflag:s0] =	ssyncset.done $0x0  }
0xd1: {  	[sflag:s0] =	ssyncadd.s32 $0xFFFFEC00  }
0xd2: {  	_ =	swait.ge [sflag:s11], $0x1400  }
0xd3: {  	[sflag:s11] =	ssyncset.done $0x0  }
0xd4: {  	[sflag:s11] =	ssyncadd.s32 $0xFFFFEC00  }
0xd5: {  	_ =	swait.ge [sflag:s15], $0x1400  }
0xd6: {  	s21 =	sadd.s32 $0x1, s21;
	[sflag:s15] =	ssyncset.done $0x0  }
0xd7: {  	p0 =	sne.s32 s21, s9;
	[sflag:s15] =	ssyncadd.s32 $0xFFFFEC00  }
.Ltmp1:
0xd8: {  	[bflag:$0x0] =	sbarrier.arrive $0xFFFF;
	(pc) =	sbr.rel @p0 .LBB2_1-.Ltmp1, $4  }
0xd9: {  	[hbm:s8], [sflag:s23] =	dma.local [spmem:s24], $0x2720  }
0xda: {  	_ =	swait.ge [sflag:s10], $0x2720  }
0xdb: {  	[sflag:s10] =	ssyncset.done $0x0  }
0xdc: {  	[sflag:s10] =	ssyncadd.s32 $0xFFFFD8E0  }
0xdd: {  	_ =	sfence.sel $0x180000  }
0xde: {  	[bflag:$0x0] =	sbarrier.arrive $0xFFFF  }
0xdf: {  	_ =	strace $0x9000004D  }
0xe0: {  	s0 =	stileid.u32;
	[bflag:$0x2] =	sbarrier.arrive $0xFFFF  }
0xe1: {  	p0 =	sne.s32 s0, $0x0;
	s0 =	rddreg [dreg:$0x2]  }
0xe2: {  	s0 =	sadd.s32 @!p0 $0x100000, s0  }
0xe3: {  	[sflag:s0] =	ssyncadd.tile.s32 @!p0 $0x1;
	_ =	shalt  }
.Lfunc_end2:
_tile_overlayer_lowered:
.L_overlay_start_2:
0xe4: {  	(tag) =	ssettag $0x2  }
0xe5: {  	s0 =	rddreg [dreg:$0x0];
	s2 =	stileid.u32  }
0xe6: {  	s1 =	rddreg [dreg:$0x1];
	p0 =	sne.s32 s2, $0x0  }
0xe7: {  	s3 =	rddreg [dreg:$0x2];
	[bflag:$0x3] =	sbarrier.arrive $0xFFFF;
	s2 =	simm.s32 @!p0 $0x1C0D  }
0xe8: {  	[timem:s3], [sflag:s2] =	dma.local @!p0 [hbm:s0], s1  }
0xe9: {  	s0 =	simm.s32 @!p0 $0xD  }
0xea: {  	_ =	swait.ge @!p0 [sflag:s0], s1  }
0xeb: {  	s1 =	ssub.s32 @!p0 $0x0, s1;
	[sflag:s0] =	ssyncset.done @!p0 $0x0  }
0xec: {  	[sflag:s0] =	ssyncadd.s32 @!p0 s1  }
0xed: {  	[bflag:$0x3] =	sbarrier.arrive $0xFFFF  }
0xee: {  	_ =	shalt  }

// kernel: kernel.9.cloned.1.call-start
scs
__scs_entry_jumppad:
0x0: {  	(pc) =	sbr.rel $0x88, $3  }
0x1: {  	(tag) =	ssettag $0x0;
	lr =	simm.s32 $0x1  }
0x2: {  	[smem:$0x3F99] =	sst lr;
	_ =	strace $0xD0000000  }
0x3: {  	_ = 	snop  }
0x4: {  	_ = 	snop  }
0x5: {  	_ = 	snop  }
0x6: {  	_ = 	snop  }
0x7: {  	_ = 	snop  }
__scs_overlays_trampoline_lowered:
0x8: {  	[smem:$0x3FA8] =	sst s0  }
0x9: {  	[smem:$0x3FA9] =	sst s1  }
0xa: {  	[smem:$0x3FAA] =	sst s2  }
0xb: {  	[smem:$0x3FAB] =	sst s3  }
0xc: {  	[smem:$0x3FAC] =	sst s4  }
0xd: {  	[smem:$0x3FAD] =	sst s5  }
0xe: {  	[smem:$0x3FAE] =	sst s6  }
0xf: {  	[smem:$0x3FAF] =	sst s7  }
0x10: {  	[smem:$0x3FB0] =	sst s8  }
0x11: {  	[smem:$0x3FB1] =	sst s9;
	s0 =	simm.s32 @!p0 $0x0  }
0x12: {  	s1 =	sld [smem:$0x3F97];
	s0 =	simm.s32 @p0 $0x1  }
0x13: {  	[smem:$0x3FB2] =	sst s0;
	s0 =	simm.s32 @!p1 $0x0  }
0x14: {  	s2 =	sld [smem:$0x3F96];
	s0 =	simm.s32 @p1 $0x1  }
0x15: {  	[smem:$0x3FB3] =	sst s0;
	s0 =	simm.s32 @!p2 $0x0  }
0x16: {  	s3 =	sld [smem:$0x3FDB];
	s0 =	simm.s32 @p2 $0x1  }
0x17: {  	s4 =	simm.s32 $0x1BF5;
	[smem:$0x3FB5] =	sst s0  }
0x18: {  	s0 =	sld [smem:$0x3F98];
	_ =	swait.ge [sflag:s4], $0x0  }
0x19: {  	s7 =	sld [smem:$0x3F99]  }
0x1a: {  	s8 =	sadd.s32 $0xFFFFE003, lr  }
0x1b: {  	s9 =	sadd.s32 $0xFFFFFEF7, lr;
	s5 =	simm.s32 $0xFFFFFFFF;
	p2 =	slt.u32 s8, $0xFFFFF086  }
0x1c: {  	p1 =	slt.u32 s9, $0xF7A;
	s5 =	simm.s32 @!p2 $0x0  }
0x1d: {  	s5 =	simm.s32 @p1 $0x1;
	p0 =	seq.s32 s7, s2  }
0x1e: {  	s7 =	smul.u32 @!p0 $0xF7A, s2;
	p2 =	seq.s32 @!p0 s5, $0x0  }
0x1f: {  	s9 =	smul.u32 $0xF7A, s1;
	s8 =	simm.s32 @!p0 $0x1BF5;
	p2 =	por !p2, p0  }
0x20: {  	[sflag:s8] =	ssyncset.s32 @!p0 $0xFFFFF086;
	s6 =	sadd.s32 @!p0 s3, s7;
	s7 =	simm.s32 @!p0 $0x108  }
0x21: {  	s3 =	sadd.s32 s3, s9;
	s6 =	sadd.s32 @!p0 $0x88, s6;
	s7 =	simm.s32 @p2 $0x1082  }
0x22: {  	[simem:s7], [sflag:s8] =	dma.local @!p0 [hbm:s6], $0xF7A  }
0x23: {  	s9 =	sor.u32 $0xD0000000, s2;
	s6 =	simm.s32 $0x108;
	_ =	swait.ge @!p0 [sflag:s8], $0x0  }
0x24: {  	s3 =	sadd.s32 $0x88, s3;
	s6 =	simm.s32 @!p1 $0x1082;
	[sflag:s4] =	ssyncset.s32 $0xFFFFF086  }
0x25: {  	[simem:s6], [sflag:s4] =	dma.local [hbm:s3], $0xF7A  }
0x26: {  	[smem:$0x3F99] =	sst s1;
	(tag) =	ssettag s2;
	_ =	strace s9  }
0x27: {  	s1 =	sld [smem:$0x3FA9]  }
0x28: {  	s2 =	sld [smem:$0x3FAA]  }
0x29: {  	s4 =	sld [smem:$0x3FAC]  }
0x2a: {  	p0 =	seq.s32 s5, $0x0;
	s5 =	sld [smem:$0x3FAD]  }
0x2b: {  	s6 =	sld [smem:$0x3FAE]  }
0x2c: {  	s7 =	sld [smem:$0x3FAF]  }
0x2d: {  	s3 =	simm.s32 $0x108;
	s8 =	sld [smem:$0x3FB0]  }
0x2e: {  	s3 =	simm.s32 @!p0 $0x1082;
	s9 =	sld [smem:$0x3FB1]  }
0x2f: {  	lr =	sadd.s32 s0, s3;
	s0 =	sld [smem:$0x3FA8]  }
0x30: {  	s3 =	sld [smem:$0x3FAB]  }
0x31: {  	[smem:$0x3FB4] =	sst s10  }
0x32: {  	s10 =	sld [smem:$0x3FB2];
	_ =	sdelay $0x3  }
0x33: {  	p0 =	seq.s32 s10, $0x1;
	s10 =	sld [smem:$0x3FB4];
	_ =	sdelay $0x3  }
0x34: {  	[smem:$0x3FB4] =	sst s10  }
0x35: {  	s10 =	sld [smem:$0x3FB3];
	_ =	sdelay $0x3  }
0x36: {  	p1 =	seq.s32 s10, $0x1;
	s10 =	sld [smem:$0x3FB4];
	_ =	sdelay $0x3  }
0x37: {  	[smem:$0x3FB4] =	sst s10  }
0x38: {  	s10 =	sld [smem:$0x3FB5]  }
0x39: {  	_ = 	snop;
	(pc) =	sbr.ind lr, $3  }
0x3a: {  	_ = 	snop  }
0x3b: {  	_ = 	snop  }
0x3c: {  	p2 =	seq.s32 s10, $0x1;
	s10 =	sld [smem:$0x3FB4]  }
0x3d: {  	_ =	shalt  }
0x3e: {  	_ =	shalt  }
0x3f: {  	_ =	shalt  }
0x40: {  	_ =	shalt  }
0x41: {  	_ =	shalt  }
0x42: {  	_ =	shalt  }
0x43: {  	_ =	shalt  }
0x44: {  	_ =	shalt  }
0x45: {  	_ =	shalt  }
0x46: {  	_ =	shalt  }
0x47: {  	_ =	shalt  }
0x48: {  	_ =	shalt  }
0x49: {  	_ =	shalt  }
0x4a: {  	_ =	shalt  }
0x4b: {  	_ =	shalt  }
0x4c: {  	_ =	shalt  }
0x4d: {  	_ =	shalt  }
0x4e: {  	_ =	shalt  }
0x4f: {  	_ =	shalt  }
0x50: {  	_ =	shalt  }
0x51: {  	_ =	shalt  }
0x52: {  	_ =	shalt  }
0x53: {  	_ =	shalt  }
0x54: {  	_ =	shalt  }
0x55: {  	_ =	shalt  }
0x56: {  	_ =	shalt  }
0x57: {  	_ =	shalt  }
0x58: {  	_ =	shalt  }
0x59: {  	_ =	shalt  }
0x5a: {  	_ =	shalt  }
0x5b: {  	_ =	shalt  }
0x5c: {  	_ =	shalt  }
0x5d: {  	_ =	shalt  }
0x5e: {  	_ =	shalt  }
0x5f: {  	_ =	shalt  }
0x60: {  	_ =	shalt  }
0x61: {  	_ =	shalt  }
0x62: {  	_ =	shalt  }
0x63: {  	_ =	shalt  }
0x64: {  	_ =	shalt  }
0x65: {  	_ =	shalt  }
0x66: {  	_ =	shalt  }
0x67: {  	_ =	shalt  }
0x68: {  	_ =	shalt  }
0x69: {  	_ =	shalt  }
0x6a: {  	_ =	shalt  }
0x6b: {  	_ =	shalt  }
0x6c: {  	_ =	shalt  }
0x6d: {  	_ =	shalt  }
0x6e: {  	_ =	shalt  }
0x6f: {  	_ =	shalt  }
0x70: {  	_ =	shalt  }
0x71: {  	_ =	shalt  }
0x72: {  	_ =	shalt  }
0x73: {  	_ =	shalt  }
0x74: {  	_ =	shalt  }
0x75: {  	_ =	shalt  }
0x76: {  	_ =	shalt  }
0x77: {  	_ =	shalt  }
0x78: {  	_ =	shalt  }
0x79: {  	_ =	shalt  }
0x7a: {  	_ =	shalt  }
0x7b: {  	_ =	shalt  }
0x7c: {  	_ =	shalt  }
0x7d: {  	_ =	shalt  }
0x7e: {  	_ =	shalt  }
0x7f: {  	_ =	shalt  }
0x80: {  	_ =	shalt  }
0x81: {  	_ =	shalt  }
0x82: {  	_ =	shalt  }
0x83: {  	_ =	shalt  }
0x84: {  	_ =	shalt  }
0x85: {  	_ =	shalt  }
0x86: {  	_ =	shalt  }
0x87: {  	_ =	shalt  }
.Lfunc_end0:
.L_simem_size_0:
called_computation_lowered:
.L_overlay_start_0:
0x88: {  	s2 =	sld [smem:$0x3FD9]  }
0x89: {  	s3 =	sld [smem:$0x3FFE];
	_ =	sdelay $0x1  }
0x8a: {  	s1 =	srdreg.scid  }
0x8b: {  	s0 =	sand.u32 $0x1, s1  }
0x8c: {  	s17 =	sshll.u32 s0, $0xA;
	s2 =	sadd.s32 s3, s2  }
0x8d: {  	s2 =	sadd.s32 s2, s17  }
0x8e: {  	[smem:$0x3FC0] =	sst s2  }
0x8f: {  	_ = 	snop  }
0x90: {  	s2 =	sld [smem:$0x3FD0];
	(tm) =	ssettm $0x1  }
0x91: {  	s18 =	sld [smem:$0x3FFB];
	_ =	sdelay $0x3  }
0x92: {  	_ =	strace s18  }
0x93: {  	s3 =	sld [smem:$0x3FFC];
	_ =	sdelay $0x3  }
0x94: {  	_ =	strace s3  }
0x95: {  	s3 =	sld [smem:$0x3FFD];
	_ =	sdelay $0x3  }
0x96: {  	_ =	strace s3  }
0x97: {  	_ =	strace $0x8FFFFFFF  }
0x98: {  	s19 =	sld [smem:$0x3FDB];
	_ =	sdelay $0x1  }
0x99: {  	s4 =	simm.s32 $_scs_section_size  }
0x9a: {  	s5 =	simm.s32 $_size__tile_overlayer_lowered;
	s6 =	simm.s32 $_tile_overlayer_lowered  }
0x9b: {  	s22 =	simm.s32 $0x1BFF;
	s21 =	sshll.u32 s6, $0x1;
	s3 =	sadd.s32 s4, s19  }
0x9c: {  	s7 =	simm.s32 $0x0;
	s20 =	sshll.u32 s5, $0x1;
	s5 =	sadd.s32 s21, s3  }
0x9d: {  	[timem:s7], [sflag:s22] =	dma.local [hbm:s5], s20  }
0x9e: {  	_ =	swait.ge [sflag:s22], s20  }
0x9f: {  	s4 =	ssub.s32 $0x0, s20;
	[sflag:s22] =	ssyncset.done $0x0  }
0xa0: {  	[sflag:s22] =	ssyncadd.s32 s4;
	_ =	sdelay $0x1  }
0xa1: {  	s23 =	simm.s32 $0x1B8B  }
0xa2: {  	_ =	swait.ge [sflag:s23], $0x1  }
0xa3: {  	[sflag:s23] =	ssyncset.done $0x0  }
0xa4: {  	s25 =	simm.s32 $0x1B8E;
	s24 =	sld [smem:$0x3FFE];
	[sflag:s23] =	ssyncadd.s32 $0xFFFFFFFF  }
0xa5: {  	s26 =	simm.s32 $execute0_lowered;
	[smem:$0x3FD2] =	sst s25  }
0xa6: {  	s5 =	sshll.u32 s26, $0x1;
	_ =	strace $0x80000046;
	[dreg:$0x1] =	wrdreg $0xFFFFFFFF  }
0xa7: {  	s28 =	simm.s32 $_size_execute0_lowered;
	s3 =	sadd.s32 s3, s5;
	[dreg:$0x0] =	wrdreg $0x0  }
0xa8: {  	s5 =	sshll.u32 s28, $0x1;
	[dreg:$0x2] =	wrdreg s3  }
0xa9: {  	[dreg:$0x3] =	wrdreg s5  }
0xaa: {  	[dreg:$0x4] =	wrdreg $0xC0  }
0xab: {  	_ =	task [dreg:s7], $0x5FFFF  }
0xac: {  	[dreg:$0x1] =	wrdreg $0xFFFFFFFF  }
0xad: {  	[dreg:$0x0] =	wrdreg $0x60  }
0xae: {  	[dreg:$0x2] =	wrdreg s24  }
0xaf: {  	[dreg:$0x3] =	wrdreg s2  }
0xb0: {  	[dreg:$0x4] =	wrdreg $0x7A400  }
0xb1: {  	[dreg:$0x5] =	wrdreg $0xA1600  }
0xb2: {  	[dreg:$0x6] =	wrdreg $0x9  }
0xb3: {  	_ =	task.clear_ibuf [dreg:s7], $0x7FFFF;
	_ =	strace $0x90000046  }
0xb4: {  	s29 =	simm.s32 $0x9;
	_ =	strace $0x80000048  }
0xb5: {  	_ =	swait.ge [sflag:s29], $0x1  }
0xb6: {  	[sflag:s29] =	ssyncadd.s32 $0xFFFFFFFF  }
0xb7: {  	_ =	strace $0x90000048  }
0xb8: {  	_ =	sfence  }
0xb9: {  	s30 =	sld [smem:$0x0];
	_ =	sdelay $0x2  }
0xba: {  	s31 =	sshll.u32 s1, $0xD;
	s1 =	sshrl.u32 s1, $0x2  }
0xbb: {  	s3 =	sand.u32 $0x4000, s31;
	s1 =	sadd.s32 s1, s30  }
0xbc: {  	s0 =	sor.u32 s3, s0;
	s1 =	sshll.u32 s1, $0x11  }
0xbd: {  	s0 =	sor.u32 s1, s0  }
0xbe: {  	s0 =	sadd.s32 $0x8F2B, s0  }
0xbf: {  	[sflag:s0] =	ssyncadd.remote.s32 $0x1  }
0xc0: {  	_ =	sfence.sel $0xFFFF  }
0xc1: {  	[dreg:$0x0] =	wrdreg $0xFFFFFFFF;
	(pc) =	sbr.abs _section_cstart, $3  }
0xc2: {  	[dreg:$0x1] =	wrdreg $0xFFFFFFFF  }
0xc3: {  	_ =	task.clear_ibuf [dreg:s7], $0x2FFFF;
	_ =	strace $0x9FFFFFFF  }
0xc4: {  	(tm) =	ssettm $0x7FFFFFFF  }
0xc5: {  	_ =	shalt  }
tec
execute0_lowered:
.L_overlay_start_1:
0x0: {  	(tag) =	ssettag $0x1  }
0x1: {  	s5 =	rddreg [dreg:$0x0]  }
0x2: {  	s9 =	rddreg [dreg:$0x1]  }
0x3: {  	s2 =	rddreg [dreg:$0x2];
	s0 =	srdreg.scid  }
0x4: {  	s3 =	rddreg [dreg:$0x3];
	s1 =	stileid.u32;
	s4 =	simm.s32 $0x0  }
0x5: {  	s13 =	simm.s32 $0x2710;
	s14 =	simm.s32 $0x5320;
	s15 =	simm.s32 $0x50  }
0x6: {  	s16 =	simm.s32 $0x4E20;
	s17 =	simm.s32 $0x1;
	s8 =	smul.u32 $0x2710, s1  }
0x7: {  	s18 =	simm.s32 $0x0;
	s6 =	sand.u32 $0x1, s0;
	s10 =	smul.u32 $0x2720, s1  }
0x8: {  	s0 =	rddreg [dreg:$0x4];
	s7 =	smul.u32 $0x27100, s6;
	s30 =	ssub.s32 $0x2, s6  }
0x9: {  	[smem:$0x7FF] =	sst s4;
	s6 =	smul.u32 $0x4E400, s6;
	s11 =	sshrl.u32 s30, $0x1  }
0xa: {  	_ =	strace $0x80000047;
	s7 =	sadd.s32 s8, s7;
	s11 =	ssub.s32 s30, s11  }
0xb: {  	s31 =	sadd.s32 s10, s6;
	s8 =	sadd.s32 s10, s3;
	s7 =	sshrl.u32 s7, $0x3  }
0xc: {  	s12 =	sshrl.u32 s31, $0x3;
	s11 =	smax.u32 s11, $0x1;
	s7 =	sadd.s32 s7, s5  }
0xd: {  	s9 =	sadd.s32 s9, s12;
	s12 =	simm.s32 $0x2;
	s5 =	sadd.s32 $0xC000, s7  }
0xe: {  	v0 =	vimm.f32 $1.000000000e+00;
	v1 =	vimm.f32 $0.0e+00;
	s6 =	sadd.s32 $0x2200, s7;
	s7 =	sadd.s32 s10, s2;
	s10 =	sadd.s32 $0x4E40, s9  }
.LBB2_1:
0xf: {  	[tilespmem:s4], [sflag:$0x2] =	stream.linear.gather [hbm4b:s5+s4], $0x2710, $0x38;
	[tilespmem:$0xC880] =	vst v63  }
0x10: {  	_ =	swait.ge [sflag:s12], $0x2710  }
0x11: {  	[sflag:s12] =	ssyncset.done $0x0  }
0x12: {  	[sflag:s12] =	ssyncadd.s32 $0xFFFFD8F0  }
0x13: {  	[tilespmem:s13], [sflag:$0x2] =	stream.linear.gather [hbm4b:s6+s4], $0x2710, $0x38;
	[tilespmem:$0xC880] =	vst v63  }
0x14: {  	_ =	swait.ge [sflag:s12], $0x2710  }
0x15: {  	[sflag:s12] =	ssyncset.done $0x0  }
0x16: {  	s19 =	simm.s32 $0x0;
	[sflag:s12] =	ssyncadd.s32 $0xFFFFD8F0  }
.LBB2_2:
0x17: {  	p0 =	sne.s32 s19, $0x13C0  }
.Ltmp0:
0x18: {  	_ = 	snop;
	(pc) =	sbr.rel @p0 .LBB2_2-.Ltmp0, $3  }
0x19: {  	_ =	sdelay $0x1  }
0x1a: {  	s20 =	sshra.s32 s19, $0x2  }
0x1b: {  	s19 =	sadd.s32 $0x40, s19;
	[tilespmem:s20+$0x4E20] =	vst v0  }
0x1c: {  	s19 =	simm.s32 $0x40;
	s20 =	simm.s32 $0x0  }
.LBB2_4:
0x1d: {  	p0 =	sne.s32 s19, $0x9C40;
	[tilespmem:s20+$0x5320] =	vst v1;
	s20 =	smov.u32 s19;
	s19 =	sadd.s32 $0x40, s19  }
.Ltmp1:
0x1e: {  	(pc) =	sbr.rel @p0 .LBB2_4-.Ltmp1, $2  }
0x1f: {  	_ =	sdelay $0x2  }
0x20: {  	s20 =	sshra.s32 s20, $0x2  }
0x21: {  	[tilespmem:s20+$0x5320] =	vst v1  }
0x22: {  	[spmem:s7] =	stream.linear.scatter [tilespmem:s14], [sflag:$0x2], $0x2720, $0x38;
	[tilespmem:$0xC880] =	vst v63  }
0x23: {  	_ =	swait.ge [sflag:s12], $0x2720  }
0x24: {  	[sflag:s12] =	ssyncset.done $0x0  }
0x25: {  	[sflag:s12] =	ssyncadd.s32 $0xFFFFD8E0  }
0x26: {  	[spmem:s8] =	stream.linear.scatter [tilespmem:s14], [sflag:$0x2], $0x2720, $0x38;
	[tilespmem:$0xC880] =	vst v63  }
0x27: {  	_ =	swait.ge [sflag:s12], $0x2720  }
0x28: {  	[sflag:s12] =	ssyncset.done $0x0  }
0x29: {  	[sflag:s12] =	ssyncadd.s32 $0xFFFFD8E0  }
0x2a: {  	s19 =	simm.s32 $0x0;
	[bflag:$0x0] =	sbarrier.arrive $0xFFFF  }
0x2b: {  	[spmem:s2] =	stream.indirect.scatter.add.f32 [tilespmem:s16], [sflag:$0x1], $0x10, s19, s15, $0xb8;
	[tilespmem:$0xC880] =	vst v63  }
0x2c: {  	s20 =	simm.s32 $0x2710;
	s19 =	simm.s32 $0x140  }
.LBB2_6:
0x2d: {  	[spmem:s3] =	stream.indirect.scatter.add.f32 [tilespmem:s16], [sflag:$0x1], $0x10, s20, s15, $0xb8;
	[tilespmem:$0xC880] =	vst v63  }
0x2e: {  	s20 =	smov.u32 s19;
	p0 =	sne.s32 s19, $0x9B00  }
.Ltmp2:
0x2f: {  	s19 =	sadd.s32 $0x140, s19;
	(pc) =	sbr.rel @p0 .LBB2_6-.Ltmp2, $4  }
0x30: {  	_ = 	snop  }
0x31: {  	s20 =	sshra.s32 s20, $0x2  }
0x32: {  	[spmem:s2] =	stream.indirect.scatter.add.f32 [tilespmem:s16], [sflag:$0x1], $0x10, s20, s15, $0xb8;
	[tilespmem:$0xC880] =	vst v63  }
0x33: {  	s20 =	sadd.s32 $0x2710, s20  }
0x34: {  	[spmem:s3] =	stream.indirect.scatter.add.f32 [tilespmem:s16], [sflag:$0x1], $0x10, s20, s15, $0xb8;
	[tilespmem:$0xC880] =	vst v63  }
0x35: {  	_ =	swait.ge [sflag:s17], $0x500  }
0x36: {  	[sflag:s17] =	ssyncset.done $0x0  }
0x37: {  	[sflag:s17] =	ssyncadd.s32 $0xFFFFFB00  }
0x38: {  	_ =	swait.ge [sflag:s17], $0x500  }
0x39: {  	s19 =	simm.s32 $0x7C;
	[sflag:s17] =	ssyncset.done $0x0  }
.LBB2_8:
0x3a: {  	p0 =	sne.s32 s19, $0x1;
	s19 =	sadd.s32 $0xFFFFFFFF, s19;
	[sflag:s17] =	ssyncadd.s32 $0xFFFFFB00  }
.Ltmp3:
0x3b: {  	_ =	swait.ge [sflag:s17], $0x500;
	(pc) =	sbr.rel @p0 .LBB2_8-.Ltmp3, $4  }
0x3c: {  	[sflag:s17] =	ssyncset.done $0x0  }
0x3d: {  	[sflag:s17] =	ssyncadd.s32 $0xFFFFFB00  }
0x3e: {  	_ =	swait.ge [sflag:s17], $0x500  }
0x3f: {  	[sflag:s17] =	ssyncset.done $0x0  }
0x40: {  	[sflag:s17] =	ssyncadd.s32 $0xFFFFFB00;
	s19 =	sshll.u32 s1, $0x6  }
0x41: {  	s20 =	sshrl.u32 s7, $0x3;
	[bflag:$0x0] =	sbarrier.arrive $0xFFFF;
	s19 =	sor.u32 $0x1C02, s19  }
0x42: {  	[hbm:s9], [sflag:s19] =	dma.local [spmem:s20], $0x4E4  }
0x43: {  	s18 =	sadd.s32 $0x1, s18;
	_ =	swait.ge [sflag:s12], $0x4E4  }
0x44: {  	p0 =	sne.s32 s18, s11;
	[sflag:s12] =	ssyncset.done $0x0  }
.Ltmp4:
0x45: {  	s31 =	sshrl.u32 s8, $0x3;
	[sflag:s12] =	ssyncadd.s32 $0xFFFFFB1C;
	(pc) =	sbr.rel @p0 .LBB2_1-.Ltmp4, $4  }
0x46: {  	[hbm:s10], [sflag:s19] =	dma.local [spmem:s31], $0x4E4  }
0x47: {  	_ =	swait.ge [sflag:s12], $0x4E4  }
0x48: {  	[sflag:s12] =	ssyncset.done $0x0  }
0x49: {  	[sflag:s12] =	ssyncadd.s32 $0xFFFFFB1C  }
0x4a: {  	_ =	sfence.sel $0x180000  }
0x4b: {  	[bflag:$0x0] =	sbarrier.arrive $0xFFFF  }
0x4c: {  	p0 =	sne.s32 s1, $0x0;
	_ =	strace $0x90000047  }
0x4d: {  	s0 =	sadd.s32 @!p0 $0x100000, s0;
	[bflag:$0x2] =	sbarrier.arrive $0xFFFF  }
0x4e: {  	[sflag:s0] =	ssyncadd.tile.s32 @!p0 $0x1;
	_ =	shalt  }
.Lfunc_end2:
_tile_overlayer_lowered:
.L_overlay_start_2:
0x4f: {  	(tag) =	ssettag $0x2  }
0x50: {  	s0 =	rddreg [dreg:$0x0];
	s2 =	stileid.u32  }
0x51: {  	s1 =	rddreg [dreg:$0x1];
	p0 =	sne.s32 s2, $0x0  }
0x52: {  	s3 =	rddreg [dreg:$0x2];
	[bflag:$0x3] =	sbarrier.arrive $0xFFFF;
	s2 =	simm.s32 @!p0 $0x1C02  }
0x53: {  	[timem:s3], [sflag:s2] =	dma.local @!p0 [hbm:s0], s1  }
0x54: {  	s0 =	simm.s32 @!p0 $0x2  }
0x55: {  	_ =	swait.ge @!p0 [sflag:s0], s1  }
0x56: {  	s1 =	ssub.s32 @!p0 $0x0, s1;
	[sflag:s0] =	ssyncset.done @!p0 $0x0  }
0x57: {  	[sflag:s0] =	ssyncadd.s32 @!p0 s1  }
0x58: {  	[bflag:$0x3] =	sbarrier.arrive $0xFFFF  }
0x59: {  	_ =	shalt  }

</sc_bundles>
